<compile_context>
chip_gen: v7x
topology: tpu7x:2x2x1
jax: 0.10.2.dev20260603
libtpu: 0.0.44.dev20260713+nightly
codegen_flags: <defaults>
</compile_context>

<pallas_src>
import functools

import jax
import jax.numpy as jnp
from jax import lax
from jax.experimental import pallas as pl
from jax.experimental.pallas import tpu as pltpu
from jax.experimental.pallas import tpu_sc as plsc

N = 10000
E = 320000
F = 128
H = 2

NC = 2
NS = 16

G = 128
NG = E // G
GC = 16
NCH_FULL = NG // GC
NG_PAD = (NCH_FULL + 1) * GC

ROWS_A = 632
ROWS_B = N - 15 * ROWS_A


def _make_sc_scatter():
    mesh = plsc.VectorSubcoreMesh(core_axis_name="c", subcore_axis_name="s")

    @functools.partial(
        pl.kernel,
        out_type=jax.ShapeDtypeStruct((NC, N, F), jnp.float32),
        mesh=mesh,
        scratch_types=[
            pltpu.VMEM((GC, G), jnp.int32),
            [pltpu.VMEM((G, F), jnp.float32)] * 2,
            pltpu.VMEM_SHARED((N, F), jnp.float32),
            [pltpu.SemaphoreType.DMA] * 2,
        ],
    )
    def sc_scatter(idx_hbm, sv_hbm, zeros_hbm, out_hbm,
                   idx_buf, ubufs, acc, gsems):
        c = lax.axis_index("c")
        s = lax.axis_index("s")
        col = pl.multiple_of(c * F, F)
        r0 = pl.multiple_of(s * ROWS_A, 8)

        m0 = jnp.where(s < 12, 10 * s, 120 + 9 * (s - 12))
        nch = jnp.where(s < 12, 10, 9)
        g0 = m0 * GC
        ng = nch * GC

        def src_slice(flat):
            e0 = pl.multiple_of((g0 + flat) * G, 8)
            return sv_hbm.at[pl.ds(e0, G), pl.ds(col, F)]

        def gissue(flat, b):
            pltpu.async_copy(src_slice(flat), ubufs[b], gsems[b])

        def gwait(flat, b):
            pltpu.make_async_copy(src_slice(flat), ubufs[b], gsems[b]).wait()

        gissue(0, 0)
        gissue(1, 1)

        @pl.when(s < NS - 1)
        def _():
            pltpu.sync_copy(zeros_hbm, acc.at[pl.ds(r0, ROWS_A), :])

        @pl.when(s == NS - 1)
        def _():
            pltpu.sync_copy(zeros_hbm.at[pl.ds(0, ROWS_B), :],
                            acc.at[pl.ds(15 * ROWS_A, ROWS_B), :])

        plsc.subcore_barrier()

        def chunk_body(k, carry):
            gg = pl.multiple_of((m0 + k) * GC, 8)
            pltpu.sync_copy(idx_hbm.at[pl.ds(gg, GC), :], idx_buf)
            for j in range(GC):
                b = j % 2
                flat = k * GC + j
                gwait(flat, b)
                pltpu.sync_copy(ubufs[b], acc.at[idx_buf.at[j]], add=True)

                @pl.when(flat + 2 < ng)
                def _():
                    gissue(flat + 2, b)
            return carry

        lax.fori_loop(0, nch, chunk_body, 0)

        @pl.when(s == NS - 1)
        def _():
            gg = NCH_FULL * GC
            pltpu.sync_copy(idx_hbm.at[pl.ds(gg, GC), :], idx_buf)
            for j in range(NG - NCH_FULL * GC):
                e0 = (gg + j) * G
                pltpu.sync_copy(sv_hbm.at[pl.ds(e0, G), pl.ds(col, F)],
                                ubufs[0])
                pltpu.sync_copy(ubufs[0], acc.at[idx_buf.at[j]], add=True)

        plsc.subcore_barrier()

        @pl.when(s < NS - 1)
        def _():
            pltpu.sync_copy(acc.at[pl.ds(r0, ROWS_A), :],
                            out_hbm.at[c, pl.ds(r0, ROWS_A), :])

        @pl.when(s == NS - 1)
        def _():
            pltpu.sync_copy(acc.at[pl.ds(15 * ROWS_A, ROWS_B), :],
                            out_hbm.at[c, pl.ds(15 * ROWS_A, ROWS_B), :])

    return sc_scatter


_sc_scatter = _make_sc_scatter()


def _mm_body(xp_ref, x_ref, w_ref, b_ref, o_ref):
    o_ref[...] = (
        x_ref[...]
        + b_ref[...]
        + jnp.dot(xp_ref[0], w_ref[0], preferred_element_type=jnp.float32)
        + jnp.dot(xp_ref[1], w_ref[1], preferred_element_type=jnp.float32)
    )


def _tc_dense(xp, x_i, W2, b2):
    BN = 2000
    grid = (N // BN,)
    return pl.pallas_call(
        _mm_body,
        grid=grid,
        in_specs=[
            pl.BlockSpec((H, BN, F), lambda i: (0, i, 0)),
            pl.BlockSpec((BN, F), lambda i: (i, 0)),
            pl.BlockSpec((H, F, F), lambda i: (0, 0, 0)),
            pl.BlockSpec((1, F), lambda i: (0, 0)),
        ],
        out_specs=pl.BlockSpec((BN, F), lambda i: (i, 0)),
        out_shape=jax.ShapeDtypeStruct((N, F), jnp.float32),
    )(xp, x_i, W2, b2)


def kernel(nbrs, x_i, scaled_v, W, b):
    idx2d = nbrs[:, 0].astype(jnp.int32).reshape(NG, G)
    idx2d = jnp.pad(idx2d, ((0, NG_PAD - NG), (0, 0)))
    zeros = jnp.zeros((ROWS_A, F), jnp.float32)
    xp = _sc_scatter(idx2d, scaled_v, zeros)
    return _tc_dense(xp, x_i, W.reshape(H, F, F), b.reshape(1, F))

# --- scband reference (transcript-rebuilt; emitter-appended) ---
"""Pipeline reference for scband-update-block-13005160972653 (READ-ONLY COPY).

The authoritative reference and input builder live on the scoring server;
editing this copy changes nothing except your own understanding.
"""

import jax, jax.numpy as jnp
import numpy as np

N = 10000
E = 320000
H = 2
F = 128


def setup_inputs(seed: int = 0) -> dict:
    key = jax.random.key(seed)
    k1, k2, k3, k4, k5 = jax.random.split(key, 5)
    nbrs = jax.random.randint(k1, (E, 2), 0, N)
    x_i = jax.random.normal(k2, (N, F), dtype=jnp.float32)
    scaled_v = jax.random.normal(k3, (E, H * F), dtype=jnp.float32)
    W = jax.random.normal(k4, (H * F, F), dtype=jnp.float32) * (1.0 / np.sqrt(H * F))
    b = jnp.zeros((F,), dtype=jnp.float32)
    return {"nbrs": nbrs, "x_i": x_i, "scaled_v": scaled_v, "W": W, "b": b}


def reference(nbrs, x_i, scaled_v, W, b):
    # scatter_add(src=scaled_v, index=nbrs[:,0], dim=0, dim_size=N)
    x_i_prime = jax.ops.segment_sum(scaled_v, nbrs[:, 0], num_segments=x_i.shape[0])
    # concat_dense: Linear(H*F -> F) with bias, no activation (dropout=0.0)
    out = x_i + (x_i_prime @ W + b)
    return out

if __name__ == "__main__":
    import jax
    _d = setup_inputs()
    print(jax.jit(kernel)(*tuple(_d.values())))

</pallas_src>

<mosaic_0001>
#map = affine_map<(d0, d1) -> (0, 0)>
#map1 = affine_map<(d0, d1) -> (0, 0, 0)>
module attributes {stable_mosaic.version = 14 : i64} {
  func.func @sc_scatter(%arg0: i32, %arg1: i32, %arg2: memref<2512x128xi32, #tpu.memory_space<hbm>>, %arg3: memref<320000x256xf32, #tpu.memory_space<hbm>>, %arg4: memref<632x128xf32, #tpu.memory_space<hbm>>, %arg5: memref<2x10000x128xf32, #tpu.memory_space<hbm>>, %arg6: memref<16x128xi32, #tpu.memory_space<vmem>>, %arg7: memref<128x128xf32, #tpu.memory_space<vmem>>, %arg8: memref<128x128xf32, #tpu.memory_space<vmem>>, %arg9: memref<10000x128xf32, #tpu.memory_space<vmem_shared>>, %arg10: memref<!tpu.dma_semaphore, #tpu.memory_space<semaphore_mem>>, %arg11: memref<!tpu.dma_semaphore, #tpu.memory_space<semaphore_mem>>) attributes {dimension_semantics = [#tpu.dimension_semantics<core_parallel>, #tpu.dimension_semantics<subcore_parallel>], iteration_bounds = array<i64: 2, 16>, scalar_prefetch = 0 : i64, scratch_operands = 6 : i64, tpu.core_type = #tpu.core_type<sc_vector_subcore>, window_params = [{transform_indices = #map}, {transform_indices = #map}, {transform_indices = #map}, {transform_indices = #map1}]} {
    %mul3A = arith.constant 128 : i32
    %mul3A_0 = arith.muli %arg0, %mul3A : i32
    %multiple_of3A = tpu.assume_multiple %mul3A_0, 128 : i32
    %mul3A_1 = arith.constant 632 : i32
    %mul3A_2 = arith.muli %arg1, %mul3A_1 : i32
    %multiple_of3A_3 = tpu.assume_multiple %mul3A_2, 8 : i32
    %lt3A = arith.constant 12 : i32
    %lt3A_4 = arith.cmpi slt, %arg1, %lt3A : i32
    %mul3A_5 = arith.constant 10 : i32
    %mul3A_6 = arith.muli %mul3A_5, %arg1 : i32
    %sub3A = arith.constant 12 : i32
    %sub3A_7 = arith.subi %arg1, %sub3A : i32
    %mul3A_8 = arith.constant 9 : i32
    %mul3A_9 = arith.muli %mul3A_8, %sub3A_7 : i32
    %add3A = arith.constant 120 : i32
    %add3A_10 = arith.addi %add3A, %mul3A_9 : i32
    %select_n3A = arith.select %lt3A_4, %mul3A_6, %add3A_10 : i32
    %lt3A_11 = arith.constant 12 : i32
    %lt3A_12 = arith.cmpi slt, %arg1, %lt3A_11 : i32
    %jit3A = arith.constant 10 : i32
    %jit3A_13 = arith.constant 9 : i32
    %select_n3A_14 = arith.select %lt3A_12, %jit3A, %jit3A_13 : i32
    %mul3A_15 = arith.constant 16 : i32
    %mul3A_16 = arith.muli %select_n3A, %mul3A_15 : i32
    %mul3A_17 = arith.constant 16 : i32
    %mul3A_18 = arith.muli %select_n3A_14, %mul3A_17 : i32
    %add3A_19 = arith.constant 0 : i32
    %add3A_20 = arith.addi %mul3A_16, %add3A_19 : i32
    %mul3A_21 = arith.constant 128 : i32
    %mul3A_22 = arith.muli %add3A_20, %mul3A_21 : i32
    %multiple_of3A_23 = tpu.assume_multiple %mul3A_22, 8 : i32
    %dma_start3A = tpu.memref_slice %arg3[%multiple_of3A_23, %multiple_of3A] : memref<320000x256xf32, #tpu.memory_space<hbm>> -> memref<128x128xf32, #tpu.memory_space<hbm>>
    %dma_start3A_24 = tpu.memref_slice %arg3[%multiple_of3A_23, %multiple_of3A] : memref<320000x256xf32, #tpu.memory_space<hbm>> -> memref<128x128xf32, #tpu.memory_space<hbm>>
    tpu.enqueue_dma source(%dma_start3A_24 : memref<128x128xf32, #tpu.memory_space<hbm>>) target(%arg7 : memref<128x128xf32, #tpu.memory_space<vmem>>) target_semaphore(%arg10 : memref<!tpu.dma_semaphore, #tpu.memory_space<semaphore_mem>>)
    %add3A_25 = arith.constant 1 : i32
    %add3A_26 = arith.addi %mul3A_16, %add3A_25 : i32
    %mul3A_27 = arith.constant 128 : i32
    %mul3A_28 = arith.muli %add3A_26, %mul3A_27 : i32
    %multiple_of3A_29 = tpu.assume_multiple %mul3A_28, 8 : i32
    %dma_start3A_30 = tpu.memref_slice %arg3[%multiple_of3A_29, %multiple_of3A] : memref<320000x256xf32, #tpu.memory_space<hbm>> -> memref<128x128xf32, #tpu.memory_space<hbm>>
    %dma_start3A_31 = tpu.memref_slice %arg3[%multiple_of3A_29, %multiple_of3A] : memref<320000x256xf32, #tpu.memory_space<hbm>> -> memref<128x128xf32, #tpu.memory_space<hbm>>
    tpu.enqueue_dma source(%dma_start3A_31 : memref<128x128xf32, #tpu.memory_space<hbm>>) target(%arg8 : memref<128x128xf32, #tpu.memory_space<vmem>>) target_semaphore(%arg11 : memref<!tpu.dma_semaphore, #tpu.memory_space<semaphore_mem>>)
    %lt3A_32 = arith.constant 15 : i32
    %lt3A_33 = arith.cmpi slt, %arg1, %lt3A_32 : i32
    %convert_element_type3A = arith.extui %lt3A_33 : i1 to i32
    %cond3A = arith.constant 0 : i32
    %cond3A_34 = arith.cmpi ne, %convert_element_type3A, %cond3A : i32
    scf.if %cond3A_34 {
      "tpu.region"() ({
        %run_scoped3A = tpu.sem_alloc : memref<!tpu.dma_semaphore, #tpu.memory_space<semaphore_mem>>
        %dma_start3A_64 = arith.constant 0 : i32
        %dma_start3A_65 = tpu.memref_slice %arg9[%multiple_of3A_3, %dma_start3A_64] : memref<10000x128xf32, #tpu.memory_space<vmem_shared>> -> memref<632x128xf32, #tpu.memory_space<vmem_shared>>
        tpu.enqueue_dma source(%arg4 : memref<632x128xf32, #tpu.memory_space<hbm>>) target(%dma_start3A_65 : memref<632x128xf32, #tpu.memory_space<vmem_shared>>) target_semaphore(%run_scoped3A : memref<!tpu.dma_semaphore, #tpu.memory_space<semaphore_mem>>)
        %dma_wait3A = arith.constant 0 : i32
        %dma_wait3A_66 = tpu.memref_slice %arg9[%multiple_of3A_3, %dma_wait3A] : memref<10000x128xf32, #tpu.memory_space<vmem_shared>> -> memref<632x128xf32, #tpu.memory_space<vmem_shared>>
        tpu.wait_dma2 semaphore(%run_scoped3A : memref<!tpu.dma_semaphore, #tpu.memory_space<semaphore_mem>>) src(%arg4 : memref<632x128xf32, #tpu.memory_space<hbm>>) dst(%dma_wait3A_66 : memref<632x128xf32, #tpu.memory_space<vmem_shared>>)
        tpu.yield
      }) : () -> ()
    } else {
    }
    %eq3A = arith.constant 15 : i32
    %eq3A_35 = arith.cmpi eq, %arg1, %eq3A : i32
    %convert_element_type3A_36 = arith.extui %eq3A_35 : i1 to i32
    %cond3A_37 = arith.constant 0 : i32
    %cond3A_38 = arith.cmpi ne, %convert_element_type3A_36, %cond3A_37 : i32
    scf.if %cond3A_38 {
      "tpu.region"() ({
        %run_scoped3A = tpu.sem_alloc : memref<!tpu.dma_semaphore, #tpu.memory_space<semaphore_mem>>
        %dma_start3A_64 = arith.constant 9480 : i32
        %dma_start3A_65 = arith.constant 0 : i32
        %dma_start3A_66 = tpu.memref_slice %arg9[%dma_start3A_64, %dma_start3A_65] : memref<10000x128xf32, #tpu.memory_space<vmem_shared>> -> memref<520x128xf32, #tpu.memory_space<vmem_shared>>
        %dma_start3A_67 = arith.constant 0 : i32
        %dma_start3A_68 = arith.constant 0 : i32
        %dma_start3A_69 = tpu.memref_slice %arg4[%dma_start3A_67, %dma_start3A_68] : memref<632x128xf32, #tpu.memory_space<hbm>> -> memref<520x128xf32, #tpu.memory_space<hbm>>
        tpu.enqueue_dma source(%dma_start3A_69 : memref<520x128xf32, #tpu.memory_space<hbm>>) target(%dma_start3A_66 : memref<520x128xf32, #tpu.memory_space<vmem_shared>>) target_semaphore(%run_scoped3A : memref<!tpu.dma_semaphore, #tpu.memory_space<semaphore_mem>>)
        %dma_wait3A = arith.constant 9480 : i32
        %dma_wait3A_70 = arith.constant 0 : i32
        %dma_wait3A_71 = tpu.memref_slice %arg9[%dma_wait3A, %dma_wait3A_70] : memref<10000x128xf32, #tpu.memory_space<vmem_shared>> -> memref<520x128xf32, #tpu.memory_space<vmem_shared>>
        %dma_wait3A_72 = arith.constant 0 : i32
        %dma_wait3A_73 = arith.constant 0 : i32
        %dma_wait3A_74 = tpu.memref_slice %arg4[%dma_wait3A_72, %dma_wait3A_73] : memref<632x128xf32, #tpu.memory_space<hbm>> -> memref<520x128xf32, #tpu.memory_space<hbm>>
        tpu.wait_dma2 semaphore(%run_scoped3A : memref<!tpu.dma_semaphore, #tpu.memory_space<semaphore_mem>>) src(%dma_wait3A_74 : memref<520x128xf32, #tpu.memory_space<hbm>>) dst(%dma_wait3A_71 : memref<520x128xf32, #tpu.memory_space<vmem_shared>>)
        tpu.yield
      }) : () -> ()
    } else {
    }
    %barrier3A = arith.constant 0 : index
    tpu.barrier barrier_id(%barrier3A)
    %while3A = arith.constant 0 : i32
    %while3A_39 = arith.constant 0 : i32
    %while3A_40 = arith.subi %select_n3A_14, %while3A_39 : i32
    %while3A_41 = arith.addi %while3A_39, %while3A_40 : i32
    %while3A_42 = arith.constant 1 : i32
    %while3A_43 = arith.divsi %while3A_40, %while3A_42 : i32
    %while3A_44 = arith.muli %while3A_43, %while3A_42 : i32
    %while3A_45 = arith.addi %while3A_39, %while3A_44 : i32
    %while3A_46 = arith.constant 1 : i32
    scf.for %while3A_64 = %while3A_39 to %while3A_45 step %while3A_46  : i32 {
      %add3A_65 = arith.addi %select_n3A, %while3A_64 : i32
      %mul3A_66 = arith.constant 16 : i32
      %mul3A_67 = arith.muli %add3A_65, %mul3A_66 : i32
      %multiple_of3A_68 = tpu.assume_multiple %mul3A_67, 8 : i32
      "tpu.region"() ({
        %run_scoped3A_339 = tpu.sem_alloc : memref<!tpu.dma_semaphore, #tpu.memory_space<semaphore_mem>>
        %dma_start3A_340 = arith.constant 0 : i32
        %dma_start3A_341 = tpu.memref_slice %arg2[%multiple_of3A_68, %dma_start3A_340] : memref<2512x128xi32, #tpu.memory_space<hbm>> -> memref<16x128xi32, #tpu.memory_space<hbm>>
        %dma_start3A_342 = arith.constant 0 : i32
        %dma_start3A_343 = tpu.memref_slice %arg2[%multiple_of3A_68, %dma_start3A_342] : memref<2512x128xi32, #tpu.memory_space<hbm>> -> memref<16x128xi32, #tpu.memory_space<hbm>>
        tpu.enqueue_dma source(%dma_start3A_343 : memref<16x128xi32, #tpu.memory_space<hbm>>) target(%arg6 : memref<16x128xi32, #tpu.memory_space<vmem>>) target_semaphore(%run_scoped3A_339 : memref<!tpu.dma_semaphore, #tpu.memory_space<semaphore_mem>>)
        %dma_wait3A_344 = arith.constant 0 : i32
        %dma_wait3A_345 = tpu.memref_slice %arg2[%multiple_of3A_68, %dma_wait3A_344] : memref<2512x128xi32, #tpu.memory_space<hbm>> -> memref<16x128xi32, #tpu.memory_space<hbm>>
        %dma_wait3A_346 = arith.constant 0 : i32
        %dma_wait3A_347 = tpu.memref_slice %arg2[%multiple_of3A_68, %dma_wait3A_346] : memref<2512x128xi32, #tpu.memory_space<hbm>> -> memref<16x128xi32, #tpu.memory_space<hbm>>
        tpu.wait_dma2 semaphore(%run_scoped3A_339 : memref<!tpu.dma_semaphore, #tpu.memory_space<semaphore_mem>>) src(%dma_wait3A_347 : memref<16x128xi32, #tpu.memory_space<hbm>>) dst(%arg6 : memref<16x128xi32, #tpu.memory_space<vmem>>)
        tpu.yield
      }) : () -> ()
      %mul3A_69 = arith.constant 16 : i32
      %mul3A_70 = arith.muli %while3A_64, %mul3A_69 : i32
      %add3A_71 = arith.constant 0 : i32
      %add3A_72 = arith.addi %mul3A_70, %add3A_71 : i32
      %add3A_73 = arith.addi %mul3A_16, %add3A_72 : i32
      %mul3A_74 = arith.constant 128 : i32
      %mul3A_75 = arith.muli %add3A_73, %mul3A_74 : i32
      %multiple_of3A_76 = tpu.assume_multiple %mul3A_75, 8 : i32
      %dma_wait3A = tpu.memref_slice %arg3[%multiple_of3A_76, %multiple_of3A] : memref<320000x256xf32, #tpu.memory_space<hbm>> -> memref<128x128xf32, #tpu.memory_space<hbm>>
      %dma_wait3A_77 = tpu.memref_slice %arg3[%multiple_of3A_76, %multiple_of3A] : memref<320000x256xf32, #tpu.memory_space<hbm>> -> memref<128x128xf32, #tpu.memory_space<hbm>>
      tpu.wait_dma2 semaphore(%arg10 : memref<!tpu.dma_semaphore, #tpu.memory_space<semaphore_mem>>) src(%dma_wait3A_77 : memref<128x128xf32, #tpu.memory_space<hbm>>) dst(%arg7 : memref<128x128xf32, #tpu.memory_space<vmem>>)
      %run_scoped3A = arith.constant 0 : i32
      "tpu.region"() ({
        %run_scoped3A_339 = tpu.sem_alloc : memref<!tpu.dma_semaphore, #tpu.memory_space<semaphore_mem>>
        %dma_start3A_340 = arith.constant 0 : i32
        %dma_start3A_341 = tpu.memref_slice %arg6[%run_scoped3A, %dma_start3A_340] : memref<16x128xi32, #tpu.memory_space<vmem>> -> memref<1x128xi32, #tpu.memory_space<vmem>>
        %dma_start3A_342 = tpu.memref_squeeze %dma_start3A_341 : memref<1x128xi32, #tpu.memory_space<vmem>> -> memref<128xi32, #tpu.memory_space<vmem>>
        %dma_start3A_343 = arith.constant 0 : i32
        %dma_start3A_344 = arith.constant 0 : i32
        %dma_start3A_345 = tpu.memref_slice %arg9[%dma_start3A_343, %dma_start3A_344] : memref<10000x128xf32, #tpu.memory_space<vmem_shared>> -> memref<10000x128xf32, #tpu.memory_space<vmem_shared>>
        tpu.enqueue_indirect_dma source(%arg7 : memref<128x128xf32, #tpu.memory_space<vmem>>) target(%dma_start3A_345 : memref<10000x128xf32, #tpu.memory_space<vmem_shared>>) offsets(%dma_start3A_342 : memref<128xi32, #tpu.memory_space<vmem>>) semaphore(%run_scoped3A_339 : memref<!tpu.dma_semaphore, #tpu.memory_space<semaphore_mem>>) {add = true}
        %dma_wait3A_346 = arith.constant 0 : i32
        %dma_wait3A_347 = tpu.memref_slice %arg6[%run_scoped3A, %dma_wait3A_346] : memref<16x128xi32, #tpu.memory_space<vmem>> -> memref<1x128xi32, #tpu.memory_space<vmem>>
        %dma_wait3A_348 = tpu.memref_squeeze %dma_wait3A_347 : memref<1x128xi32, #tpu.memory_space<vmem>> -> memref<128xi32, #tpu.memory_space<vmem>>
        %dma_wait3A_349 = arith.constant 0 : i32
        %dma_wait3A_350 = arith.constant 0 : i32
        %dma_wait3A_351 = tpu.memref_slice %arg9[%dma_wait3A_349, %dma_wait3A_350] : memref<10000x128xf32, #tpu.memory_space<vmem_shared>> -> memref<10000x128xf32, #tpu.memory_space<vmem_shared>>
        tpu.wait_indirect_dma semaphore(%run_scoped3A_339 : memref<!tpu.dma_semaphore, #tpu.memory_space<semaphore_mem>>) src(%arg7 : memref<128x128xf32, #tpu.memory_space<vmem>>) dst(%dma_wait3A_351 : memref<10000x128xf32, #tpu.memory_space<vmem_shared>>)
        tpu.yield
      }) : () -> ()
      %add3A_78 = arith.constant 2 : i32
      %add3A_79 = arith.addi %add3A_72, %add3A_78 : i32
      %lt3A_80 = arith.cmpi slt, %add3A_79, %mul3A_18 : i32
      %convert_element_type3A_81 = arith.extui %lt3A_80 : i1 to i32
      %cond3A_82 = arith.constant 0 : i32
      %cond3A_83 = arith.cmpi ne, %convert_element_type3A_81, %cond3A_82 : i32
      scf.if %cond3A_83 {
        %add3A_339 = arith.constant 2 : i32
        %add3A_340 = arith.addi %add3A_72, %add3A_339 : i32
        %add3A_341 = arith.addi %mul3A_16, %add3A_340 : i32
        %mul3A_342 = arith.constant 128 : i32
        %mul3A_343 = arith.muli %add3A_341, %mul3A_342 : i32
        %multiple_of3A_344 = tpu.assume_multiple %mul3A_343, 8 : i32
        %dma_start3A_345 = tpu.memref_slice %arg3[%multiple_of3A_344, %multiple_of3A] : memref<320000x256xf32, #tpu.memory_space<hbm>> -> memref<128x128xf32, #tpu.memory_space<hbm>>
        %dma_start3A_346 = tpu.memref_slice %arg3[%multiple_of3A_344, %multiple_of3A] : memref<320000x256xf32, #tpu.memory_space<hbm>> -> memref<128x128xf32, #tpu.memory_space<hbm>>
        tpu.enqueue_dma source(%dma_start3A_346 : memref<128x128xf32, #tpu.memory_space<hbm>>) target(%arg7 : memref<128x128xf32, #tpu.memory_space<vmem>>) target_semaphore(%arg10 : memref<!tpu.dma_semaphore, #tpu.memory_space<semaphore_mem>>)
      } else {
      }
      %mul3A_84 = arith.constant 16 : i32
      %mul3A_85 = arith.muli %while3A_64, %mul3A_84 : i32
      %add3A_86 = arith.constant 1 : i32
      %add3A_87 = arith.addi %mul3A_85, %add3A_86 : i32
      %add3A_88 = arith.addi %mul3A_16, %add3A_87 : i32
      %mul3A_89 = arith.constant 128 : i32
      %mul3A_90 = arith.muli %add3A_88, %mul3A_89 : i32
      %multiple_of3A_91 = tpu.assume_multiple %mul3A_90, 8 : i32
      %dma_wait3A_92 = tpu.memref_slice %arg3[%multiple_of3A_91, %multiple_of3A] : memref<320000x256xf32, #tpu.memory_space<hbm>> -> memref<128x128xf32, #tpu.memory_space<hbm>>
      %dma_wait3A_93 = tpu.memref_slice %arg3[%multiple_of3A_91, %multiple_of3A] : memref<320000x256xf32, #tpu.memory_space<hbm>> -> memref<128x128xf32, #tpu.memory_space<hbm>>
      tpu.wait_dma2 semaphore(%arg11 : memref<!tpu.dma_semaphore, #tpu.memory_space<semaphore_mem>>) src(%dma_wait3A_93 : memref<128x128xf32, #tpu.memory_space<hbm>>) dst(%arg8 : memref<128x128xf32, #tpu.memory_space<vmem>>)
      %run_scoped3A_94 = arith.constant 1 : i32
      "tpu.region"() ({
        %run_scoped3A_339 = tpu.sem_alloc : memref<!tpu.dma_semaphore, #tpu.memory_space<semaphore_mem>>
        %dma_start3A_340 = arith.constant 0 : i32
        %dma_start3A_341 = tpu.memref_slice %arg6[%run_scoped3A_94, %dma_start3A_340] : memref<16x128xi32, #tpu.memory_space<vmem>> -> memref<1x128xi32, #tpu.memory_space<vmem>>
        %dma_start3A_342 = tpu.memref_squeeze %dma_start3A_341 : memref<1x128xi32, #tpu.memory_space<vmem>> -> memref<128xi32, #tpu.memory_space<vmem>>
        %dma_start3A_343 = arith.constant 0 : i32
        %dma_start3A_344 = arith.constant 0 : i32
        %dma_start3A_345 = tpu.memref_slice %arg9[%dma_start3A_343, %dma_start3A_344] : memref<10000x128xf32, #tpu.memory_space<vmem_shared>> -> memref<10000x128xf32, #tpu.memory_space<vmem_shared>>
        tpu.enqueue_indirect_dma source(%arg8 : memref<128x128xf32, #tpu.memory_space<vmem>>) target(%dma_start3A_345 : memref<10000x128xf32, #tpu.memory_space<vmem_shared>>) offsets(%dma_start3A_342 : memref<128xi32, #tpu.memory_space<vmem>>) semaphore(%run_scoped3A_339 : memref<!tpu.dma_semaphore, #tpu.memory_space<semaphore_mem>>) {add = true}
        %dma_wait3A_346 = arith.constant 0 : i32
        %dma_wait3A_347 = tpu.memref_slice %arg6[%run_scoped3A_94, %dma_wait3A_346] : memref<16x128xi32, #tpu.memory_space<vmem>> -> memref<1x128xi32, #tpu.memory_space<vmem>>
        %dma_wait3A_348 = tpu.memref_squeeze %dma_wait3A_347 : memref<1x128xi32, #tpu.memory_space<vmem>> -> memref<128xi32, #tpu.memory_space<vmem>>
        %dma_wait3A_349 = arith.constant 0 : i32
        %dma_wait3A_350 = arith.constant 0 : i32
        %dma_wait3A_351 = tpu.memref_slice %arg9[%dma_wait3A_349, %dma_wait3A_350] : memref<10000x128xf32, #tpu.memory_space<vmem_shared>> -> memref<10000x128xf32, #tpu.memory_space<vmem_shared>>
        tpu.wait_indirect_dma semaphore(%run_scoped3A_339 : memref<!tpu.dma_semaphore, #tpu.memory_space<semaphore_mem>>) src(%arg8 : memref<128x128xf32, #tpu.memory_space<vmem>>) dst(%dma_wait3A_351 : memref<10000x128xf32, #tpu.memory_space<vmem_shared>>)
        tpu.yield
      }) : () -> ()
      %add3A_95 = arith.constant 2 : i32
      %add3A_96 = arith.addi %add3A_87, %add3A_95 : i32
      %lt3A_97 = arith.cmpi slt, %add3A_96, %mul3A_18 : i32
      %convert_element_type3A_98 = arith.extui %lt3A_97 : i1 to i32
      %cond3A_99 = arith.constant 0 : i32
      %cond3A_100 = arith.cmpi ne, %convert_element_type3A_98, %cond3A_99 : i32
      scf.if %cond3A_100 {
        %add3A_339 = arith.constant 2 : i32
        %add3A_340 = arith.addi %add3A_87, %add3A_339 : i32
        %add3A_341 = arith.addi %mul3A_16, %add3A_340 : i32
        %mul3A_342 = arith.constant 128 : i32
        %mul3A_343 = arith.muli %add3A_341, %mul3A_342 : i32
        %multiple_of3A_344 = tpu.assume_multiple %mul3A_343, 8 : i32
        %dma_start3A_345 = tpu.memref_slice %arg3[%multiple_of3A_344, %multiple_of3A] : memref<320000x256xf32, #tpu.memory_space<hbm>> -> memref<128x128xf32, #tpu.memory_space<hbm>>
        %dma_start3A_346 = tpu.memref_slice %arg3[%multiple_of3A_344, %multiple_of3A] : memref<320000x256xf32, #tpu.memory_space<hbm>> -> memref<128x128xf32, #tpu.memory_space<hbm>>
        tpu.enqueue_dma source(%dma_start3A_346 : memref<128x128xf32, #tpu.memory_space<hbm>>) target(%arg8 : memref<128x128xf32, #tpu.memory_space<vmem>>) target_semaphore(%arg11 : memref<!tpu.dma_semaphore, #tpu.memory_space<semaphore_mem>>)
      } else {
      }
      %mul3A_101 = arith.constant 16 : i32
      %mul3A_102 = arith.muli %while3A_64, %mul3A_101 : i32
      %add3A_103 = arith.constant 2 : i32
      %add3A_104 = arith.addi %mul3A_102, %add3A_103 : i32
      %add3A_105 = arith.addi %mul3A_16, %add3A_104 : i32
      %mul3A_106 = arith.constant 128 : i32
      %mul3A_107 = arith.muli %add3A_105, %mul3A_106 : i32
      %multiple_of3A_108 = tpu.assume_multiple %mul3A_107, 8 : i32
      %dma_wait3A_109 = tpu.memref_slice %arg3[%multiple_of3A_108, %multiple_of3A] : memref<320000x256xf32, #tpu.memory_space<hbm>> -> memref<128x128xf32, #tpu.memory_space<hbm>>
      %dma_wait3A_110 = tpu.memref_slice %arg3[%multiple_of3A_108, %multiple_of3A] : memref<320000x256xf32, #tpu.memory_space<hbm>> -> memref<128x128xf32, #tpu.memory_space<hbm>>
      tpu.wait_dma2 semaphore(%arg10 : memref<!tpu.dma_semaphore, #tpu.memory_space<semaphore_mem>>) src(%dma_wait3A_110 : memref<128x128xf32, #tpu.memory_space<hbm>>) dst(%arg7 : memref<128x128xf32, #tpu.memory_space<vmem>>)
      %run_scoped3A_111 = arith.constant 2 : i32
      "tpu.region"() ({
        %run_scoped3A_339 = tpu.sem_alloc : memref<!tpu.dma_semaphore, #tpu.memory_space<semaphore_mem>>
        %dma_start3A_340 = arith.constant 0 : i32
        %dma_start3A_341 = tpu.memref_slice %arg6[%run_scoped3A_111, %dma_start3A_340] : memref<16x128xi32, #tpu.memory_space<vmem>> -> memref<1x128xi32, #tpu.memory_space<vmem>>
        %dma_start3A_342 = tpu.memref_squeeze %dma_start3A_341 : memref<1x128xi32, #tpu.memory_space<vmem>> -> memref<128xi32, #tpu.memory_space<vmem>>
        %dma_start3A_343 = arith.constant 0 : i32
        %dma_start3A_344 = arith.constant 0 : i32
        %dma_start3A_345 = tpu.memref_slice %arg9[%dma_start3A_343, %dma_start3A_344] : memref<10000x128xf32, #tpu.memory_space<vmem_shared>> -> memref<10000x128xf32, #tpu.memory_space<vmem_shared>>
        tpu.enqueue_indirect_dma source(%arg7 : memref<128x128xf32, #tpu.memory_space<vmem>>) target(%dma_start3A_345 : memref<10000x128xf32, #tpu.memory_space<vmem_shared>>) offsets(%dma_start3A_342 : memref<128xi32, #tpu.memory_space<vmem>>) semaphore(%run_scoped3A_339 : memref<!tpu.dma_semaphore, #tpu.memory_space<semaphore_mem>>) {add = true}
        %dma_wait3A_346 = arith.constant 0 : i32
        %dma_wait3A_347 = tpu.memref_slice %arg6[%run_scoped3A_111, %dma_wait3A_346] : memref<16x128xi32, #tpu.memory_space<vmem>> -> memref<1x128xi32, #tpu.memory_space<vmem>>
        %dma_wait3A_348 = tpu.memref_squeeze %dma_wait3A_347 : memref<1x128xi32, #tpu.memory_space<vmem>> -> memref<128xi32, #tpu.memory_space<vmem>>
        %dma_wait3A_349 = arith.constant 0 : i32
        %dma_wait3A_350 = arith.constant 0 : i32
        %dma_wait3A_351 = tpu.memref_slice %arg9[%dma_wait3A_349, %dma_wait3A_350] : memref<10000x128xf32, #tpu.memory_space<vmem_shared>> -> memref<10000x128xf32, #tpu.memory_space<vmem_shared>>
        tpu.wait_indirect_dma semaphore(%run_scoped3A_339 : memref<!tpu.dma_semaphore, #tpu.memory_space<semaphore_mem>>) src(%arg7 : memref<128x128xf32, #tpu.memory_space<vmem>>) dst(%dma_wait3A_351 : memref<10000x128xf32, #tpu.memory_space<vmem_shared>>)
        tpu.yield
      }) : () -> ()
      %add3A_112 = arith.constant 2 : i32
      %add3A_113 = arith.addi %add3A_104, %add3A_112 : i32
      %lt3A_114 = arith.cmpi slt, %add3A_113, %mul3A_18 : i32
      %convert_element_type3A_115 = arith.extui %lt3A_114 : i1 to i32
      %cond3A_116 = arith.constant 0 : i32
      %cond3A_117 = arith.cmpi ne, %convert_element_type3A_115, %cond3A_116 : i32
      scf.if %cond3A_117 {
        %add3A_339 = arith.constant 2 : i32
        %add3A_340 = arith.addi %add3A_104, %add3A_339 : i32
        %add3A_341 = arith.addi %mul3A_16, %add3A_340 : i32
        %mul3A_342 = arith.constant 128 : i32
        %mul3A_343 = arith.muli %add3A_341, %mul3A_342 : i32
        %multiple_of3A_344 = tpu.assume_multiple %mul3A_343, 8 : i32
        %dma_start3A_345 = tpu.memref_slice %arg3[%multiple_of3A_344, %multiple_of3A] : memref<320000x256xf32, #tpu.memory_space<hbm>> -> memref<128x128xf32, #tpu.memory_space<hbm>>
        %dma_start3A_346 = tpu.memref_slice %arg3[%multiple_of3A_344, %multiple_of3A] : memref<320000x256xf32, #tpu.memory_space<hbm>> -> memref<128x128xf32, #tpu.memory_space<hbm>>
        tpu.enqueue_dma source(%dma_start3A_346 : memref<128x128xf32, #tpu.memory_space<hbm>>) target(%arg7 : memref<128x128xf32, #tpu.memory_space<vmem>>) target_semaphore(%arg10 : memref<!tpu.dma_semaphore, #tpu.memory_space<semaphore_mem>>)
      } else {
      }
      %mul3A_118 = arith.constant 16 : i32
      %mul3A_119 = arith.muli %while3A_64, %mul3A_118 : i32
      %add3A_120 = arith.constant 3 : i32
      %add3A_121 = arith.addi %mul3A_119, %add3A_120 : i32
      %add3A_122 = arith.addi %mul3A_16, %add3A_121 : i32
      %mul3A_123 = arith.constant 128 : i32
      %mul3A_124 = arith.muli %add3A_122, %mul3A_123 : i32
      %multiple_of3A_125 = tpu.assume_multiple %mul3A_124, 8 : i32
      %dma_wait3A_126 = tpu.memref_slice %arg3[%multiple_of3A_125, %multiple_of3A] : memref<320000x256xf32, #tpu.memory_space<hbm>> -> memref<128x128xf32, #tpu.memory_space<hbm>>
      %dma_wait3A_127 = tpu.memref_slice %arg3[%multiple_of3A_125, %multiple_of3A] : memref<320000x256xf32, #tpu.memory_space<hbm>> -> memref<128x128xf32, #tpu.memory_space<hbm>>
      tpu.wait_dma2 semaphore(%arg11 : memref<!tpu.dma_semaphore, #tpu.memory_space<semaphore_mem>>) src(%dma_wait3A_127 : memref<128x128xf32, #tpu.memory_space<hbm>>) dst(%arg8 : memref<128x128xf32, #tpu.memory_space<vmem>>)
      %run_scoped3A_128 = arith.constant 3 : i32
      "tpu.region"() ({
        %run_scoped3A_339 = tpu.sem_alloc : memref<!tpu.dma_semaphore, #tpu.memory_space<semaphore_mem>>
        %dma_start3A_340 = arith.constant 0 : i32
        %dma_start3A_341 = tpu.memref_slice %arg6[%run_scoped3A_128, %dma_start3A_340] : memref<16x128xi32, #tpu.memory_space<vmem>> -> memref<1x128xi32, #tpu.memory_space<vmem>>
        %dma_start3A_342 = tpu.memref_squeeze %dma_start3A_341 : memref<1x128xi32, #tpu.memory_space<vmem>> -> memref<128xi32, #tpu.memory_space<vmem>>
        %dma_start3A_343 = arith.constant 0 : i32
        %dma_start3A_344 = arith.constant 0 : i32
        %dma_start3A_345 = tpu.memref_slice %arg9[%dma_start3A_343, %dma_start3A_344] : memref<10000x128xf32, #tpu.memory_space<vmem_shared>> -> memref<10000x128xf32, #tpu.memory_space<vmem_shared>>
        tpu.enqueue_indirect_dma source(%arg8 : memref<128x128xf32, #tpu.memory_space<vmem>>) target(%dma_start3A_345 : memref<10000x128xf32, #tpu.memory_space<vmem_shared>>) offsets(%dma_start3A_342 : memref<128xi32, #tpu.memory_space<vmem>>) semaphore(%run_scoped3A_339 : memref<!tpu.dma_semaphore, #tpu.memory_space<semaphore_mem>>) {add = true}
        %dma_wait3A_346 = arith.constant 0 : i32
        %dma_wait3A_347 = tpu.memref_slice %arg6[%run_scoped3A_128, %dma_wait3A_346] : memref<16x128xi32, #tpu.memory_space<vmem>> -> memref<1x128xi32, #tpu.memory_space<vmem>>
        %dma_wait3A_348 = tpu.memref_squeeze %dma_wait3A_347 : memref<1x128xi32, #tpu.memory_space<vmem>> -> memref<128xi32, #tpu.memory_space<vmem>>
        %dma_wait3A_349 = arith.constant 0 : i32
        %dma_wait3A_350 = arith.constant 0 : i32
        %dma_wait3A_351 = tpu.memref_slice %arg9[%dma_wait3A_349, %dma_wait3A_350] : memref<10000x128xf32, #tpu.memory_space<vmem_shared>> -> memref<10000x128xf32, #tpu.memory_space<vmem_shared>>
        tpu.wait_indirect_dma semaphore(%run_scoped3A_339 : memref<!tpu.dma_semaphore, #tpu.memory_space<semaphore_mem>>) src(%arg8 : memref<128x128xf32, #tpu.memory_space<vmem>>) dst(%dma_wait3A_351 : memref<10000x128xf32, #tpu.memory_space<vmem_shared>>)
        tpu.yield
      }) : () -> ()
      %add3A_129 = arith.constant 2 : i32
      %add3A_130 = arith.addi %add3A_121, %add3A_129 : i32
      %lt3A_131 = arith.cmpi slt, %add3A_130, %mul3A_18 : i32
      %convert_element_type3A_132 = arith.extui %lt3A_131 : i1 to i32
      %cond3A_133 = arith.constant 0 : i32
      %cond3A_134 = arith.cmpi ne, %convert_element_type3A_132, %cond3A_133 : i32
      scf.if %cond3A_134 {
        %add3A_339 = arith.constant 2 : i32
        %add3A_340 = arith.addi %add3A_121, %add3A_339 : i32
        %add3A_341 = arith.addi %mul3A_16, %add3A_340 : i32
        %mul3A_342 = arith.constant 128 : i32
        %mul3A_343 = arith.muli %add3A_341, %mul3A_342 : i32
        %multiple_of3A_344 = tpu.assume_multiple %mul3A_343, 8 : i32
        %dma_start3A_345 = tpu.memref_slice %arg3[%multiple_of3A_344, %multiple_of3A] : memref<320000x256xf32, #tpu.memory_space<hbm>> -> memref<128x128xf32, #tpu.memory_space<hbm>>
        %dma_start3A_346 = tpu.memref_slice %arg3[%multiple_of3A_344, %multiple_of3A] : memref<320000x256xf32, #tpu.memory_space<hbm>> -> memref<128x128xf32, #tpu.memory_space<hbm>>
        tpu.enqueue_dma source(%dma_start3A_346 : memref<128x128xf32, #tpu.memory_space<hbm>>) target(%arg8 : memref<128x128xf32, #tpu.memory_space<vmem>>) target_semaphore(%arg11 : memref<!tpu.dma_semaphore, #tpu.memory_space<semaphore_mem>>)
      } else {
      }
      %mul3A_135 = arith.constant 16 : i32
      %mul3A_136 = arith.muli %while3A_64, %mul3A_135 : i32
      %add3A_137 = arith.constant 4 : i32
      %add3A_138 = arith.addi %mul3A_136, %add3A_137 : i32
      %add3A_139 = arith.addi %mul3A_16, %add3A_138 : i32
      %mul3A_140 = arith.constant 128 : i32
      %mul3A_141 = arith.muli %add3A_139, %mul3A_140 : i32
      %multiple_of3A_142 = tpu.assume_multiple %mul3A_141, 8 : i32
      %dma_wait3A_143 = tpu.memref_slice %arg3[%multiple_of3A_142, %multiple_of3A] : memref<320000x256xf32, #tpu.memory_space<hbm>> -> memref<128x128xf32, #tpu.memory_space<hbm>>
      %dma_wait3A_144 = tpu.memref_slice %arg3[%multiple_of3A_142, %multiple_of3A] : memref<320000x256xf32, #tpu.memory_space<hbm>> -> memref<128x128xf32, #tpu.memory_space<hbm>>
      tpu.wait_dma2 semaphore(%arg10 : memref<!tpu.dma_semaphore, #tpu.memory_space<semaphore_mem>>) src(%dma_wait3A_144 : memref<128x128xf32, #tpu.memory_space<hbm>>) dst(%arg7 : memref<128x128xf32, #tpu.memory_space<vmem>>)
      %run_scoped3A_145 = arith.constant 4 : i32
      "tpu.region"() ({
        %run_scoped3A_339 = tpu.sem_alloc : memref<!tpu.dma_semaphore, #tpu.memory_space<semaphore_mem>>
        %dma_start3A_340 = arith.constant 0 : i32
        %dma_start3A_341 = tpu.memref_slice %arg6[%run_scoped3A_145, %dma_start3A_340] : memref<16x128xi32, #tpu.memory_space<vmem>> -> memref<1x128xi32, #tpu.memory_space<vmem>>
        %dma_start3A_342 = tpu.memref_squeeze %dma_start3A_341 : memref<1x128xi32, #tpu.memory_space<vmem>> -> memref<128xi32, #tpu.memory_space<vmem>>
        %dma_start3A_343 = arith.constant 0 : i32
        %dma_start3A_344 = arith.constant 0 : i32
        %dma_start3A_345 = tpu.memref_slice %arg9[%dma_start3A_343, %dma_start3A_344] : memref<10000x128xf32, #tpu.memory_space<vmem_shared>> -> memref<10000x128xf32, #tpu.memory_space<vmem_shared>>
        tpu.enqueue_indirect_dma source(%arg7 : memref<128x128xf32, #tpu.memory_space<vmem>>) target(%dma_start3A_345 : memref<10000x128xf32, #tpu.memory_space<vmem_shared>>) offsets(%dma_start3A_342 : memref<128xi32, #tpu.memory_space<vmem>>) semaphore(%run_scoped3A_339 : memref<!tpu.dma_semaphore, #tpu.memory_space<semaphore_mem>>) {add = true}
        %dma_wait3A_346 = arith.constant 0 : i32
        %dma_wait3A_347 = tpu.memref_slice %arg6[%run_scoped3A_145, %dma_wait3A_346] : memref<16x128xi32, #tpu.memory_space<vmem>> -> memref<1x128xi32, #tpu.memory_space<vmem>>
        %dma_wait3A_348 = tpu.memref_squeeze %dma_wait3A_347 : memref<1x128xi32, #tpu.memory_space<vmem>> -> memref<128xi32, #tpu.memory_space<vmem>>
        %dma_wait3A_349 = arith.constant 0 : i32
        %dma_wait3A_350 = arith.constant 0 : i32
        %dma_wait3A_351 = tpu.memref_slice %arg9[%dma_wait3A_349, %dma_wait3A_350] : memref<10000x128xf32, #tpu.memory_space<vmem_shared>> -> memref<10000x128xf32, #tpu.memory_space<vmem_shared>>
        tpu.wait_indirect_dma semaphore(%run_scoped3A_339 : memref<!tpu.dma_semaphore, #tpu.memory_space<semaphore_mem>>) src(%arg7 : memref<128x128xf32, #tpu.memory_space<vmem>>) dst(%dma_wait3A_351 : memref<10000x128xf32, #tpu.memory_space<vmem_shared>>)
        tpu.yield
      }) : () -> ()
      %add3A_146 = arith.constant 2 : i32
      %add3A_147 = arith.addi %add3A_138, %add3A_146 : i32
      %lt3A_148 = arith.cmpi slt, %add3A_147, %mul3A_18 : i32
      %convert_element_type3A_149 = arith.extui %lt3A_148 : i1 to i32
      %cond3A_150 = arith.constant 0 : i32
      %cond3A_151 = arith.cmpi ne, %convert_element_type3A_149, %cond3A_150 : i32
      scf.if %cond3A_151 {
        %add3A_339 = arith.constant 2 : i32
        %add3A_340 = arith.addi %add3A_138, %add3A_339 : i32
        %add3A_341 = arith.addi %mul3A_16, %add3A_340 : i32
        %mul3A_342 = arith.constant 128 : i32
        %mul3A_343 = arith.muli %add3A_341, %mul3A_342 : i32
        %multiple_of3A_344 = tpu.assume_multiple %mul3A_343, 8 : i32
        %dma_start3A_345 = tpu.memref_slice %arg3[%multiple_of3A_344, %multiple_of3A] : memref<320000x256xf32, #tpu.memory_space<hbm>> -> memref<128x128xf32, #tpu.memory_space<hbm>>
        %dma_start3A_346 = tpu.memref_slice %arg3[%multiple_of3A_344, %multiple_of3A] : memref<320000x256xf32, #tpu.memory_space<hbm>> -> memref<128x128xf32, #tpu.memory_space<hbm>>
        tpu.enqueue_dma source(%dma_start3A_346 : memref<128x128xf32, #tpu.memory_space<hbm>>) target(%arg7 : memref<128x128xf32, #tpu.memory_space<vmem>>) target_semaphore(%arg10 : memref<!tpu.dma_semaphore, #tpu.memory_space<semaphore_mem>>)
      } else {
      }
      %mul3A_152 = arith.constant 16 : i32
      %mul3A_153 = arith.muli %while3A_64, %mul3A_152 : i32
      %add3A_154 = arith.constant 5 : i32
      %add3A_155 = arith.addi %mul3A_153, %add3A_154 : i32
      %add3A_156 = arith.addi %mul3A_16, %add3A_155 : i32
      %mul3A_157 = arith.constant 128 : i32
      %mul3A_158 = arith.muli %add3A_156, %mul3A_157 : i32
      %multiple_of3A_159 = tpu.assume_multiple %mul3A_158, 8 : i32
      %dma_wait3A_160 = tpu.memref_slice %arg3[%multiple_of3A_159, %multiple_of3A] : memref<320000x256xf32, #tpu.memory_space<hbm>> -> memref<128x128xf32, #tpu.memory_space<hbm>>
      %dma_wait3A_161 = tpu.memref_slice %arg3[%multiple_of3A_159, %multiple_of3A] : memref<320000x256xf32, #tpu.memory_space<hbm>> -> memref<128x128xf32, #tpu.memory_space<hbm>>
      tpu.wait_dma2 semaphore(%arg11 : memref<!tpu.dma_semaphore, #tpu.memory_space<semaphore_mem>>) src(%dma_wait3A_161 : memref<128x128xf32, #tpu.memory_space<hbm>>) dst(%arg8 : memref<128x128xf32, #tpu.memory_space<vmem>>)
      %run_scoped3A_162 = arith.constant 5 : i32
      "tpu.region"() ({
        %run_scoped3A_339 = tpu.sem_alloc : memref<!tpu.dma_semaphore, #tpu.memory_space<semaphore_mem>>
        %dma_start3A_340 = arith.constant 0 : i32
        %dma_start3A_341 = tpu.memref_slice %arg6[%run_scoped3A_162, %dma_start3A_340] : memref<16x128xi32, #tpu.memory_space<vmem>> -> memref<1x128xi32, #tpu.memory_space<vmem>>
        %dma_start3A_342 = tpu.memref_squeeze %dma_start3A_341 : memref<1x128xi32, #tpu.memory_space<vmem>> -> memref<128xi32, #tpu.memory_space<vmem>>
        %dma_start3A_343 = arith.constant 0 : i32
        %dma_start3A_344 = arith.constant 0 : i32
        %dma_start3A_345 = tpu.memref_slice %arg9[%dma_start3A_343, %dma_start3A_344] : memref<10000x128xf32, #tpu.memory_space<vmem_shared>> -> memref<10000x128xf32, #tpu.memory_space<vmem_shared>>
        tpu.enqueue_indirect_dma source(%arg8 : memref<128x128xf32, #tpu.memory_space<vmem>>) target(%dma_start3A_345 : memref<10000x128xf32, #tpu.memory_space<vmem_shared>>) offsets(%dma_start3A_342 : memref<128xi32, #tpu.memory_space<vmem>>) semaphore(%run_scoped3A_339 : memref<!tpu.dma_semaphore, #tpu.memory_space<semaphore_mem>>) {add = true}
        %dma_wait3A_346 = arith.constant 0 : i32
        %dma_wait3A_347 = tpu.memref_slice %arg6[%run_scoped3A_162, %dma_wait3A_346] : memref<16x128xi32, #tpu.memory_space<vmem>> -> memref<1x128xi32, #tpu.memory_space<vmem>>
        %dma_wait3A_348 = tpu.memref_squeeze %dma_wait3A_347 : memref<1x128xi32, #tpu.memory_space<vmem>> -> memref<128xi32, #tpu.memory_space<vmem>>
        %dma_wait3A_349 = arith.constant 0 : i32
        %dma_wait3A_350 = arith.constant 0 : i32
        %dma_wait3A_351 = tpu.memref_slice %arg9[%dma_wait3A_349, %dma_wait3A_350] : memref<10000x128xf32, #tpu.memory_space<vmem_shared>> -> memref<10000x128xf32, #tpu.memory_space<vmem_shared>>
        tpu.wait_indirect_dma semaphore(%run_scoped3A_339 : memref<!tpu.dma_semaphore, #tpu.memory_space<semaphore_mem>>) src(%arg8 : memref<128x128xf32, #tpu.memory_space<vmem>>) dst(%dma_wait3A_351 : memref<10000x128xf32, #tpu.memory_space<vmem_shared>>)
        tpu.yield
      }) : () -> ()
      %add3A_163 = arith.constant 2 : i32
      %add3A_164 = arith.addi %add3A_155, %add3A_163 : i32
      %lt3A_165 = arith.cmpi slt, %add3A_164, %mul3A_18 : i32
      %convert_element_type3A_166 = arith.extui %lt3A_165 : i1 to i32
      %cond3A_167 = arith.constant 0 : i32
      %cond3A_168 = arith.cmpi ne, %convert_element_type3A_166, %cond3A_167 : i32
      scf.if %cond3A_168 {
        %add3A_339 = arith.constant 2 : i32
        %add3A_340 = arith.addi %add3A_155, %add3A_339 : i32
        %add3A_341 = arith.addi %mul3A_16, %add3A_340 : i32
        %mul3A_342 = arith.constant 128 : i32
        %mul3A_343 = arith.muli %add3A_341, %mul3A_342 : i32
        %multiple_of3A_344 = tpu.assume_multiple %mul3A_343, 8 : i32
        %dma_start3A_345 = tpu.memref_slice %arg3[%multiple_of3A_344, %multiple_of3A] : memref<320000x256xf32, #tpu.memory_space<hbm>> -> memref<128x128xf32, #tpu.memory_space<hbm>>
        %dma_start3A_346 = tpu.memref_slice %arg3[%multiple_of3A_344, %multiple_of3A] : memref<320000x256xf32, #tpu.memory_space<hbm>> -> memref<128x128xf32, #tpu.memory_space<hbm>>
        tpu.enqueue_dma source(%dma_start3A_346 : memref<128x128xf32, #tpu.memory_space<hbm>>) target(%arg8 : memref<128x128xf32, #tpu.memory_space<vmem>>) target_semaphore(%arg11 : memref<!tpu.dma_semaphore, #tpu.memory_space<semaphore_mem>>)
      } else {
      }
      %mul3A_169 = arith.constant 16 : i32
      %mul3A_170 = arith.muli %while3A_64, %mul3A_169 : i32
      %add3A_171 = arith.constant 6 : i32
      %add3A_172 = arith.addi %mul3A_170, %add3A_171 : i32
      %add3A_173 = arith.addi %mul3A_16, %add3A_172 : i32
      %mul3A_174 = arith.constant 128 : i32
      %mul3A_175 = arith.muli %add3A_173, %mul3A_174 : i32
      %multiple_of3A_176 = tpu.assume_multiple %mul3A_175, 8 : i32
      %dma_wait3A_177 = tpu.memref_slice %arg3[%multiple_of3A_176, %multiple_of3A] : memref<320000x256xf32, #tpu.memory_space<hbm>> -> memref<128x128xf32, #tpu.memory_space<hbm>>
      %dma_wait3A_178 = tpu.memref_slice %arg3[%multiple_of3A_176, %multiple_of3A] : memref<320000x256xf32, #tpu.memory_space<hbm>> -> memref<128x128xf32, #tpu.memory_space<hbm>>
      tpu.wait_dma2 semaphore(%arg10 : memref<!tpu.dma_semaphore, #tpu.memory_space<semaphore_mem>>) src(%dma_wait3A_178 : memref<128x128xf32, #tpu.memory_space<hbm>>) dst(%arg7 : memref<128x128xf32, #tpu.memory_space<vmem>>)
      %run_scoped3A_179 = arith.constant 6 : i32
      "tpu.region"() ({
        %run_scoped3A_339 = tpu.sem_alloc : memref<!tpu.dma_semaphore, #tpu.memory_space<semaphore_mem>>
        %dma_start3A_340 = arith.constant 0 : i32
        %dma_start3A_341 = tpu.memref_slice %arg6[%run_scoped3A_179, %dma_start3A_340] : memref<16x128xi32, #tpu.memory_space<vmem>> -> memref<1x128xi32, #tpu.memory_space<vmem>>
        %dma_start3A_342 = tpu.memref_squeeze %dma_start3A_341 : memref<1x128xi32, #tpu.memory_space<vmem>> -> memref<128xi32, #tpu.memory_space<vmem>>
        %dma_start3A_343 = arith.constant 0 : i32
        %dma_start3A_344 = arith.constant 0 : i32
        %dma_start3A_345 = tpu.memref_slice %arg9[%dma_start3A_343, %dma_start3A_344] : memref<10000x128xf32, #tpu.memory_space<vmem_shared>> -> memref<10000x128xf32, #tpu.memory_space<vmem_shared>>
        tpu.enqueue_indirect_dma source(%arg7 : memref<128x128xf32, #tpu.memory_space<vmem>>) target(%dma_start3A_345 : memref<10000x128xf32, #tpu.memory_space<vmem_shared>>) offsets(%dma_start3A_342 : memref<128xi32, #tpu.memory_space<vmem>>) semaphore(%run_scoped3A_339 : memref<!tpu.dma_semaphore, #tpu.memory_space<semaphore_mem>>) {add = true}
        %dma_wait3A_346 = arith.constant 0 : i32
        %dma_wait3A_347 = tpu.memref_slice %arg6[%run_scoped3A_179, %dma_wait3A_346] : memref<16x128xi32, #tpu.memory_space<vmem>> -> memref<1x128xi32, #tpu.memory_space<vmem>>
        %dma_wait3A_348 = tpu.memref_squeeze %dma_wait3A_347 : memref<1x128xi32, #tpu.memory_space<vmem>> -> memref<128xi32, #tpu.memory_space<vmem>>
        %dma_wait3A_349 = arith.constant 0 : i32
        %dma_wait3A_350 = arith.constant 0 : i32
        %dma_wait3A_351 = tpu.memref_slice %arg9[%dma_wait3A_349, %dma_wait3A_350] : memref<10000x128xf32, #tpu.memory_space<vmem_shared>> -> memref<10000x128xf32, #tpu.memory_space<vmem_shared>>
        tpu.wait_indirect_dma semaphore(%run_scoped3A_339 : memref<!tpu.dma_semaphore, #tpu.memory_space<semaphore_mem>>) src(%arg7 : memref<128x128xf32, #tpu.memory_space<vmem>>) dst(%dma_wait3A_351 : memref<10000x128xf32, #tpu.memory_space<vmem_shared>>)
        tpu.yield
      }) : () -> ()
      %add3A_180 = arith.constant 2 : i32
      %add3A_181 = arith.addi %add3A_172, %add3A_180 : i32
      %lt3A_182 = arith.cmpi slt, %add3A_181, %mul3A_18 : i32
      %convert_element_type3A_183 = arith.extui %lt3A_182 : i1 to i32
      %cond3A_184 = arith.constant 0 : i32
      %cond3A_185 = arith.cmpi ne, %convert_element_type3A_183, %cond3A_184 : i32
      scf.if %cond3A_185 {
        %add3A_339 = arith.constant 2 : i32
        %add3A_340 = arith.addi %add3A_172, %add3A_339 : i32
        %add3A_341 = arith.addi %mul3A_16, %add3A_340 : i32
        %mul3A_342 = arith.constant 128 : i32
        %mul3A_343 = arith.muli %add3A_341, %mul3A_342 : i32
        %multiple_of3A_344 = tpu.assume_multiple %mul3A_343, 8 : i32
        %dma_start3A_345 = tpu.memref_slice %arg3[%multiple_of3A_344, %multiple_of3A] : memref<320000x256xf32, #tpu.memory_space<hbm>> -> memref<128x128xf32, #tpu.memory_space<hbm>>
        %dma_start3A_346 = tpu.memref_slice %arg3[%multiple_of3A_344, %multiple_of3A] : memref<320000x256xf32, #tpu.memory_space<hbm>> -> memref<128x128xf32, #tpu.memory_space<hbm>>
        tpu.enqueue_dma source(%dma_start3A_346 : memref<128x128xf32, #tpu.memory_space<hbm>>) target(%arg7 : memref<128x128xf32, #tpu.memory_space<vmem>>) target_semaphore(%arg10 : memref<!tpu.dma_semaphore, #tpu.memory_space<semaphore_mem>>)
      } else {
      }
      %mul3A_186 = arith.constant 16 : i32
      %mul3A_187 = arith.muli %while3A_64, %mul3A_186 : i32
      %add3A_188 = arith.constant 7 : i32
      %add3A_189 = arith.addi %mul3A_187, %add3A_188 : i32
      %add3A_190 = arith.addi %mul3A_16, %add3A_189 : i32
      %mul3A_191 = arith.constant 128 : i32
      %mul3A_192 = arith.muli %add3A_190, %mul3A_191 : i32
      %multiple_of3A_193 = tpu.assume_multiple %mul3A_192, 8 : i32
      %dma_wait3A_194 = tpu.memref_slice %arg3[%multiple_of3A_193, %multiple_of3A] : memref<320000x256xf32, #tpu.memory_space<hbm>> -> memref<128x128xf32, #tpu.memory_space<hbm>>
      %dma_wait3A_195 = tpu.memref_slice %arg3[%multiple_of3A_193, %multiple_of3A] : memref<320000x256xf32, #tpu.memory_space<hbm>> -> memref<128x128xf32, #tpu.memory_space<hbm>>
      tpu.wait_dma2 semaphore(%arg11 : memref<!tpu.dma_semaphore, #tpu.memory_space<semaphore_mem>>) src(%dma_wait3A_195 : memref<128x128xf32, #tpu.memory_space<hbm>>) dst(%arg8 : memref<128x128xf32, #tpu.memory_space<vmem>>)
      %run_scoped3A_196 = arith.constant 7 : i32
      "tpu.region"() ({
        %run_scoped3A_339 = tpu.sem_alloc : memref<!tpu.dma_semaphore, #tpu.memory_space<semaphore_mem>>
        %dma_start3A_340 = arith.constant 0 : i32
        %dma_start3A_341 = tpu.memref_slice %arg6[%run_scoped3A_196, %dma_start3A_340] : memref<16x128xi32, #tpu.memory_space<vmem>> -> memref<1x128xi32, #tpu.memory_space<vmem>>
        %dma_start3A_342 = tpu.memref_squeeze %dma_start3A_341 : memref<1x128xi32, #tpu.memory_space<vmem>> -> memref<128xi32, #tpu.memory_space<vmem>>
        %dma_start3A_343 = arith.constant 0 : i32
        %dma_start3A_344 = arith.constant 0 : i32
        %dma_start3A_345 = tpu.memref_slice %arg9[%dma_start3A_343, %dma_start3A_344] : memref<10000x128xf32, #tpu.memory_space<vmem_shared>> -> memref<10000x128xf32, #tpu.memory_space<vmem_shared>>
        tpu.enqueue_indirect_dma source(%arg8 : memref<128x128xf32, #tpu.memory_space<vmem>>) target(%dma_start3A_345 : memref<10000x128xf32, #tpu.memory_space<vmem_shared>>) offsets(%dma_start3A_342 : memref<128xi32, #tpu.memory_space<vmem>>) semaphore(%run_scoped3A_339 : memref<!tpu.dma_semaphore, #tpu.memory_space<semaphore_mem>>) {add = true}
        %dma_wait3A_346 = arith.constant 0 : i32
        %dma_wait3A_347 = tpu.memref_slice %arg6[%run_scoped3A_196, %dma_wait3A_346] : memref<16x128xi32, #tpu.memory_space<vmem>> -> memref<1x128xi32, #tpu.memory_space<vmem>>
        %dma_wait3A_348 = tpu.memref_squeeze %dma_wait3A_347 : memref<1x128xi32, #tpu.memory_space<vmem>> -> memref<128xi32, #tpu.memory_space<vmem>>
        %dma_wait3A_349 = arith.constant 0 : i32
        %dma_wait3A_350 = arith.constant 0 : i32
        %dma_wait3A_351 = tpu.memref_slice %arg9[%dma_wait3A_349, %dma_wait3A_350] : memref<10000x128xf32, #tpu.memory_space<vmem_shared>> -> memref<10000x128xf32, #tpu.memory_space<vmem_shared>>
        tpu.wait_indirect_dma semaphore(%run_scoped3A_339 : memref<!tpu.dma_semaphore, #tpu.memory_space<semaphore_mem>>) src(%arg8 : memref<128x128xf32, #tpu.memory_space<vmem>>) dst(%dma_wait3A_351 : memref<10000x128xf32, #tpu.memory_space<vmem_shared>>)
        tpu.yield
      }) : () -> ()
      %add3A_197 = arith.constant 2 : i32
      %add3A_198 = arith.addi %add3A_189, %add3A_197 : i32
      %lt3A_199 = arith.cmpi slt, %add3A_198, %mul3A_18 : i32
      %convert_element_type3A_200 = arith.extui %lt3A_199 : i1 to i32
      %cond3A_201 = arith.constant 0 : i32
      %cond3A_202 = arith.cmpi ne, %convert_element_type3A_200, %cond3A_201 : i32
      scf.if %cond3A_202 {
        %add3A_339 = arith.constant 2 : i32
        %add3A_340 = arith.addi %add3A_189, %add3A_339 : i32
        %add3A_341 = arith.addi %mul3A_16, %add3A_340 : i32
        %mul3A_342 = arith.constant 128 : i32
        %mul3A_343 = arith.muli %add3A_341, %mul3A_342 : i32
        %multiple_of3A_344 = tpu.assume_multiple %mul3A_343, 8 : i32
        %dma_start3A_345 = tpu.memref_slice %arg3[%multiple_of3A_344, %multiple_of3A] : memref<320000x256xf32, #tpu.memory_space<hbm>> -> memref<128x128xf32, #tpu.memory_space<hbm>>
        %dma_start3A_346 = tpu.memref_slice %arg3[%multiple_of3A_344, %multiple_of3A] : memref<320000x256xf32, #tpu.memory_space<hbm>> -> memref<128x128xf32, #tpu.memory_space<hbm>>
        tpu.enqueue_dma source(%dma_start3A_346 : memref<128x128xf32, #tpu.memory_space<hbm>>) target(%arg8 : memref<128x128xf32, #tpu.memory_space<vmem>>) target_semaphore(%arg11 : memref<!tpu.dma_semaphore, #tpu.memory_space<semaphore_mem>>)
      } else {
      }
      %mul3A_203 = arith.constant 16 : i32
      %mul3A_204 = arith.muli %while3A_64, %mul3A_203 : i32
      %add3A_205 = arith.constant 8 : i32
      %add3A_206 = arith.addi %mul3A_204, %add3A_205 : i32
      %add3A_207 = arith.addi %mul3A_16, %add3A_206 : i32
      %mul3A_208 = arith.constant 128 : i32
      %mul3A_209 = arith.muli %add3A_207, %mul3A_208 : i32
      %multiple_of3A_210 = tpu.assume_multiple %mul3A_209, 8 : i32
      %dma_wait3A_211 = tpu.memref_slice %arg3[%multiple_of3A_210, %multiple_of3A] : memref<320000x256xf32, #tpu.memory_space<hbm>> -> memref<128x128xf32, #tpu.memory_space<hbm>>
      %dma_wait3A_212 = tpu.memref_slice %arg3[%multiple_of3A_210, %multiple_of3A] : memref<320000x256xf32, #tpu.memory_space<hbm>> -> memref<128x128xf32, #tpu.memory_space<hbm>>
      tpu.wait_dma2 semaphore(%arg10 : memref<!tpu.dma_semaphore, #tpu.memory_space<semaphore_mem>>) src(%dma_wait3A_212 : memref<128x128xf32, #tpu.memory_space<hbm>>) dst(%arg7 : memref<128x128xf32, #tpu.memory_space<vmem>>)
      %run_scoped3A_213 = arith.constant 8 : i32
      "tpu.region"() ({
        %run_scoped3A_339 = tpu.sem_alloc : memref<!tpu.dma_semaphore, #tpu.memory_space<semaphore_mem>>
        %dma_start3A_340 = arith.constant 0 : i32
        %dma_start3A_341 = tpu.memref_slice %arg6[%run_scoped3A_213, %dma_start3A_340] : memref<16x128xi32, #tpu.memory_space<vmem>> -> memref<1x128xi32, #tpu.memory_space<vmem>>
        %dma_start3A_342 = tpu.memref_squeeze %dma_start3A_341 : memref<1x128xi32, #tpu.memory_space<vmem>> -> memref<128xi32, #tpu.memory_space<vmem>>
        %dma_start3A_343 = arith.constant 0 : i32
        %dma_start3A_344 = arith.constant 0 : i32
        %dma_start3A_345 = tpu.memref_slice %arg9[%dma_start3A_343, %dma_start3A_344] : memref<10000x128xf32, #tpu.memory_space<vmem_shared>> -> memref<10000x128xf32, #tpu.memory_space<vmem_shared>>
        tpu.enqueue_indirect_dma source(%arg7 : memref<128x128xf32, #tpu.memory_space<vmem>>) target(%dma_start3A_345 : memref<10000x128xf32, #tpu.memory_space<vmem_shared>>) offsets(%dma_start3A_342 : memref<128xi32, #tpu.memory_space<vmem>>) semaphore(%run_scoped3A_339 : memref<!tpu.dma_semaphore, #tpu.memory_space<semaphore_mem>>) {add = true}
        %dma_wait3A_346 = arith.constant 0 : i32
        %dma_wait3A_347 = tpu.memref_slice %arg6[%run_scoped3A_213, %dma_wait3A_346] : memref<16x128xi32, #tpu.memory_space<vmem>> -> memref<1x128xi32, #tpu.memory_space<vmem>>
        %dma_wait3A_348 = tpu.memref_squeeze %dma_wait3A_347 : memref<1x128xi32, #tpu.memory_space<vmem>> -> memref<128xi32, #tpu.memory_space<vmem>>
        %dma_wait3A_349 = arith.constant 0 : i32
        %dma_wait3A_350 = arith.constant 0 : i32
        %dma_wait3A_351 = tpu.memref_slice %arg9[%dma_wait3A_349, %dma_wait3A_350] : memref<10000x128xf32, #tpu.memory_space<vmem_shared>> -> memref<10000x128xf32, #tpu.memory_space<vmem_shared>>
        tpu.wait_indirect_dma semaphore(%run_scoped3A_339 : memref<!tpu.dma_semaphore, #tpu.memory_space<semaphore_mem>>) src(%arg7 : memref<128x128xf32, #tpu.memory_space<vmem>>) dst(%dma_wait3A_351 : memref<10000x128xf32, #tpu.memory_space<vmem_shared>>)
        tpu.yield
      }) : () -> ()
      %add3A_214 = arith.constant 2 : i32
      %add3A_215 = arith.addi %add3A_206, %add3A_214 : i32
      %lt3A_216 = arith.cmpi slt, %add3A_215, %mul3A_18 : i32
      %convert_element_type3A_217 = arith.extui %lt3A_216 : i1 to i32
      %cond3A_218 = arith.constant 0 : i32
      %cond3A_219 = arith.cmpi ne, %convert_element_type3A_217, %cond3A_218 : i32
      scf.if %cond3A_219 {
        %add3A_339 = arith.constant 2 : i32
        %add3A_340 = arith.addi %add3A_206, %add3A_339 : i32
        %add3A_341 = arith.addi %mul3A_16, %add3A_340 : i32
        %mul3A_342 = arith.constant 128 : i32
        %mul3A_343 = arith.muli %add3A_341, %mul3A_342 : i32
        %multiple_of3A_344 = tpu.assume_multiple %mul3A_343, 8 : i32
        %dma_start3A_345 = tpu.memref_slice %arg3[%multiple_of3A_344, %multiple_of3A] : memref<320000x256xf32, #tpu.memory_space<hbm>> -> memref<128x128xf32, #tpu.memory_space<hbm>>
        %dma_start3A_346 = tpu.memref_slice %arg3[%multiple_of3A_344, %multiple_of3A] : memref<320000x256xf32, #tpu.memory_space<hbm>> -> memref<128x128xf32, #tpu.memory_space<hbm>>
        tpu.enqueue_dma source(%dma_start3A_346 : memref<128x128xf32, #tpu.memory_space<hbm>>) target(%arg7 : memref<128x128xf32, #tpu.memory_space<vmem>>) target_semaphore(%arg10 : memref<!tpu.dma_semaphore, #tpu.memory_space<semaphore_mem>>)
      } else {
      }
      %mul3A_220 = arith.constant 16 : i32
      %mul3A_221 = arith.muli %while3A_64, %mul3A_220 : i32
      %add3A_222 = arith.constant 9 : i32
      %add3A_223 = arith.addi %mul3A_221, %add3A_222 : i32
      %add3A_224 = arith.addi %mul3A_16, %add3A_223 : i32
      %mul3A_225 = arith.constant 128 : i32
      %mul3A_226 = arith.muli %add3A_224, %mul3A_225 : i32
      %multiple_of3A_227 = tpu.assume_multiple %mul3A_226, 8 : i32
      %dma_wait3A_228 = tpu.memref_slice %arg3[%multiple_of3A_227, %multiple_of3A] : memref<320000x256xf32, #tpu.memory_space<hbm>> -> memref<128x128xf32, #tpu.memory_space<hbm>>
      %dma_wait3A_229 = tpu.memref_slice %arg3[%multiple_of3A_227, %multiple_of3A] : memref<320000x256xf32, #tpu.memory_space<hbm>> -> memref<128x128xf32, #tpu.memory_space<hbm>>
      tpu.wait_dma2 semaphore(%arg11 : memref<!tpu.dma_semaphore, #tpu.memory_space<semaphore_mem>>) src(%dma_wait3A_229 : memref<128x128xf32, #tpu.memory_space<hbm>>) dst(%arg8 : memref<128x128xf32, #tpu.memory_space<vmem>>)
      %run_scoped3A_230 = arith.constant 9 : i32
      "tpu.region"() ({
        %run_scoped3A_339 = tpu.sem_alloc : memref<!tpu.dma_semaphore, #tpu.memory_space<semaphore_mem>>
        %dma_start3A_340 = arith.constant 0 : i32
        %dma_start3A_341 = tpu.memref_slice %arg6[%run_scoped3A_230, %dma_start3A_340] : memref<16x128xi32, #tpu.memory_space<vmem>> -> memref<1x128xi32, #tpu.memory_space<vmem>>
        %dma_start3A_342 = tpu.memref_squeeze %dma_start3A_341 : memref<1x128xi32, #tpu.memory_space<vmem>> -> memref<128xi32, #tpu.memory_space<vmem>>
        %dma_start3A_343 = arith.constant 0 : i32
        %dma_start3A_344 = arith.constant 0 : i32
        %dma_start3A_345 = tpu.memref_slice %arg9[%dma_start3A_343, %dma_start3A_344] : memref<10000x128xf32, #tpu.memory_space<vmem_shared>> -> memref<10000x128xf32, #tpu.memory_space<vmem_shared>>
        tpu.enqueue_indirect_dma source(%arg8 : memref<128x128xf32, #tpu.memory_space<vmem>>) target(%dma_start3A_345 : memref<10000x128xf32, #tpu.memory_space<vmem_shared>>) offsets(%dma_start3A_342 : memref<128xi32, #tpu.memory_space<vmem>>) semaphore(%run_scoped3A_339 : memref<!tpu.dma_semaphore, #tpu.memory_space<semaphore_mem>>) {add = true}
        %dma_wait3A_346 = arith.constant 0 : i32
        %dma_wait3A_347 = tpu.memref_slice %arg6[%run_scoped3A_230, %dma_wait3A_346] : memref<16x128xi32, #tpu.memory_space<vmem>> -> memref<1x128xi32, #tpu.memory_space<vmem>>
        %dma_wait3A_348 = tpu.memref_squeeze %dma_wait3A_347 : memref<1x128xi32, #tpu.memory_space<vmem>> -> memref<128xi32, #tpu.memory_space<vmem>>
        %dma_wait3A_349 = arith.constant 0 : i32
        %dma_wait3A_350 = arith.constant 0 : i32
        %dma_wait3A_351 = tpu.memref_slice %arg9[%dma_wait3A_349, %dma_wait3A_350] : memref<10000x128xf32, #tpu.memory_space<vmem_shared>> -> memref<10000x128xf32, #tpu.memory_space<vmem_shared>>
        tpu.wait_indirect_dma semaphore(%run_scoped3A_339 : memref<!tpu.dma_semaphore, #tpu.memory_space<semaphore_mem>>) src(%arg8 : memref<128x128xf32, #tpu.memory_space<vmem>>) dst(%dma_wait3A_351 : memref<10000x128xf32, #tpu.memory_space<vmem_shared>>)
        tpu.yield
      }) : () -> ()
      %add3A_231 = arith.constant 2 : i32
      %add3A_232 = arith.addi %add3A_223, %add3A_231 : i32
      %lt3A_233 = arith.cmpi slt, %add3A_232, %mul3A_18 : i32
      %convert_element_type3A_234 = arith.extui %lt3A_233 : i1 to i32
      %cond3A_235 = arith.constant 0 : i32
      %cond3A_236 = arith.cmpi ne, %convert_element_type3A_234, %cond3A_235 : i32
      scf.if %cond3A_236 {
        %add3A_339 = arith.constant 2 : i32
        %add3A_340 = arith.addi %add3A_223, %add3A_339 : i32
        %add3A_341 = arith.addi %mul3A_16, %add3A_340 : i32
        %mul3A_342 = arith.constant 128 : i32
        %mul3A_343 = arith.muli %add3A_341, %mul3A_342 : i32
        %multiple_of3A_344 = tpu.assume_multiple %mul3A_343, 8 : i32
        %dma_start3A_345 = tpu.memref_slice %arg3[%multiple_of3A_344, %multiple_of3A] : memref<320000x256xf32, #tpu.memory_space<hbm>> -> memref<128x128xf32, #tpu.memory_space<hbm>>
        %dma_start3A_346 = tpu.memref_slice %arg3[%multiple_of3A_344, %multiple_of3A] : memref<320000x256xf32, #tpu.memory_space<hbm>> -> memref<128x128xf32, #tpu.memory_space<hbm>>
        tpu.enqueue_dma source(%dma_start3A_346 : memref<128x128xf32, #tpu.memory_space<hbm>>) target(%arg8 : memref<128x128xf32, #tpu.memory_space<vmem>>) target_semaphore(%arg11 : memref<!tpu.dma_semaphore, #tpu.memory_space<semaphore_mem>>)
      } else {
      }
      %mul3A_237 = arith.constant 16 : i32
      %mul3A_238 = arith.muli %while3A_64, %mul3A_237 : i32
      %add3A_239 = arith.constant 10 : i32
      %add3A_240 = arith.addi %mul3A_238, %add3A_239 : i32
      %add3A_241 = arith.addi %mul3A_16, %add3A_240 : i32
      %mul3A_242 = arith.constant 128 : i32
      %mul3A_243 = arith.muli %add3A_241, %mul3A_242 : i32
      %multiple_of3A_244 = tpu.assume_multiple %mul3A_243, 8 : i32
      %dma_wait3A_245 = tpu.memref_slice %arg3[%multiple_of3A_244, %multiple_of3A] : memref<320000x256xf32, #tpu.memory_space<hbm>> -> memref<128x128xf32, #tpu.memory_space<hbm>>
      %dma_wait3A_246 = tpu.memref_slice %arg3[%multiple_of3A_244, %multiple_of3A] : memref<320000x256xf32, #tpu.memory_space<hbm>> -> memref<128x128xf32, #tpu.memory_space<hbm>>
      tpu.wait_dma2 semaphore(%arg10 : memref<!tpu.dma_semaphore, #tpu.memory_space<semaphore_mem>>) src(%dma_wait3A_246 : memref<128x128xf32, #tpu.memory_space<hbm>>) dst(%arg7 : memref<128x128xf32, #tpu.memory_space<vmem>>)
      %run_scoped3A_247 = arith.constant 10 : i32
      "tpu.region"() ({
        %run_scoped3A_339 = tpu.sem_alloc : memref<!tpu.dma_semaphore, #tpu.memory_space<semaphore_mem>>
        %dma_start3A_340 = arith.constant 0 : i32
        %dma_start3A_341 = tpu.memref_slice %arg6[%run_scoped3A_247, %dma_start3A_340] : memref<16x128xi32, #tpu.memory_space<vmem>> -> memref<1x128xi32, #tpu.memory_space<vmem>>
        %dma_start3A_342 = tpu.memref_squeeze %dma_start3A_341 : memref<1x128xi32, #tpu.memory_space<vmem>> -> memref<128xi32, #tpu.memory_space<vmem>>
        %dma_start3A_343 = arith.constant 0 : i32
        %dma_start3A_344 = arith.constant 0 : i32
        %dma_start3A_345 = tpu.memref_slice %arg9[%dma_start3A_343, %dma_start3A_344] : memref<10000x128xf32, #tpu.memory_space<vmem_shared>> -> memref<10000x128xf32, #tpu.memory_space<vmem_shared>>
        tpu.enqueue_indirect_dma source(%arg7 : memref<128x128xf32, #tpu.memory_space<vmem>>) target(%dma_start3A_345 : memref<10000x128xf32, #tpu.memory_space<vmem_shared>>) offsets(%dma_start3A_342 : memref<128xi32, #tpu.memory_space<vmem>>) semaphore(%run_scoped3A_339 : memref<!tpu.dma_semaphore, #tpu.memory_space<semaphore_mem>>) {add = true}
        %dma_wait3A_346 = arith.constant 0 : i32
        %dma_wait3A_347 = tpu.memref_slice %arg6[%run_scoped3A_247, %dma_wait3A_346] : memref<16x128xi32, #tpu.memory_space<vmem>> -> memref<1x128xi32, #tpu.memory_space<vmem>>
        %dma_wait3A_348 = tpu.memref_squeeze %dma_wait3A_347 : memref<1x128xi32, #tpu.memory_space<vmem>> -> memref<128xi32, #tpu.memory_space<vmem>>
        %dma_wait3A_349 = arith.constant 0 : i32
        %dma_wait3A_350 = arith.constant 0 : i32
        %dma_wait3A_351 = tpu.memref_slice %arg9[%dma_wait3A_349, %dma_wait3A_350] : memref<10000x128xf32, #tpu.memory_space<vmem_shared>> -> memref<10000x128xf32, #tpu.memory_space<vmem_shared>>
        tpu.wait_indirect_dma semaphore(%run_scoped3A_339 : memref<!tpu.dma_semaphore, #tpu.memory_space<semaphore_mem>>) src(%arg7 : memref<128x128xf32, #tpu.memory_space<vmem>>) dst(%dma_wait3A_351 : memref<10000x128xf32, #tpu.memory_space<vmem_shared>>)
        tpu.yield
      }) : () -> ()
      %add3A_248 = arith.constant 2 : i32
      %add3A_249 = arith.addi %add3A_240, %add3A_248 : i32
      %lt3A_250 = arith.cmpi slt, %add3A_249, %mul3A_18 : i32
      %convert_element_type3A_251 = arith.extui %lt3A_250 : i1 to i32
      %cond3A_252 = arith.constant 0 : i32
      %cond3A_253 = arith.cmpi ne, %convert_element_type3A_251, %cond3A_252 : i32
      scf.if %cond3A_253 {
        %add3A_339 = arith.constant 2 : i32
        %add3A_340 = arith.addi %add3A_240, %add3A_339 : i32
        %add3A_341 = arith.addi %mul3A_16, %add3A_340 : i32
        %mul3A_342 = arith.constant 128 : i32
        %mul3A_343 = arith.muli %add3A_341, %mul3A_342 : i32
        %multiple_of3A_344 = tpu.assume_multiple %mul3A_343, 8 : i32
        %dma_start3A_345 = tpu.memref_slice %arg3[%multiple_of3A_344, %multiple_of3A] : memref<320000x256xf32, #tpu.memory_space<hbm>> -> memref<128x128xf32, #tpu.memory_space<hbm>>
        %dma_start3A_346 = tpu.memref_slice %arg3[%multiple_of3A_344, %multiple_of3A] : memref<320000x256xf32, #tpu.memory_space<hbm>> -> memref<128x128xf32, #tpu.memory_space<hbm>>
        tpu.enqueue_dma source(%dma_start3A_346 : memref<128x128xf32, #tpu.memory_space<hbm>>) target(%arg7 : memref<128x128xf32, #tpu.memory_space<vmem>>) target_semaphore(%arg10 : memref<!tpu.dma_semaphore, #tpu.memory_space<semaphore_mem>>)
      } else {
      }
      %mul3A_254 = arith.constant 16 : i32
      %mul3A_255 = arith.muli %while3A_64, %mul3A_254 : i32
      %add3A_256 = arith.constant 11 : i32
      %add3A_257 = arith.addi %mul3A_255, %add3A_256 : i32
      %add3A_258 = arith.addi %mul3A_16, %add3A_257 : i32
      %mul3A_259 = arith.constant 128 : i32
      %mul3A_260 = arith.muli %add3A_258, %mul3A_259 : i32
      %multiple_of3A_261 = tpu.assume_multiple %mul3A_260, 8 : i32
      %dma_wait3A_262 = tpu.memref_slice %arg3[%multiple_of3A_261, %multiple_of3A] : memref<320000x256xf32, #tpu.memory_space<hbm>> -> memref<128x128xf32, #tpu.memory_space<hbm>>
      %dma_wait3A_263 = tpu.memref_slice %arg3[%multiple_of3A_261, %multiple_of3A] : memref<320000x256xf32, #tpu.memory_space<hbm>> -> memref<128x128xf32, #tpu.memory_space<hbm>>
      tpu.wait_dma2 semaphore(%arg11 : memref<!tpu.dma_semaphore, #tpu.memory_space<semaphore_mem>>) src(%dma_wait3A_263 : memref<128x128xf32, #tpu.memory_space<hbm>>) dst(%arg8 : memref<128x128xf32, #tpu.memory_space<vmem>>)
      %run_scoped3A_264 = arith.constant 11 : i32
      "tpu.region"() ({
        %run_scoped3A_339 = tpu.sem_alloc : memref<!tpu.dma_semaphore, #tpu.memory_space<semaphore_mem>>
        %dma_start3A_340 = arith.constant 0 : i32
        %dma_start3A_341 = tpu.memref_slice %arg6[%run_scoped3A_264, %dma_start3A_340] : memref<16x128xi32, #tpu.memory_space<vmem>> -> memref<1x128xi32, #tpu.memory_space<vmem>>
        %dma_start3A_342 = tpu.memref_squeeze %dma_start3A_341 : memref<1x128xi32, #tpu.memory_space<vmem>> -> memref<128xi32, #tpu.memory_space<vmem>>
        %dma_start3A_343 = arith.constant 0 : i32
        %dma_start3A_344 = arith.constant 0 : i32
        %dma_start3A_345 = tpu.memref_slice %arg9[%dma_start3A_343, %dma_start3A_344] : memref<10000x128xf32, #tpu.memory_space<vmem_shared>> -> memref<10000x128xf32, #tpu.memory_space<vmem_shared>>
        tpu.enqueue_indirect_dma source(%arg8 : memref<128x128xf32, #tpu.memory_space<vmem>>) target(%dma_start3A_345 : memref<10000x128xf32, #tpu.memory_space<vmem_shared>>) offsets(%dma_start3A_342 : memref<128xi32, #tpu.memory_space<vmem>>) semaphore(%run_scoped3A_339 : memref<!tpu.dma_semaphore, #tpu.memory_space<semaphore_mem>>) {add = true}
        %dma_wait3A_346 = arith.constant 0 : i32
        %dma_wait3A_347 = tpu.memref_slice %arg6[%run_scoped3A_264, %dma_wait3A_346] : memref<16x128xi32, #tpu.memory_space<vmem>> -> memref<1x128xi32, #tpu.memory_space<vmem>>
        %dma_wait3A_348 = tpu.memref_squeeze %dma_wait3A_347 : memref<1x128xi32, #tpu.memory_space<vmem>> -> memref<128xi32, #tpu.memory_space<vmem>>
        %dma_wait3A_349 = arith.constant 0 : i32
        %dma_wait3A_350 = arith.constant 0 : i32
        %dma_wait3A_351 = tpu.memref_slice %arg9[%dma_wait3A_349, %dma_wait3A_350] : memref<10000x128xf32, #tpu.memory_space<vmem_shared>> -> memref<10000x128xf32, #tpu.memory_space<vmem_shared>>
        tpu.wait_indirect_dma semaphore(%run_scoped3A_339 : memref<!tpu.dma_semaphore, #tpu.memory_space<semaphore_mem>>) src(%arg8 : memref<128x128xf32, #tpu.memory_space<vmem>>) dst(%dma_wait3A_351 : memref<10000x128xf32, #tpu.memory_space<vmem_shared>>)
        tpu.yield
      }) : () -> ()
      %add3A_265 = arith.constant 2 : i32
      %add3A_266 = arith.addi %add3A_257, %add3A_265 : i32
      %lt3A_267 = arith.cmpi slt, %add3A_266, %mul3A_18 : i32
      %convert_element_type3A_268 = arith.extui %lt3A_267 : i1 to i32
      %cond3A_269 = arith.constant 0 : i32
      %cond3A_270 = arith.cmpi ne, %convert_element_type3A_268, %cond3A_269 : i32
      scf.if %cond3A_270 {
        %add3A_339 = arith.constant 2 : i32
        %add3A_340 = arith.addi %add3A_257, %add3A_339 : i32
        %add3A_341 = arith.addi %mul3A_16, %add3A_340 : i32
        %mul3A_342 = arith.constant 128 : i32
        %mul3A_343 = arith.muli %add3A_341, %mul3A_342 : i32
        %multiple_of3A_344 = tpu.assume_multiple %mul3A_343, 8 : i32
        %dma_start3A_345 = tpu.memref_slice %arg3[%multiple_of3A_344, %multiple_of3A] : memref<320000x256xf32, #tpu.memory_space<hbm>> -> memref<128x128xf32, #tpu.memory_space<hbm>>
        %dma_start3A_346 = tpu.memref_slice %arg3[%multiple_of3A_344, %multiple_of3A] : memref<320000x256xf32, #tpu.memory_space<hbm>> -> memref<128x128xf32, #tpu.memory_space<hbm>>
        tpu.enqueue_dma source(%dma_start3A_346 : memref<128x128xf32, #tpu.memory_space<hbm>>) target(%arg8 : memref<128x128xf32, #tpu.memory_space<vmem>>) target_semaphore(%arg11 : memref<!tpu.dma_semaphore, #tpu.memory_space<semaphore_mem>>)
      } else {
      }
      %mul3A_271 = arith.constant 16 : i32
      %mul3A_272 = arith.muli %while3A_64, %mul3A_271 : i32
      %add3A_273 = arith.constant 12 : i32
      %add3A_274 = arith.addi %mul3A_272, %add3A_273 : i32
      %add3A_275 = arith.addi %mul3A_16, %add3A_274 : i32
      %mul3A_276 = arith.constant 128 : i32
      %mul3A_277 = arith.muli %add3A_275, %mul3A_276 : i32
      %multiple_of3A_278 = tpu.assume_multiple %mul3A_277, 8 : i32
      %dma_wait3A_279 = tpu.memref_slice %arg3[%multiple_of3A_278, %multiple_of3A] : memref<320000x256xf32, #tpu.memory_space<hbm>> -> memref<128x128xf32, #tpu.memory_space<hbm>>
      %dma_wait3A_280 = tpu.memref_slice %arg3[%multiple_of3A_278, %multiple_of3A] : memref<320000x256xf32, #tpu.memory_space<hbm>> -> memref<128x128xf32, #tpu.memory_space<hbm>>
      tpu.wait_dma2 semaphore(%arg10 : memref<!tpu.dma_semaphore, #tpu.memory_space<semaphore_mem>>) src(%dma_wait3A_280 : memref<128x128xf32, #tpu.memory_space<hbm>>) dst(%arg7 : memref<128x128xf32, #tpu.memory_space<vmem>>)
      %run_scoped3A_281 = arith.constant 12 : i32
      "tpu.region"() ({
        %run_scoped3A_339 = tpu.sem_alloc : memref<!tpu.dma_semaphore, #tpu.memory_space<semaphore_mem>>
        %dma_start3A_340 = arith.constant 0 : i32
        %dma_start3A_341 = tpu.memref_slice %arg6[%run_scoped3A_281, %dma_start3A_340] : memref<16x128xi32, #tpu.memory_space<vmem>> -> memref<1x128xi32, #tpu.memory_space<vmem>>
        %dma_start3A_342 = tpu.memref_squeeze %dma_start3A_341 : memref<1x128xi32, #tpu.memory_space<vmem>> -> memref<128xi32, #tpu.memory_space<vmem>>
        %dma_start3A_343 = arith.constant 0 : i32
        %dma_start3A_344 = arith.constant 0 : i32
        %dma_start3A_345 = tpu.memref_slice %arg9[%dma_start3A_343, %dma_start3A_344] : memref<10000x128xf32, #tpu.memory_space<vmem_shared>> -> memref<10000x128xf32, #tpu.memory_space<vmem_shared>>
        tpu.enqueue_indirect_dma source(%arg7 : memref<128x128xf32, #tpu.memory_space<vmem>>) target(%dma_start3A_345 : memref<10000x128xf32, #tpu.memory_space<vmem_shared>>) offsets(%dma_start3A_342 : memref<128xi32, #tpu.memory_space<vmem>>) semaphore(%run_scoped3A_339 : memref<!tpu.dma_semaphore, #tpu.memory_space<semaphore_mem>>) {add = true}
        %dma_wait3A_346 = arith.constant 0 : i32
        %dma_wait3A_347 = tpu.memref_slice %arg6[%run_scoped3A_281, %dma_wait3A_346] : memref<16x128xi32, #tpu.memory_space<vmem>> -> memref<1x128xi32, #tpu.memory_space<vmem>>
        %dma_wait3A_348 = tpu.memref_squeeze %dma_wait3A_347 : memref<1x128xi32, #tpu.memory_space<vmem>> -> memref<128xi32, #tpu.memory_space<vmem>>
        %dma_wait3A_349 = arith.constant 0 : i32
        %dma_wait3A_350 = arith.constant 0 : i32
        %dma_wait3A_351 = tpu.memref_slice %arg9[%dma_wait3A_349, %dma_wait3A_350] : memref<10000x128xf32, #tpu.memory_space<vmem_shared>> -> memref<10000x128xf32, #tpu.memory_space<vmem_shared>>
        tpu.wait_indirect_dma semaphore(%run_scoped3A_339 : memref<!tpu.dma_semaphore, #tpu.memory_space<semaphore_mem>>) src(%arg7 : memref<128x128xf32, #tpu.memory_space<vmem>>) dst(%dma_wait3A_351 : memref<10000x128xf32, #tpu.memory_space<vmem_shared>>)
        tpu.yield
      }) : () -> ()
      %add3A_282 = arith.constant 2 : i32
      %add3A_283 = arith.addi %add3A_274, %add3A_282 : i32
      %lt3A_284 = arith.cmpi slt, %add3A_283, %mul3A_18 : i32
      %convert_element_type3A_285 = arith.extui %lt3A_284 : i1 to i32
      %cond3A_286 = arith.constant 0 : i32
      %cond3A_287 = arith.cmpi ne, %convert_element_type3A_285, %cond3A_286 : i32
      scf.if %cond3A_287 {
        %add3A_339 = arith.constant 2 : i32
        %add3A_340 = arith.addi %add3A_274, %add3A_339 : i32
        %add3A_341 = arith.addi %mul3A_16, %add3A_340 : i32
        %mul3A_342 = arith.constant 128 : i32
        %mul3A_343 = arith.muli %add3A_341, %mul3A_342 : i32
        %multiple_of3A_344 = tpu.assume_multiple %mul3A_343, 8 : i32
        %dma_start3A_345 = tpu.memref_slice %arg3[%multiple_of3A_344, %multiple_of3A] : memref<320000x256xf32, #tpu.memory_space<hbm>> -> memref<128x128xf32, #tpu.memory_space<hbm>>
        %dma_start3A_346 = tpu.memref_slice %arg3[%multiple_of3A_344, %multiple_of3A] : memref<320000x256xf32, #tpu.memory_space<hbm>> -> memref<128x128xf32, #tpu.memory_space<hbm>>
        tpu.enqueue_dma source(%dma_start3A_346 : memref<128x128xf32, #tpu.memory_space<hbm>>) target(%arg7 : memref<128x128xf32, #tpu.memory_space<vmem>>) target_semaphore(%arg10 : memref<!tpu.dma_semaphore, #tpu.memory_space<semaphore_mem>>)
      } else {
      }
      %mul3A_288 = arith.constant 16 : i32
      %mul3A_289 = arith.muli %while3A_64, %mul3A_288 : i32
      %add3A_290 = arith.constant 13 : i32
      %add3A_291 = arith.addi %mul3A_289, %add3A_290 : i32
      %add3A_292 = arith.addi %mul3A_16, %add3A_291 : i32
      %mul3A_293 = arith.constant 128 : i32
      %mul3A_294 = arith.muli %add3A_292, %mul3A_293 : i32
      %multiple_of3A_295 = tpu.assume_multiple %mul3A_294, 8 : i32
      %dma_wait3A_296 = tpu.memref_slice %arg3[%multiple_of3A_295, %multiple_of3A] : memref<320000x256xf32, #tpu.memory_space<hbm>> -> memref<128x128xf32, #tpu.memory_space<hbm>>
      %dma_wait3A_297 = tpu.memref_slice %arg3[%multiple_of3A_295, %multiple_of3A] : memref<320000x256xf32, #tpu.memory_space<hbm>> -> memref<128x128xf32, #tpu.memory_space<hbm>>
      tpu.wait_dma2 semaphore(%arg11 : memref<!tpu.dma_semaphore, #tpu.memory_space<semaphore_mem>>) src(%dma_wait3A_297 : memref<128x128xf32, #tpu.memory_space<hbm>>) dst(%arg8 : memref<128x128xf32, #tpu.memory_space<vmem>>)
      %run_scoped3A_298 = arith.constant 13 : i32
      "tpu.region"() ({
        %run_scoped3A_339 = tpu.sem_alloc : memref<!tpu.dma_semaphore, #tpu.memory_space<semaphore_mem>>
        %dma_start3A_340 = arith.constant 0 : i32
        %dma_start3A_341 = tpu.memref_slice %arg6[%run_scoped3A_298, %dma_start3A_340] : memref<16x128xi32, #tpu.memory_space<vmem>> -> memref<1x128xi32, #tpu.memory_space<vmem>>
        %dma_start3A_342 = tpu.memref_squeeze %dma_start3A_341 : memref<1x128xi32, #tpu.memory_space<vmem>> -> memref<128xi32, #tpu.memory_space<vmem>>
        %dma_start3A_343 = arith.constant 0 : i32
        %dma_start3A_344 = arith.constant 0 : i32
        %dma_start3A_345 = tpu.memref_slice %arg9[%dma_start3A_343, %dma_start3A_344] : memref<10000x128xf32, #tpu.memory_space<vmem_shared>> -> memref<10000x128xf32, #tpu.memory_space<vmem_shared>>
        tpu.enqueue_indirect_dma source(%arg8 : memref<128x128xf32, #tpu.memory_space<vmem>>) target(%dma_start3A_345 : memref<10000x128xf32, #tpu.memory_space<vmem_shared>>) offsets(%dma_start3A_342 : memref<128xi32, #tpu.memory_space<vmem>>) semaphore(%run_scoped3A_339 : memref<!tpu.dma_semaphore, #tpu.memory_space<semaphore_mem>>) {add = true}
        %dma_wait3A_346 = arith.constant 0 : i32
        %dma_wait3A_347 = tpu.memref_slice %arg6[%run_scoped3A_298, %dma_wait3A_346] : memref<16x128xi32, #tpu.memory_space<vmem>> -> memref<1x128xi32, #tpu.memory_space<vmem>>
        %dma_wait3A_348 = tpu.memref_squeeze %dma_wait3A_347 : memref<1x128xi32, #tpu.memory_space<vmem>> -> memref<128xi32, #tpu.memory_space<vmem>>
        %dma_wait3A_349 = arith.constant 0 : i32
        %dma_wait3A_350 = arith.constant 0 : i32
        %dma_wait3A_351 = tpu.memref_slice %arg9[%dma_wait3A_349, %dma_wait3A_350] : memref<10000x128xf32, #tpu.memory_space<vmem_shared>> -> memref<10000x128xf32, #tpu.memory_space<vmem_shared>>
        tpu.wait_indirect_dma semaphore(%run_scoped3A_339 : memref<!tpu.dma_semaphore, #tpu.memory_space<semaphore_mem>>) src(%arg8 : memref<128x128xf32, #tpu.memory_space<vmem>>) dst(%dma_wait3A_351 : memref<10000x128xf32, #tpu.memory_space<vmem_shared>>)
        tpu.yield
      }) : () -> ()
      %add3A_299 = arith.constant 2 : i32
      %add3A_300 = arith.addi %add3A_291, %add3A_299 : i32
      %lt3A_301 = arith.cmpi slt, %add3A_300, %mul3A_18 : i32
      %convert_element_type3A_302 = arith.extui %lt3A_301 : i1 to i32
      %cond3A_303 = arith.constant 0 : i32
      %cond3A_304 = arith.cmpi ne, %convert_element_type3A_302, %cond3A_303 : i32
      scf.if %cond3A_304 {
        %add3A_339 = arith.constant 2 : i32
        %add3A_340 = arith.addi %add3A_291, %add3A_339 : i32
        %add3A_341 = arith.addi %mul3A_16, %add3A_340 : i32
        %mul3A_342 = arith.constant 128 : i32
        %mul3A_343 = arith.muli %add3A_341, %mul3A_342 : i32
        %multiple_of3A_344 = tpu.assume_multiple %mul3A_343, 8 : i32
        %dma_start3A_345 = tpu.memref_slice %arg3[%multiple_of3A_344, %multiple_of3A] : memref<320000x256xf32, #tpu.memory_space<hbm>> -> memref<128x128xf32, #tpu.memory_space<hbm>>
        %dma_start3A_346 = tpu.memref_slice %arg3[%multiple_of3A_344, %multiple_of3A] : memref<320000x256xf32, #tpu.memory_space<hbm>> -> memref<128x128xf32, #tpu.memory_space<hbm>>
        tpu.enqueue_dma source(%dma_start3A_346 : memref<128x128xf32, #tpu.memory_space<hbm>>) target(%arg8 : memref<128x128xf32, #tpu.memory_space<vmem>>) target_semaphore(%arg11 : memref<!tpu.dma_semaphore, #tpu.memory_space<semaphore_mem>>)
      } else {
      }
      %mul3A_305 = arith.constant 16 : i32
      %mul3A_306 = arith.muli %while3A_64, %mul3A_305 : i32
      %add3A_307 = arith.constant 14 : i32
      %add3A_308 = arith.addi %mul3A_306, %add3A_307 : i32
      %add3A_309 = arith.addi %mul3A_16, %add3A_308 : i32
      %mul3A_310 = arith.constant 128 : i32
      %mul3A_311 = arith.muli %add3A_309, %mul3A_310 : i32
      %multiple_of3A_312 = tpu.assume_multiple %mul3A_311, 8 : i32
      %dma_wait3A_313 = tpu.memref_slice %arg3[%multiple_of3A_312, %multiple_of3A] : memref<320000x256xf32, #tpu.memory_space<hbm>> -> memref<128x128xf32, #tpu.memory_space<hbm>>
      %dma_wait3A_314 = tpu.memref_slice %arg3[%multiple_of3A_312, %multiple_of3A] : memref<320000x256xf32, #tpu.memory_space<hbm>> -> memref<128x128xf32, #tpu.memory_space<hbm>>
      tpu.wait_dma2 semaphore(%arg10 : memref<!tpu.dma_semaphore, #tpu.memory_space<semaphore_mem>>) src(%dma_wait3A_314 : memref<128x128xf32, #tpu.memory_space<hbm>>) dst(%arg7 : memref<128x128xf32, #tpu.memory_space<vmem>>)
      %run_scoped3A_315 = arith.constant 14 : i32
      "tpu.region"() ({
        %run_scoped3A_339 = tpu.sem_alloc : memref<!tpu.dma_semaphore, #tpu.memory_space<semaphore_mem>>
        %dma_start3A_340 = arith.constant 0 : i32
        %dma_start3A_341 = tpu.memref_slice %arg6[%run_scoped3A_315, %dma_start3A_340] : memref<16x128xi32, #tpu.memory_space<vmem>> -> memref<1x128xi32, #tpu.memory_space<vmem>>
        %dma_start3A_342 = tpu.memref_squeeze %dma_start3A_341 : memref<1x128xi32, #tpu.memory_space<vmem>> -> memref<128xi32, #tpu.memory_space<vmem>>
        %dma_start3A_343 = arith.constant 0 : i32
        %dma_start3A_344 = arith.constant 0 : i32
        %dma_start3A_345 = tpu.memref_slice %arg9[%dma_start3A_343, %dma_start3A_344] : memref<10000x128xf32, #tpu.memory_space<vmem_shared>> -> memref<10000x128xf32, #tpu.memory_space<vmem_shared>>
        tpu.enqueue_indirect_dma source(%arg7 : memref<128x128xf32, #tpu.memory_space<vmem>>) target(%dma_start3A_345 : memref<10000x128xf32, #tpu.memory_space<vmem_shared>>) offsets(%dma_start3A_342 : memref<128xi32, #tpu.memory_space<vmem>>) semaphore(%run_scoped3A_339 : memref<!tpu.dma_semaphore, #tpu.memory_space<semaphore_mem>>) {add = true}
        %dma_wait3A_346 = arith.constant 0 : i32
        %dma_wait3A_347 = tpu.memref_slice %arg6[%run_scoped3A_315, %dma_wait3A_346] : memref<16x128xi32, #tpu.memory_space<vmem>> -> memref<1x128xi32, #tpu.memory_space<vmem>>
        %dma_wait3A_348 = tpu.memref_squeeze %dma_wait3A_347 : memref<1x128xi32, #tpu.memory_space<vmem>> -> memref<128xi32, #tpu.memory_space<vmem>>
        %dma_wait3A_349 = arith.constant 0 : i32
        %dma_wait3A_350 = arith.constant 0 : i32
        %dma_wait3A_351 = tpu.memref_slice %arg9[%dma_wait3A_349, %dma_wait3A_350] : memref<10000x128xf32, #tpu.memory_space<vmem_shared>> -> memref<10000x128xf32, #tpu.memory_space<vmem_shared>>
        tpu.wait_indirect_dma semaphore(%run_scoped3A_339 : memref<!tpu.dma_semaphore, #tpu.memory_space<semaphore_mem>>) src(%arg7 : memref<128x128xf32, #tpu.memory_space<vmem>>) dst(%dma_wait3A_351 : memref<10000x128xf32, #tpu.memory_space<vmem_shared>>)
        tpu.yield
      }) : () -> ()
      %add3A_316 = arith.constant 2 : i32
      %add3A_317 = arith.addi %add3A_308, %add3A_316 : i32
      %lt3A_318 = arith.cmpi slt, %add3A_317, %mul3A_18 : i32
      %convert_element_type3A_319 = arith.extui %lt3A_318 : i1 to i32
      %cond3A_320 = arith.constant 0 : i32
      %cond3A_321 = arith.cmpi ne, %convert_element_type3A_319, %cond3A_320 : i32
      scf.if %cond3A_321 {
        %add3A_339 = arith.constant 2 : i32
        %add3A_340 = arith.addi %add3A_308, %add3A_339 : i32
        %add3A_341 = arith.addi %mul3A_16, %add3A_340 : i32
        %mul3A_342 = arith.constant 128 : i32
        %mul3A_343 = arith.muli %add3A_341, %mul3A_342 : i32
        %multiple_of3A_344 = tpu.assume_multiple %mul3A_343, 8 : i32
        %dma_start3A_345 = tpu.memref_slice %arg3[%multiple_of3A_344, %multiple_of3A] : memref<320000x256xf32, #tpu.memory_space<hbm>> -> memref<128x128xf32, #tpu.memory_space<hbm>>
        %dma_start3A_346 = tpu.memref_slice %arg3[%multiple_of3A_344, %multiple_of3A] : memref<320000x256xf32, #tpu.memory_space<hbm>> -> memref<128x128xf32, #tpu.memory_space<hbm>>
        tpu.enqueue_dma source(%dma_start3A_346 : memref<128x128xf32, #tpu.memory_space<hbm>>) target(%arg7 : memref<128x128xf32, #tpu.memory_space<vmem>>) target_semaphore(%arg10 : memref<!tpu.dma_semaphore, #tpu.memory_space<semaphore_mem>>)
      } else {
      }
      %mul3A_322 = arith.constant 16 : i32
      %mul3A_323 = arith.muli %while3A_64, %mul3A_322 : i32
      %add3A_324 = arith.constant 15 : i32
      %add3A_325 = arith.addi %mul3A_323, %add3A_324 : i32
      %add3A_326 = arith.addi %mul3A_16, %add3A_325 : i32
      %mul3A_327 = arith.constant 128 : i32
      %mul3A_328 = arith.muli %add3A_326, %mul3A_327 : i32
      %multiple_of3A_329 = tpu.assume_multiple %mul3A_328, 8 : i32
      %dma_wait3A_330 = tpu.memref_slice %arg3[%multiple_of3A_329, %multiple_of3A] : memref<320000x256xf32, #tpu.memory_space<hbm>> -> memref<128x128xf32, #tpu.memory_space<hbm>>
      %dma_wait3A_331 = tpu.memref_slice %arg3[%multiple_of3A_329, %multiple_of3A] : memref<320000x256xf32, #tpu.memory_space<hbm>> -> memref<128x128xf32, #tpu.memory_space<hbm>>
      tpu.wait_dma2 semaphore(%arg11 : memref<!tpu.dma_semaphore, #tpu.memory_space<semaphore_mem>>) src(%dma_wait3A_331 : memref<128x128xf32, #tpu.memory_space<hbm>>) dst(%arg8 : memref<128x128xf32, #tpu.memory_space<vmem>>)
      %run_scoped3A_332 = arith.constant 15 : i32
      "tpu.region"() ({
        %run_scoped3A_339 = tpu.sem_alloc : memref<!tpu.dma_semaphore, #tpu.memory_space<semaphore_mem>>
        %dma_start3A_340 = arith.constant 0 : i32
        %dma_start3A_341 = tpu.memref_slice %arg6[%run_scoped3A_332, %dma_start3A_340] : memref<16x128xi32, #tpu.memory_space<vmem>> -> memref<1x128xi32, #tpu.memory_space<vmem>>
        %dma_start3A_342 = tpu.memref_squeeze %dma_start3A_341 : memref<1x128xi32, #tpu.memory_space<vmem>> -> memref<128xi32, #tpu.memory_space<vmem>>
        %dma_start3A_343 = arith.constant 0 : i32
        %dma_start3A_344 = arith.constant 0 : i32
        %dma_start3A_345 = tpu.memref_slice %arg9[%dma_start3A_343, %dma_start3A_344] : memref<10000x128xf32, #tpu.memory_space<vmem_shared>> -> memref<10000x128xf32, #tpu.memory_space<vmem_shared>>
        tpu.enqueue_indirect_dma source(%arg8 : memref<128x128xf32, #tpu.memory_space<vmem>>) target(%dma_start3A_345 : memref<10000x128xf32, #tpu.memory_space<vmem_shared>>) offsets(%dma_start3A_342 : memref<128xi32, #tpu.memory_space<vmem>>) semaphore(%run_scoped3A_339 : memref<!tpu.dma_semaphore, #tpu.memory_space<semaphore_mem>>) {add = true}
        %dma_wait3A_346 = arith.constant 0 : i32
        %dma_wait3A_347 = tpu.memref_slice %arg6[%run_scoped3A_332, %dma_wait3A_346] : memref<16x128xi32, #tpu.memory_space<vmem>> -> memref<1x128xi32, #tpu.memory_space<vmem>>
        %dma_wait3A_348 = tpu.memref_squeeze %dma_wait3A_347 : memref<1x128xi32, #tpu.memory_space<vmem>> -> memref<128xi32, #tpu.memory_space<vmem>>
        %dma_wait3A_349 = arith.constant 0 : i32
        %dma_wait3A_350 = arith.constant 0 : i32
        %dma_wait3A_351 = tpu.memref_slice %arg9[%dma_wait3A_349, %dma_wait3A_350] : memref<10000x128xf32, #tpu.memory_space<vmem_shared>> -> memref<10000x128xf32, #tpu.memory_space<vmem_shared>>
        tpu.wait_indirect_dma semaphore(%run_scoped3A_339 : memref<!tpu.dma_semaphore, #tpu.memory_space<semaphore_mem>>) src(%arg8 : memref<128x128xf32, #tpu.memory_space<vmem>>) dst(%dma_wait3A_351 : memref<10000x128xf32, #tpu.memory_space<vmem_shared>>)
        tpu.yield
      }) : () -> ()
      %add3A_333 = arith.constant 2 : i32
      %add3A_334 = arith.addi %add3A_325, %add3A_333 : i32
      %lt3A_335 = arith.cmpi slt, %add3A_334, %mul3A_18 : i32
      %convert_element_type3A_336 = arith.extui %lt3A_335 : i1 to i32
      %cond3A_337 = arith.constant 0 : i32
      %cond3A_338 = arith.cmpi ne, %convert_element_type3A_336, %cond3A_337 : i32
      scf.if %cond3A_338 {
        %add3A_339 = arith.constant 2 : i32
        %add3A_340 = arith.addi %add3A_325, %add3A_339 : i32
        %add3A_341 = arith.addi %mul3A_16, %add3A_340 : i32
        %mul3A_342 = arith.constant 128 : i32
        %mul3A_343 = arith.muli %add3A_341, %mul3A_342 : i32
        %multiple_of3A_344 = tpu.assume_multiple %mul3A_343, 8 : i32
        %dma_start3A_345 = tpu.memref_slice %arg3[%multiple_of3A_344, %multiple_of3A] : memref<320000x256xf32, #tpu.memory_space<hbm>> -> memref<128x128xf32, #tpu.memory_space<hbm>>
        %dma_start3A_346 = tpu.memref_slice %arg3[%multiple_of3A_344, %multiple_of3A] : memref<320000x256xf32, #tpu.memory_space<hbm>> -> memref<128x128xf32, #tpu.memory_space<hbm>>
        tpu.enqueue_dma source(%dma_start3A_346 : memref<128x128xf32, #tpu.memory_space<hbm>>) target(%arg8 : memref<128x128xf32, #tpu.memory_space<vmem>>) target_semaphore(%arg11 : memref<!tpu.dma_semaphore, #tpu.memory_space<semaphore_mem>>)
      } else {
      }
    }
    %while3A_47 = arith.constant 1 : i32
    scf.for %while3A_64 = %while3A_45 to %while3A_41 step %while3A_47  : i32 {
      %add3A_65 = arith.addi %select_n3A, %while3A_64 : i32
      %mul3A_66 = arith.constant 16 : i32
      %mul3A_67 = arith.muli %add3A_65, %mul3A_66 : i32
      %multiple_of3A_68 = tpu.assume_multiple %mul3A_67, 8 : i32
      "tpu.region"() ({
        %run_scoped3A_339 = tpu.sem_alloc : memref<!tpu.dma_semaphore, #tpu.memory_space<semaphore_mem>>
        %dma_start3A_340 = arith.constant 0 : i32
        %dma_start3A_341 = tpu.memref_slice %arg2[%multiple_of3A_68, %dma_start3A_340] : memref<2512x128xi32, #tpu.memory_space<hbm>> -> memref<16x128xi32, #tpu.memory_space<hbm>>
        %dma_start3A_342 = arith.constant 0 : i32
        %dma_start3A_343 = tpu.memref_slice %arg2[%multiple_of3A_68, %dma_start3A_342] : memref<2512x128xi32, #tpu.memory_space<hbm>> -> memref<16x128xi32, #tpu.memory_space<hbm>>
        tpu.enqueue_dma source(%dma_start3A_343 : memref<16x128xi32, #tpu.memory_space<hbm>>) target(%arg6 : memref<16x128xi32, #tpu.memory_space<vmem>>) target_semaphore(%run_scoped3A_339 : memref<!tpu.dma_semaphore, #tpu.memory_space<semaphore_mem>>)
        %dma_wait3A_344 = arith.constant 0 : i32
        %dma_wait3A_345 = tpu.memref_slice %arg2[%multiple_of3A_68, %dma_wait3A_344] : memref<2512x128xi32, #tpu.memory_space<hbm>> -> memref<16x128xi32, #tpu.memory_space<hbm>>
        %dma_wait3A_346 = arith.constant 0 : i32
        %dma_wait3A_347 = tpu.memref_slice %arg2[%multiple_of3A_68, %dma_wait3A_346] : memref<2512x128xi32, #tpu.memory_space<hbm>> -> memref<16x128xi32, #tpu.memory_space<hbm>>
        tpu.wait_dma2 semaphore(%run_scoped3A_339 : memref<!tpu.dma_semaphore, #tpu.memory_space<semaphore_mem>>) src(%dma_wait3A_347 : memref<16x128xi32, #tpu.memory_space<hbm>>) dst(%arg6 : memref<16x128xi32, #tpu.memory_space<vmem>>)
        tpu.yield
      }) : () -> ()
      %mul3A_69 = arith.constant 16 : i32
      %mul3A_70 = arith.muli %while3A_64, %mul3A_69 : i32
      %add3A_71 = arith.constant 0 : i32
      %add3A_72 = arith.addi %mul3A_70, %add3A_71 : i32
      %add3A_73 = arith.addi %mul3A_16, %add3A_72 : i32
      %mul3A_74 = arith.constant 128 : i32
      %mul3A_75 = arith.muli %add3A_73, %mul3A_74 : i32
      %multiple_of3A_76 = tpu.assume_multiple %mul3A_75, 8 : i32
      %dma_wait3A = tpu.memref_slice %arg3[%multiple_of3A_76, %multiple_of3A] : memref<320000x256xf32, #tpu.memory_space<hbm>> -> memref<128x128xf32, #tpu.memory_space<hbm>>
      %dma_wait3A_77 = tpu.memref_slice %arg3[%multiple_of3A_76, %multiple_of3A] : memref<320000x256xf32, #tpu.memory_space<hbm>> -> memref<128x128xf32, #tpu.memory_space<hbm>>
      tpu.wait_dma2 semaphore(%arg10 : memref<!tpu.dma_semaphore, #tpu.memory_space<semaphore_mem>>) src(%dma_wait3A_77 : memref<128x128xf32, #tpu.memory_space<hbm>>) dst(%arg7 : memref<128x128xf32, #tpu.memory_space<vmem>>)
      %run_scoped3A = arith.constant 0 : i32
      "tpu.region"() ({
        %run_scoped3A_339 = tpu.sem_alloc : memref<!tpu.dma_semaphore, #tpu.memory_space<semaphore_mem>>
        %dma_start3A_340 = arith.constant 0 : i32
        %dma_start3A_341 = tpu.memref_slice %arg6[%run_scoped3A, %dma_start3A_340] : memref<16x128xi32, #tpu.memory_space<vmem>> -> memref<1x128xi32, #tpu.memory_space<vmem>>
        %dma_start3A_342 = tpu.memref_squeeze %dma_start3A_341 : memref<1x128xi32, #tpu.memory_space<vmem>> -> memref<128xi32, #tpu.memory_space<vmem>>
        %dma_start3A_343 = arith.constant 0 : i32
        %dma_start3A_344 = arith.constant 0 : i32
        %dma_start3A_345 = tpu.memref_slice %arg9[%dma_start3A_343, %dma_start3A_344] : memref<10000x128xf32, #tpu.memory_space<vmem_shared>> -> memref<10000x128xf32, #tpu.memory_space<vmem_shared>>
        tpu.enqueue_indirect_dma source(%arg7 : memref<128x128xf32, #tpu.memory_space<vmem>>) target(%dma_start3A_345 : memref<10000x128xf32, #tpu.memory_space<vmem_shared>>) offsets(%dma_start3A_342 : memref<128xi32, #tpu.memory_space<vmem>>) semaphore(%run_scoped3A_339 : memref<!tpu.dma_semaphore, #tpu.memory_space<semaphore_mem>>) {add = true}
        %dma_wait3A_346 = arith.constant 0 : i32
        %dma_wait3A_347 = tpu.memref_slice %arg6[%run_scoped3A, %dma_wait3A_346] : memref<16x128xi32, #tpu.memory_space<vmem>> -> memref<1x128xi32, #tpu.memory_space<vmem>>
        %dma_wait3A_348 = tpu.memref_squeeze %dma_wait3A_347 : memref<1x128xi32, #tpu.memory_space<vmem>> -> memref<128xi32, #tpu.memory_space<vmem>>
        %dma_wait3A_349 = arith.constant 0 : i32
        %dma_wait3A_350 = arith.constant 0 : i32
        %dma_wait3A_351 = tpu.memref_slice %arg9[%dma_wait3A_349, %dma_wait3A_350] : memref<10000x128xf32, #tpu.memory_space<vmem_shared>> -> memref<10000x128xf32, #tpu.memory_space<vmem_shared>>
        tpu.wait_indirect_dma semaphore(%run_scoped3A_339 : memref<!tpu.dma_semaphore, #tpu.memory_space<semaphore_mem>>) src(%arg7 : memref<128x128xf32, #tpu.memory_space<vmem>>) dst(%dma_wait3A_351 : memref<10000x128xf32, #tpu.memory_space<vmem_shared>>)
        tpu.yield
      }) : () -> ()
      %add3A_78 = arith.constant 2 : i32
      %add3A_79 = arith.addi %add3A_72, %add3A_78 : i32
      %lt3A_80 = arith.cmpi slt, %add3A_79, %mul3A_18 : i32
      %convert_element_type3A_81 = arith.extui %lt3A_80 : i1 to i32
      %cond3A_82 = arith.constant 0 : i32
      %cond3A_83 = arith.cmpi ne, %convert_element_type3A_81, %cond3A_82 : i32
      scf.if %cond3A_83 {
        %add3A_339 = arith.constant 2 : i32
        %add3A_340 = arith.addi %add3A_72, %add3A_339 : i32
        %add3A_341 = arith.addi %mul3A_16, %add3A_340 : i32
        %mul3A_342 = arith.constant 128 : i32
        %mul3A_343 = arith.muli %add3A_341, %mul3A_342 : i32
        %multiple_of3A_344 = tpu.assume_multiple %mul3A_343, 8 : i32
        %dma_start3A_345 = tpu.memref_slice %arg3[%multiple_of3A_344, %multiple_of3A] : memref<320000x256xf32, #tpu.memory_space<hbm>> -> memref<128x128xf32, #tpu.memory_space<hbm>>
        %dma_start3A_346 = tpu.memref_slice %arg3[%multiple_of3A_344, %multiple_of3A] : memref<320000x256xf32, #tpu.memory_space<hbm>> -> memref<128x128xf32, #tpu.memory_space<hbm>>
        tpu.enqueue_dma source(%dma_start3A_346 : memref<128x128xf32, #tpu.memory_space<hbm>>) target(%arg7 : memref<128x128xf32, #tpu.memory_space<vmem>>) target_semaphore(%arg10 : memref<!tpu.dma_semaphore, #tpu.memory_space<semaphore_mem>>)
      } else {
      }
      %mul3A_84 = arith.constant 16 : i32
      %mul3A_85 = arith.muli %while3A_64, %mul3A_84 : i32
      %add3A_86 = arith.constant 1 : i32
      %add3A_87 = arith.addi %mul3A_85, %add3A_86 : i32
      %add3A_88 = arith.addi %mul3A_16, %add3A_87 : i32
      %mul3A_89 = arith.constant 128 : i32
      %mul3A_90 = arith.muli %add3A_88, %mul3A_89 : i32
      %multiple_of3A_91 = tpu.assume_multiple %mul3A_90, 8 : i32
      %dma_wait3A_92 = tpu.memref_slice %arg3[%multiple_of3A_91, %multiple_of3A] : memref<320000x256xf32, #tpu.memory_space<hbm>> -> memref<128x128xf32, #tpu.memory_space<hbm>>
      %dma_wait3A_93 = tpu.memref_slice %arg3[%multiple_of3A_91, %multiple_of3A] : memref<320000x256xf32, #tpu.memory_space<hbm>> -> memref<128x128xf32, #tpu.memory_space<hbm>>
      tpu.wait_dma2 semaphore(%arg11 : memref<!tpu.dma_semaphore, #tpu.memory_space<semaphore_mem>>) src(%dma_wait3A_93 : memref<128x128xf32, #tpu.memory_space<hbm>>) dst(%arg8 : memref<128x128xf32, #tpu.memory_space<vmem>>)
      %run_scoped3A_94 = arith.constant 1 : i32
      "tpu.region"() ({
        %run_scoped3A_339 = tpu.sem_alloc : memref<!tpu.dma_semaphore, #tpu.memory_space<semaphore_mem>>
        %dma_start3A_340 = arith.constant 0 : i32
        %dma_start3A_341 = tpu.memref_slice %arg6[%run_scoped3A_94, %dma_start3A_340] : memref<16x128xi32, #tpu.memory_space<vmem>> -> memref<1x128xi32, #tpu.memory_space<vmem>>
        %dma_start3A_342 = tpu.memref_squeeze %dma_start3A_341 : memref<1x128xi32, #tpu.memory_space<vmem>> -> memref<128xi32, #tpu.memory_space<vmem>>
        %dma_start3A_343 = arith.constant 0 : i32
        %dma_start3A_344 = arith.constant 0 : i32
        %dma_start3A_345 = tpu.memref_slice %arg9[%dma_start3A_343, %dma_start3A_344] : memref<10000x128xf32, #tpu.memory_space<vmem_shared>> -> memref<10000x128xf32, #tpu.memory_space<vmem_shared>>
        tpu.enqueue_indirect_dma source(%arg8 : memref<128x128xf32, #tpu.memory_space<vmem>>) target(%dma_start3A_345 : memref<10000x128xf32, #tpu.memory_space<vmem_shared>>) offsets(%dma_start3A_342 : memref<128xi32, #tpu.memory_space<vmem>>) semaphore(%run_scoped3A_339 : memref<!tpu.dma_semaphore, #tpu.memory_space<semaphore_mem>>) {add = true}
        %dma_wait3A_346 = arith.constant 0 : i32
        %dma_wait3A_347 = tpu.memref_slice %arg6[%run_scoped3A_94, %dma_wait3A_346] : memref<16x128xi32, #tpu.memory_space<vmem>> -> memref<1x128xi32, #tpu.memory_space<vmem>>
        %dma_wait3A_348 = tpu.memref_squeeze %dma_wait3A_347 : memref<1x128xi32, #tpu.memory_space<vmem>> -> memref<128xi32, #tpu.memory_space<vmem>>
        %dma_wait3A_349 = arith.constant 0 : i32
        %dma_wait3A_350 = arith.constant 0 : i32
        %dma_wait3A_351 = tpu.memref_slice %arg9[%dma_wait3A_349, %dma_wait3A_350] : memref<10000x128xf32, #tpu.memory_space<vmem_shared>> -> memref<10000x128xf32, #tpu.memory_space<vmem_shared>>
        tpu.wait_indirect_dma semaphore(%run_scoped3A_339 : memref<!tpu.dma_semaphore, #tpu.memory_space<semaphore_mem>>) src(%arg8 : memref<128x128xf32, #tpu.memory_space<vmem>>) dst(%dma_wait3A_351 : memref<10000x128xf32, #tpu.memory_space<vmem_shared>>)
        tpu.yield
      }) : () -> ()
      %add3A_95 = arith.constant 2 : i32
      %add3A_96 = arith.addi %add3A_87, %add3A_95 : i32
      %lt3A_97 = arith.cmpi slt, %add3A_96, %mul3A_18 : i32
      %convert_element_type3A_98 = arith.extui %lt3A_97 : i1 to i32
      %cond3A_99 = arith.constant 0 : i32
      %cond3A_100 = arith.cmpi ne, %convert_element_type3A_98, %cond3A_99 : i32
      scf.if %cond3A_100 {
        %add3A_339 = arith.constant 2 : i32
        %add3A_340 = arith.addi %add3A_87, %add3A_339 : i32
        %add3A_341 = arith.addi %mul3A_16, %add3A_340 : i32
        %mul3A_342 = arith.constant 128 : i32
        %mul3A_343 = arith.muli %add3A_341, %mul3A_342 : i32
        %multiple_of3A_344 = tpu.assume_multiple %mul3A_343, 8 : i32
        %dma_start3A_345 = tpu.memref_slice %arg3[%multiple_of3A_344, %multiple_of3A] : memref<320000x256xf32, #tpu.memory_space<hbm>> -> memref<128x128xf32, #tpu.memory_space<hbm>>
        %dma_start3A_346 = tpu.memref_slice %arg3[%multiple_of3A_344, %multiple_of3A] : memref<320000x256xf32, #tpu.memory_space<hbm>> -> memref<128x128xf32, #tpu.memory_space<hbm>>
        tpu.enqueue_dma source(%dma_start3A_346 : memref<128x128xf32, #tpu.memory_space<hbm>>) target(%arg8 : memref<128x128xf32, #tpu.memory_space<vmem>>) target_semaphore(%arg11 : memref<!tpu.dma_semaphore, #tpu.memory_space<semaphore_mem>>)
      } else {
      }
      %mul3A_101 = arith.constant 16 : i32
      %mul3A_102 = arith.muli %while3A_64, %mul3A_101 : i32
      %add3A_103 = arith.constant 2 : i32
      %add3A_104 = arith.addi %mul3A_102, %add3A_103 : i32
      %add3A_105 = arith.addi %mul3A_16, %add3A_104 : i32
      %mul3A_106 = arith.constant 128 : i32
      %mul3A_107 = arith.muli %add3A_105, %mul3A_106 : i32
      %multiple_of3A_108 = tpu.assume_multiple %mul3A_107, 8 : i32
      %dma_wait3A_109 = tpu.memref_slice %arg3[%multiple_of3A_108, %multiple_of3A] : memref<320000x256xf32, #tpu.memory_space<hbm>> -> memref<128x128xf32, #tpu.memory_space<hbm>>
      %dma_wait3A_110 = tpu.memref_slice %arg3[%multiple_of3A_108, %multiple_of3A] : memref<320000x256xf32, #tpu.memory_space<hbm>> -> memref<128x128xf32, #tpu.memory_space<hbm>>
      tpu.wait_dma2 semaphore(%arg10 : memref<!tpu.dma_semaphore, #tpu.memory_space<semaphore_mem>>) src(%dma_wait3A_110 : memref<128x128xf32, #tpu.memory_space<hbm>>) dst(%arg7 : memref<128x128xf32, #tpu.memory_space<vmem>>)
      %run_scoped3A_111 = arith.constant 2 : i32
      "tpu.region"() ({
        %run_scoped3A_339 = tpu.sem_alloc : memref<!tpu.dma_semaphore, #tpu.memory_space<semaphore_mem>>
        %dma_start3A_340 = arith.constant 0 : i32
        %dma_start3A_341 = tpu.memref_slice %arg6[%run_scoped3A_111, %dma_start3A_340] : memref<16x128xi32, #tpu.memory_space<vmem>> -> memref<1x128xi32, #tpu.memory_space<vmem>>
        %dma_start3A_342 = tpu.memref_squeeze %dma_start3A_341 : memref<1x128xi32, #tpu.memory_space<vmem>> -> memref<128xi32, #tpu.memory_space<vmem>>
        %dma_start3A_343 = arith.constant 0 : i32
        %dma_start3A_344 = arith.constant 0 : i32
        %dma_start3A_345 = tpu.memref_slice %arg9[%dma_start3A_343, %dma_start3A_344] : memref<10000x128xf32, #tpu.memory_space<vmem_shared>> -> memref<10000x128xf32, #tpu.memory_space<vmem_shared>>
        tpu.enqueue_indirect_dma source(%arg7 : memref<128x128xf32, #tpu.memory_space<vmem>>) target(%dma_start3A_345 : memref<10000x128xf32, #tpu.memory_space<vmem_shared>>) offsets(%dma_start3A_342 : memref<128xi32, #tpu.memory_space<vmem>>) semaphore(%run_scoped3A_339 : memref<!tpu.dma_semaphore, #tpu.memory_space<semaphore_mem>>) {add = true}
        %dma_wait3A_346 = arith.constant 0 : i32
        %dma_wait3A_347 = tpu.memref_slice %arg6[%run_scoped3A_111, %dma_wait3A_346] : memref<16x128xi32, #tpu.memory_space<vmem>> -> memref<1x128xi32, #tpu.memory_space<vmem>>
        %dma_wait3A_348 = tpu.memref_squeeze %dma_wait3A_347 : memref<1x128xi32, #tpu.memory_space<vmem>> -> memref<128xi32, #tpu.memory_space<vmem>>
        %dma_wait3A_349 = arith.constant 0 : i32
        %dma_wait3A_350 = arith.constant 0 : i32
        %dma_wait3A_351 = tpu.memref_slice %arg9[%dma_wait3A_349, %dma_wait3A_350] : memref<10000x128xf32, #tpu.memory_space<vmem_shared>> -> memref<10000x128xf32, #tpu.memory_space<vmem_shared>>
        tpu.wait_indirect_dma semaphore(%run_scoped3A_339 : memref<!tpu.dma_semaphore, #tpu.memory_space<semaphore_mem>>) src(%arg7 : memref<128x128xf32, #tpu.memory_space<vmem>>) dst(%dma_wait3A_351 : memref<10000x128xf32, #tpu.memory_space<vmem_shared>>)
        tpu.yield
      }) : () -> ()
      %add3A_112 = arith.constant 2 : i32
      %add3A_113 = arith.addi %add3A_104, %add3A_112 : i32
      %lt3A_114 = arith.cmpi slt, %add3A_113, %mul3A_18 : i32
      %convert_element_type3A_115 = arith.extui %lt3A_114 : i1 to i32
      %cond3A_116 = arith.constant 0 : i32
      %cond3A_117 = arith.cmpi ne, %convert_element_type3A_115, %cond3A_116 : i32
      scf.if %cond3A_117 {
        %add3A_339 = arith.constant 2 : i32
        %add3A_340 = arith.addi %add3A_104, %add3A_339 : i32
        %add3A_341 = arith.addi %mul3A_16, %add3A_340 : i32
        %mul3A_342 = arith.constant 128 : i32
        %mul3A_343 = arith.muli %add3A_341, %mul3A_342 : i32
        %multiple_of3A_344 = tpu.assume_multiple %mul3A_343, 8 : i32
        %dma_start3A_345 = tpu.memref_slice %arg3[%multiple_of3A_344, %multiple_of3A] : memref<320000x256xf32, #tpu.memory_space<hbm>> -> memref<128x128xf32, #tpu.memory_space<hbm>>
        %dma_start3A_346 = tpu.memref_slice %arg3[%multiple_of3A_344, %multiple_of3A] : memref<320000x256xf32, #tpu.memory_space<hbm>> -> memref<128x128xf32, #tpu.memory_space<hbm>>
        tpu.enqueue_dma source(%dma_start3A_346 : memref<128x128xf32, #tpu.memory_space<hbm>>) target(%arg7 : memref<128x128xf32, #tpu.memory_space<vmem>>) target_semaphore(%arg10 : memref<!tpu.dma_semaphore, #tpu.memory_space<semaphore_mem>>)
      } else {
      }
      %mul3A_118 = arith.constant 16 : i32
      %mul3A_119 = arith.muli %while3A_64, %mul3A_118 : i32
      %add3A_120 = arith.constant 3 : i32
      %add3A_121 = arith.addi %mul3A_119, %add3A_120 : i32
      %add3A_122 = arith.addi %mul3A_16, %add3A_121 : i32
      %mul3A_123 = arith.constant 128 : i32
      %mul3A_124 = arith.muli %add3A_122, %mul3A_123 : i32
      %multiple_of3A_125 = tpu.assume_multiple %mul3A_124, 8 : i32
      %dma_wait3A_126 = tpu.memref_slice %arg3[%multiple_of3A_125, %multiple_of3A] : memref<320000x256xf32, #tpu.memory_space<hbm>> -> memref<128x128xf32, #tpu.memory_space<hbm>>
      %dma_wait3A_127 = tpu.memref_slice %arg3[%multiple_of3A_125, %multiple_of3A] : memref<320000x256xf32, #tpu.memory_space<hbm>> -> memref<128x128xf32, #tpu.memory_space<hbm>>
      tpu.wait_dma2 semaphore(%arg11 : memref<!tpu.dma_semaphore, #tpu.memory_space<semaphore_mem>>) src(%dma_wait3A_127 : memref<128x128xf32, #tpu.memory_space<hbm>>) dst(%arg8 : memref<128x128xf32, #tpu.memory_space<vmem>>)
      %run_scoped3A_128 = arith.constant 3 : i32
      "tpu.region"() ({
        %run_scoped3A_339 = tpu.sem_alloc : memref<!tpu.dma_semaphore, #tpu.memory_space<semaphore_mem>>
        %dma_start3A_340 = arith.constant 0 : i32
        %dma_start3A_341 = tpu.memref_slice %arg6[%run_scoped3A_128, %dma_start3A_340] : memref<16x128xi32, #tpu.memory_space<vmem>> -> memref<1x128xi32, #tpu.memory_space<vmem>>
        %dma_start3A_342 = tpu.memref_squeeze %dma_start3A_341 : memref<1x128xi32, #tpu.memory_space<vmem>> -> memref<128xi32, #tpu.memory_space<vmem>>
        %dma_start3A_343 = arith.constant 0 : i32
        %dma_start3A_344 = arith.constant 0 : i32
        %dma_start3A_345 = tpu.memref_slice %arg9[%dma_start3A_343, %dma_start3A_344] : memref<10000x128xf32, #tpu.memory_space<vmem_shared>> -> memref<10000x128xf32, #tpu.memory_space<vmem_shared>>
        tpu.enqueue_indirect_dma source(%arg8 : memref<128x128xf32, #tpu.memory_space<vmem>>) target(%dma_start3A_345 : memref<10000x128xf32, #tpu.memory_space<vmem_shared>>) offsets(%dma_start3A_342 : memref<128xi32, #tpu.memory_space<vmem>>) semaphore(%run_scoped3A_339 : memref<!tpu.dma_semaphore, #tpu.memory_space<semaphore_mem>>) {add = true}
        %dma_wait3A_346 = arith.constant 0 : i32
        %dma_wait3A_347 = tpu.memref_slice %arg6[%run_scoped3A_128, %dma_wait3A_346] : memref<16x128xi32, #tpu.memory_space<vmem>> -> memref<1x128xi32, #tpu.memory_space<vmem>>
        %dma_wait3A_348 = tpu.memref_squeeze %dma_wait3A_347 : memref<1x128xi32, #tpu.memory_space<vmem>> -> memref<128xi32, #tpu.memory_space<vmem>>
        %dma_wait3A_349 = arith.constant 0 : i32
        %dma_wait3A_350 = arith.constant 0 : i32
        %dma_wait3A_351 = tpu.memref_slice %arg9[%dma_wait3A_349, %dma_wait3A_350] : memref<10000x128xf32, #tpu.memory_space<vmem_shared>> -> memref<10000x128xf32, #tpu.memory_space<vmem_shared>>
        tpu.wait_indirect_dma semaphore(%run_scoped3A_339 : memref<!tpu.dma_semaphore, #tpu.memory_space<semaphore_mem>>) src(%arg8 : memref<128x128xf32, #tpu.memory_space<vmem>>) dst(%dma_wait3A_351 : memref<10000x128xf32, #tpu.memory_space<vmem_shared>>)
        tpu.yield
      }) : () -> ()
      %add3A_129 = arith.constant 2 : i32
      %add3A_130 = arith.addi %add3A_121, %add3A_129 : i32
      %lt3A_131 = arith.cmpi slt, %add3A_130, %mul3A_18 : i32
      %convert_element_type3A_132 = arith.extui %lt3A_131 : i1 to i32
      %cond3A_133 = arith.constant 0 : i32
      %cond3A_134 = arith.cmpi ne, %convert_element_type3A_132, %cond3A_133 : i32
      scf.if %cond3A_134 {
        %add3A_339 = arith.constant 2 : i32
        %add3A_340 = arith.addi %add3A_121, %add3A_339 : i32
        %add3A_341 = arith.addi %mul3A_16, %add3A_340 : i32
        %mul3A_342 = arith.constant 128 : i32
        %mul3A_343 = arith.muli %add3A_341, %mul3A_342 : i32
        %multiple_of3A_344 = tpu.assume_multiple %mul3A_343, 8 : i32
        %dma_start3A_345 = tpu.memref_slice %arg3[%multiple_of3A_344, %multiple_of3A] : memref<320000x256xf32, #tpu.memory_space<hbm>> -> memref<128x128xf32, #tpu.memory_space<hbm>>
        %dma_start3A_346 = tpu.memref_slice %arg3[%multiple_of3A_344, %multiple_of3A] : memref<320000x256xf32, #tpu.memory_space<hbm>> -> memref<128x128xf32, #tpu.memory_space<hbm>>
        tpu.enqueue_dma source(%dma_start3A_346 : memref<128x128xf32, #tpu.memory_space<hbm>>) target(%arg8 : memref<128x128xf32, #tpu.memory_space<vmem>>) target_semaphore(%arg11 : memref<!tpu.dma_semaphore, #tpu.memory_space<semaphore_mem>>)
      } else {
      }
      %mul3A_135 = arith.constant 16 : i32
      %mul3A_136 = arith.muli %while3A_64, %mul3A_135 : i32
      %add3A_137 = arith.constant 4 : i32
      %add3A_138 = arith.addi %mul3A_136, %add3A_137 : i32
      %add3A_139 = arith.addi %mul3A_16, %add3A_138 : i32
      %mul3A_140 = arith.constant 128 : i32
      %mul3A_141 = arith.muli %add3A_139, %mul3A_140 : i32
      %multiple_of3A_142 = tpu.assume_multiple %mul3A_141, 8 : i32
      %dma_wait3A_143 = tpu.memref_slice %arg3[%multiple_of3A_142, %multiple_of3A] : memref<320000x256xf32, #tpu.memory_space<hbm>> -> memref<128x128xf32, #tpu.memory_space<hbm>>
      %dma_wait3A_144 = tpu.memref_slice %arg3[%multiple_of3A_142, %multiple_of3A] : memref<320000x256xf32, #tpu.memory_space<hbm>> -> memref<128x128xf32, #tpu.memory_space<hbm>>
      tpu.wait_dma2 semaphore(%arg10 : memref<!tpu.dma_semaphore, #tpu.memory_space<semaphore_mem>>) src(%dma_wait3A_144 : memref<128x128xf32, #tpu.memory_space<hbm>>) dst(%arg7 : memref<128x128xf32, #tpu.memory_space<vmem>>)
      %run_scoped3A_145 = arith.constant 4 : i32
      "tpu.region"() ({
        %run_scoped3A_339 = tpu.sem_alloc : memref<!tpu.dma_semaphore, #tpu.memory_space<semaphore_mem>>
        %dma_start3A_340 = arith.constant 0 : i32
        %dma_start3A_341 = tpu.memref_slice %arg6[%run_scoped3A_145, %dma_start3A_340] : memref<16x128xi32, #tpu.memory_space<vmem>> -> memref<1x128xi32, #tpu.memory_space<vmem>>
        %dma_start3A_342 = tpu.memref_squeeze %dma_start3A_341 : memref<1x128xi32, #tpu.memory_space<vmem>> -> memref<128xi32, #tpu.memory_space<vmem>>
        %dma_start3A_343 = arith.constant 0 : i32
        %dma_start3A_344 = arith.constant 0 : i32
        %dma_start3A_345 = tpu.memref_slice %arg9[%dma_start3A_343, %dma_start3A_344] : memref<10000x128xf32, #tpu.memory_space<vmem_shared>> -> memref<10000x128xf32, #tpu.memory_space<vmem_shared>>
        tpu.enqueue_indirect_dma source(%arg7 : memref<128x128xf32, #tpu.memory_space<vmem>>) target(%dma_start3A_345 : memref<10000x128xf32, #tpu.memory_space<vmem_shared>>) offsets(%dma_start3A_342 : memref<128xi32, #tpu.memory_space<vmem>>) semaphore(%run_scoped3A_339 : memref<!tpu.dma_semaphore, #tpu.memory_space<semaphore_mem>>) {add = true}
        %dma_wait3A_346 = arith.constant 0 : i32
        %dma_wait3A_347 = tpu.memref_slice %arg6[%run_scoped3A_145, %dma_wait3A_346] : memref<16x128xi32, #tpu.memory_space<vmem>> -> memref<1x128xi32, #tpu.memory_space<vmem>>
        %dma_wait3A_348 = tpu.memref_squeeze %dma_wait3A_347 : memref<1x128xi32, #tpu.memory_space<vmem>> -> memref<128xi32, #tpu.memory_space<vmem>>
        %dma_wait3A_349 = arith.constant 0 : i32
        %dma_wait3A_350 = arith.constant 0 : i32
        %dma_wait3A_351 = tpu.memref_slice %arg9[%dma_wait3A_349, %dma_wait3A_350] : memref<10000x128xf32, #tpu.memory_space<vmem_shared>> -> memref<10000x128xf32, #tpu.memory_space<vmem_shared>>
        tpu.wait_indirect_dma semaphore(%run_scoped3A_339 : memref<!tpu.dma_semaphore, #tpu.memory_space<semaphore_mem>>) src(%arg7 : memref<128x128xf32, #tpu.memory_space<vmem>>) dst(%dma_wait3A_351 : memref<10000x128xf32, #tpu.memory_space<vmem_shared>>)
        tpu.yield
      }) : () -> ()
      %add3A_146 = arith.constant 2 : i32
      %add3A_147 = arith.addi %add3A_138, %add3A_146 : i32
      %lt3A_148 = arith.cmpi slt, %add3A_147, %mul3A_18 : i32
      %convert_element_type3A_149 = arith.extui %lt3A_148 : i1 to i32
      %cond3A_150 = arith.constant 0 : i32
      %cond3A_151 = arith.cmpi ne, %convert_element_type3A_149, %cond3A_150 : i32
      scf.if %cond3A_151 {
        %add3A_339 = arith.constant 2 : i32
        %add3A_340 = arith.addi %add3A_138, %add3A_339 : i32
        %add3A_341 = arith.addi %mul3A_16, %add3A_340 : i32
        %mul3A_342 = arith.constant 128 : i32
        %mul3A_343 = arith.muli %add3A_341, %mul3A_342 : i32
        %multiple_of3A_344 = tpu.assume_multiple %mul3A_343, 8 : i32
        %dma_start3A_345 = tpu.memref_slice %arg3[%multiple_of3A_344, %multiple_of3A] : memref<320000x256xf32, #tpu.memory_space<hbm>> -> memref<128x128xf32, #tpu.memory_space<hbm>>
        %dma_start3A_346 = tpu.memref_slice %arg3[%multiple_of3A_344, %multiple_of3A] : memref<320000x256xf32, #tpu.memory_space<hbm>> -> memref<128x128xf32, #tpu.memory_space<hbm>>
        tpu.enqueue_dma source(%dma_start3A_346 : memref<128x128xf32, #tpu.memory_space<hbm>>) target(%arg7 : memref<128x128xf32, #tpu.memory_space<vmem>>) target_semaphore(%arg10 : memref<!tpu.dma_semaphore, #tpu.memory_space<semaphore_mem>>)
      } else {
      }
      %mul3A_152 = arith.constant 16 : i32
      %mul3A_153 = arith.muli %while3A_64, %mul3A_152 : i32
      %add3A_154 = arith.constant 5 : i32
      %add3A_155 = arith.addi %mul3A_153, %add3A_154 : i32
      %add3A_156 = arith.addi %mul3A_16, %add3A_155 : i32
      %mul3A_157 = arith.constant 128 : i32
      %mul3A_158 = arith.muli %add3A_156, %mul3A_157 : i32
      %multiple_of3A_159 = tpu.assume_multiple %mul3A_158, 8 : i32
      %dma_wait3A_160 = tpu.memref_slice %arg3[%multiple_of3A_159, %multiple_of3A] : memref<320000x256xf32, #tpu.memory_space<hbm>> -> memref<128x128xf32, #tpu.memory_space<hbm>>
      %dma_wait3A_161 = tpu.memref_slice %arg3[%multiple_of3A_159, %multiple_of3A] : memref<320000x256xf32, #tpu.memory_space<hbm>> -> memref<128x128xf32, #tpu.memory_space<hbm>>
      tpu.wait_dma2 semaphore(%arg11 : memref<!tpu.dma_semaphore, #tpu.memory_space<semaphore_mem>>) src(%dma_wait3A_161 : memref<128x128xf32, #tpu.memory_space<hbm>>) dst(%arg8 : memref<128x128xf32, #tpu.memory_space<vmem>>)
      %run_scoped3A_162 = arith.constant 5 : i32
      "tpu.region"() ({
        %run_scoped3A_339 = tpu.sem_alloc : memref<!tpu.dma_semaphore, #tpu.memory_space<semaphore_mem>>
        %dma_start3A_340 = arith.constant 0 : i32
        %dma_start3A_341 = tpu.memref_slice %arg6[%run_scoped3A_162, %dma_start3A_340] : memref<16x128xi32, #tpu.memory_space<vmem>> -> memref<1x128xi32, #tpu.memory_space<vmem>>
        %dma_start3A_342 = tpu.memref_squeeze %dma_start3A_341 : memref<1x128xi32, #tpu.memory_space<vmem>> -> memref<128xi32, #tpu.memory_space<vmem>>
        %dma_start3A_343 = arith.constant 0 : i32
        %dma_start3A_344 = arith.constant 0 : i32
        %dma_start3A_345 = tpu.memref_slice %arg9[%dma_start3A_343, %dma_start3A_344] : memref<10000x128xf32, #tpu.memory_space<vmem_shared>> -> memref<10000x128xf32, #tpu.memory_space<vmem_shared>>
        tpu.enqueue_indirect_dma source(%arg8 : memref<128x128xf32, #tpu.memory_space<vmem>>) target(%dma_start3A_345 : memref<10000x128xf32, #tpu.memory_space<vmem_shared>>) offsets(%dma_start3A_342 : memref<128xi32, #tpu.memory_space<vmem>>) semaphore(%run_scoped3A_339 : memref<!tpu.dma_semaphore, #tpu.memory_space<semaphore_mem>>) {add = true}
        %dma_wait3A_346 = arith.constant 0 : i32
        %dma_wait3A_347 = tpu.memref_slice %arg6[%run_scoped3A_162, %dma_wait3A_346] : memref<16x128xi32, #tpu.memory_space<vmem>> -> memref<1x128xi32, #tpu.memory_space<vmem>>
        %dma_wait3A_348 = tpu.memref_squeeze %dma_wait3A_347 : memref<1x128xi32, #tpu.memory_space<vmem>> -> memref<128xi32, #tpu.memory_space<vmem>>
        %dma_wait3A_349 = arith.constant 0 : i32
        %dma_wait3A_350 = arith.constant 0 : i32
        %dma_wait3A_351 = tpu.memref_slice %arg9[%dma_wait3A_349, %dma_wait3A_350] : memref<10000x128xf32, #tpu.memory_space<vmem_shared>> -> memref<10000x128xf32, #tpu.memory_space<vmem_shared>>
        tpu.wait_indirect_dma semaphore(%run_scoped3A_339 : memref<!tpu.dma_semaphore, #tpu.memory_space<semaphore_mem>>) src(%arg8 : memref<128x128xf32, #tpu.memory_space<vmem>>) dst(%dma_wait3A_351 : memref<10000x128xf32, #tpu.memory_space<vmem_shared>>)
        tpu.yield
      }) : () -> ()
      %add3A_163 = arith.constant 2 : i32
      %add3A_164 = arith.addi %add3A_155, %add3A_163 : i32
      %lt3A_165 = arith.cmpi slt, %add3A_164, %mul3A_18 : i32
      %convert_element_type3A_166 = arith.extui %lt3A_165 : i1 to i32
      %cond3A_167 = arith.constant 0 : i32
      %cond3A_168 = arith.cmpi ne, %convert_element_type3A_166, %cond3A_167 : i32
      scf.if %cond3A_168 {
        %add3A_339 = arith.constant 2 : i32
        %add3A_340 = arith.addi %add3A_155, %add3A_339 : i32
        %add3A_341 = arith.addi %mul3A_16, %add3A_340 : i32
        %mul3A_342 = arith.constant 128 : i32
        %mul3A_343 = arith.muli %add3A_341, %mul3A_342 : i32
        %multiple_of3A_344 = tpu.assume_multiple %mul3A_343, 8 : i32
        %dma_start3A_345 = tpu.memref_slice %arg3[%multiple_of3A_344, %multiple_of3A] : memref<320000x256xf32, #tpu.memory_space<hbm>> -> memref<128x128xf32, #tpu.memory_space<hbm>>
        %dma_start3A_346 = tpu.memref_slice %arg3[%multiple_of3A_344, %multiple_of3A] : memref<320000x256xf32, #tpu.memory_space<hbm>> -> memref<128x128xf32, #tpu.memory_space<hbm>>
        tpu.enqueue_dma source(%dma_start3A_346 : memref<128x128xf32, #tpu.memory_space<hbm>>) target(%arg8 : memref<128x128xf32, #tpu.memory_space<vmem>>) target_semaphore(%arg11 : memref<!tpu.dma_semaphore, #tpu.memory_space<semaphore_mem>>)
      } else {
      }
      %mul3A_169 = arith.constant 16 : i32
      %mul3A_170 = arith.muli %while3A_64, %mul3A_169 : i32
      %add3A_171 = arith.constant 6 : i32
      %add3A_172 = arith.addi %mul3A_170, %add3A_171 : i32
      %add3A_173 = arith.addi %mul3A_16, %add3A_172 : i32
      %mul3A_174 = arith.constant 128 : i32
      %mul3A_175 = arith.muli %add3A_173, %mul3A_174 : i32
      %multiple_of3A_176 = tpu.assume_multiple %mul3A_175, 8 : i32
      %dma_wait3A_177 = tpu.memref_slice %arg3[%multiple_of3A_176, %multiple_of3A] : memref<320000x256xf32, #tpu.memory_space<hbm>> -> memref<128x128xf32, #tpu.memory_space<hbm>>
      %dma_wait3A_178 = tpu.memref_slice %arg3[%multiple_of3A_176, %multiple_of3A] : memref<320000x256xf32, #tpu.memory_space<hbm>> -> memref<128x128xf32, #tpu.memory_space<hbm>>
      tpu.wait_dma2 semaphore(%arg10 : memref<!tpu.dma_semaphore, #tpu.memory_space<semaphore_mem>>) src(%dma_wait3A_178 : memref<128x128xf32, #tpu.memory_space<hbm>>) dst(%arg7 : memref<128x128xf32, #tpu.memory_space<vmem>>)
      %run_scoped3A_179 = arith.constant 6 : i32
      "tpu.region"() ({
        %run_scoped3A_339 = tpu.sem_alloc : memref<!tpu.dma_semaphore, #tpu.memory_space<semaphore_mem>>
        %dma_start3A_340 = arith.constant 0 : i32
        %dma_start3A_341 = tpu.memref_slice %arg6[%run_scoped3A_179, %dma_start3A_340] : memref<16x128xi32, #tpu.memory_space<vmem>> -> memref<1x128xi32, #tpu.memory_space<vmem>>
        %dma_start3A_342 = tpu.memref_squeeze %dma_start3A_341 : memref<1x128xi32, #tpu.memory_space<vmem>> -> memref<128xi32, #tpu.memory_space<vmem>>
        %dma_start3A_343 = arith.constant 0 : i32
        %dma_start3A_344 = arith.constant 0 : i32
        %dma_start3A_345 = tpu.memref_slice %arg9[%dma_start3A_343, %dma_start3A_344] : memref<10000x128xf32, #tpu.memory_space<vmem_shared>> -> memref<10000x128xf32, #tpu.memory_space<vmem_shared>>
        tpu.enqueue_indirect_dma source(%arg7 : memref<128x128xf32, #tpu.memory_space<vmem>>) target(%dma_start3A_345 : memref<10000x128xf32, #tpu.memory_space<vmem_shared>>) offsets(%dma_start3A_342 : memref<128xi32, #tpu.memory_space<vmem>>) semaphore(%run_scoped3A_339 : memref<!tpu.dma_semaphore, #tpu.memory_space<semaphore_mem>>) {add = true}
        %dma_wait3A_346 = arith.constant 0 : i32
        %dma_wait3A_347 = tpu.memref_slice %arg6[%run_scoped3A_179, %dma_wait3A_346] : memref<16x128xi32, #tpu.memory_space<vmem>> -> memref<1x128xi32, #tpu.memory_space<vmem>>
        %dma_wait3A_348 = tpu.memref_squeeze %dma_wait3A_347 : memref<1x128xi32, #tpu.memory_space<vmem>> -> memref<128xi32, #tpu.memory_space<vmem>>
        %dma_wait3A_349 = arith.constant 0 : i32
        %dma_wait3A_350 = arith.constant 0 : i32
        %dma_wait3A_351 = tpu.memref_slice %arg9[%dma_wait3A_349, %dma_wait3A_350] : memref<10000x128xf32, #tpu.memory_space<vmem_shared>> -> memref<10000x128xf32, #tpu.memory_space<vmem_shared>>
        tpu.wait_indirect_dma semaphore(%run_scoped3A_339 : memref<!tpu.dma_semaphore, #tpu.memory_space<semaphore_mem>>) src(%arg7 : memref<128x128xf32, #tpu.memory_space<vmem>>) dst(%dma_wait3A_351 : memref<10000x128xf32, #tpu.memory_space<vmem_shared>>)
        tpu.yield
      }) : () -> ()
      %add3A_180 = arith.constant 2 : i32
      %add3A_181 = arith.addi %add3A_172, %add3A_180 : i32
      %lt3A_182 = arith.cmpi slt, %add3A_181, %mul3A_18 : i32
      %convert_element_type3A_183 = arith.extui %lt3A_182 : i1 to i32
      %cond3A_184 = arith.constant 0 : i32
      %cond3A_185 = arith.cmpi ne, %convert_element_type3A_183, %cond3A_184 : i32
      scf.if %cond3A_185 {
        %add3A_339 = arith.constant 2 : i32
        %add3A_340 = arith.addi %add3A_172, %add3A_339 : i32
        %add3A_341 = arith.addi %mul3A_16, %add3A_340 : i32
        %mul3A_342 = arith.constant 128 : i32
        %mul3A_343 = arith.muli %add3A_341, %mul3A_342 : i32
        %multiple_of3A_344 = tpu.assume_multiple %mul3A_343, 8 : i32
        %dma_start3A_345 = tpu.memref_slice %arg3[%multiple_of3A_344, %multiple_of3A] : memref<320000x256xf32, #tpu.memory_space<hbm>> -> memref<128x128xf32, #tpu.memory_space<hbm>>
        %dma_start3A_346 = tpu.memref_slice %arg3[%multiple_of3A_344, %multiple_of3A] : memref<320000x256xf32, #tpu.memory_space<hbm>> -> memref<128x128xf32, #tpu.memory_space<hbm>>
        tpu.enqueue_dma source(%dma_start3A_346 : memref<128x128xf32, #tpu.memory_space<hbm>>) target(%arg7 : memref<128x128xf32, #tpu.memory_space<vmem>>) target_semaphore(%arg10 : memref<!tpu.dma_semaphore, #tpu.memory_space<semaphore_mem>>)
      } else {
      }
      %mul3A_186 = arith.constant 16 : i32
      %mul3A_187 = arith.muli %while3A_64, %mul3A_186 : i32
      %add3A_188 = arith.constant 7 : i32
      %add3A_189 = arith.addi %mul3A_187, %add3A_188 : i32
      %add3A_190 = arith.addi %mul3A_16, %add3A_189 : i32
      %mul3A_191 = arith.constant 128 : i32
      %mul3A_192 = arith.muli %add3A_190, %mul3A_191 : i32
      %multiple_of3A_193 = tpu.assume_multiple %mul3A_192, 8 : i32
      %dma_wait3A_194 = tpu.memref_slice %arg3[%multiple_of3A_193, %multiple_of3A] : memref<320000x256xf32, #tpu.memory_space<hbm>> -> memref<128x128xf32, #tpu.memory_space<hbm>>
      %dma_wait3A_195 = tpu.memref_slice %arg3[%multiple_of3A_193, %multiple_of3A] : memref<320000x256xf32, #tpu.memory_space<hbm>> -> memref<128x128xf32, #tpu.memory_space<hbm>>
      tpu.wait_dma2 semaphore(%arg11 : memref<!tpu.dma_semaphore, #tpu.memory_space<semaphore_mem>>) src(%dma_wait3A_195 : memref<128x128xf32, #tpu.memory_space<hbm>>) dst(%arg8 : memref<128x128xf32, #tpu.memory_space<vmem>>)
      %run_scoped3A_196 = arith.constant 7 : i32
      "tpu.region"() ({
        %run_scoped3A_339 = tpu.sem_alloc : memref<!tpu.dma_semaphore, #tpu.memory_space<semaphore_mem>>
        %dma_start3A_340 = arith.constant 0 : i32
        %dma_start3A_341 = tpu.memref_slice %arg6[%run_scoped3A_196, %dma_start3A_340] : memref<16x128xi32, #tpu.memory_space<vmem>> -> memref<1x128xi32, #tpu.memory_space<vmem>>
        %dma_start3A_342 = tpu.memref_squeeze %dma_start3A_341 : memref<1x128xi32, #tpu.memory_space<vmem>> -> memref<128xi32, #tpu.memory_space<vmem>>
        %dma_start3A_343 = arith.constant 0 : i32
        %dma_start3A_344 = arith.constant 0 : i32
        %dma_start3A_345 = tpu.memref_slice %arg9[%dma_start3A_343, %dma_start3A_344] : memref<10000x128xf32, #tpu.memory_space<vmem_shared>> -> memref<10000x128xf32, #tpu.memory_space<vmem_shared>>
        tpu.enqueue_indirect_dma source(%arg8 : memref<128x128xf32, #tpu.memory_space<vmem>>) target(%dma_start3A_345 : memref<10000x128xf32, #tpu.memory_space<vmem_shared>>) offsets(%dma_start3A_342 : memref<128xi32, #tpu.memory_space<vmem>>) semaphore(%run_scoped3A_339 : memref<!tpu.dma_semaphore, #tpu.memory_space<semaphore_mem>>) {add = true}
        %dma_wait3A_346 = arith.constant 0 : i32
        %dma_wait3A_347 = tpu.memref_slice %arg6[%run_scoped3A_196, %dma_wait3A_346] : memref<16x128xi32, #tpu.memory_space<vmem>> -> memref<1x128xi32, #tpu.memory_space<vmem>>
        %dma_wait3A_348 = tpu.memref_squeeze %dma_wait3A_347 : memref<1x128xi32, #tpu.memory_space<vmem>> -> memref<128xi32, #tpu.memory_space<vmem>>
        %dma_wait3A_349 = arith.constant 0 : i32
        %dma_wait3A_350 = arith.constant 0 : i32
        %dma_wait3A_351 = tpu.memref_slice %arg9[%dma_wait3A_349, %dma_wait3A_350] : memref<10000x128xf32, #tpu.memory_space<vmem_shared>> -> memref<10000x128xf32, #tpu.memory_space<vmem_shared>>
        tpu.wait_indirect_dma semaphore(%run_scoped3A_339 : memref<!tpu.dma_semaphore, #tpu.memory_space<semaphore_mem>>) src(%arg8 : memref<128x128xf32, #tpu.memory_space<vmem>>) dst(%dma_wait3A_351 : memref<10000x128xf32, #tpu.memory_space<vmem_shared>>)
        tpu.yield
      }) : () -> ()
      %add3A_197 = arith.constant 2 : i32
      %add3A_198 = arith.addi %add3A_189, %add3A_197 : i32
      %lt3A_199 = arith.cmpi slt, %add3A_198, %mul3A_18 : i32
      %convert_element_type3A_200 = arith.extui %lt3A_199 : i1 to i32
      %cond3A_201 = arith.constant 0 : i32
      %cond3A_202 = arith.cmpi ne, %convert_element_type3A_200, %cond3A_201 : i32
      scf.if %cond3A_202 {
        %add3A_339 = arith.constant 2 : i32
        %add3A_340 = arith.addi %add3A_189, %add3A_339 : i32
        %add3A_341 = arith.addi %mul3A_16, %add3A_340 : i32
        %mul3A_342 = arith.constant 128 : i32
        %mul3A_343 = arith.muli %add3A_341, %mul3A_342 : i32
        %multiple_of3A_344 = tpu.assume_multiple %mul3A_343, 8 : i32
        %dma_start3A_345 = tpu.memref_slice %arg3[%multiple_of3A_344, %multiple_of3A] : memref<320000x256xf32, #tpu.memory_space<hbm>> -> memref<128x128xf32, #tpu.memory_space<hbm>>
        %dma_start3A_346 = tpu.memref_slice %arg3[%multiple_of3A_344, %multiple_of3A] : memref<320000x256xf32, #tpu.memory_space<hbm>> -> memref<128x128xf32, #tpu.memory_space<hbm>>
        tpu.enqueue_dma source(%dma_start3A_346 : memref<128x128xf32, #tpu.memory_space<hbm>>) target(%arg8 : memref<128x128xf32, #tpu.memory_space<vmem>>) target_semaphore(%arg11 : memref<!tpu.dma_semaphore, #tpu.memory_space<semaphore_mem>>)
      } else {
      }
      %mul3A_203 = arith.constant 16 : i32
      %mul3A_204 = arith.muli %while3A_64, %mul3A_203 : i32
      %add3A_205 = arith.constant 8 : i32
      %add3A_206 = arith.addi %mul3A_204, %add3A_205 : i32
      %add3A_207 = arith.addi %mul3A_16, %add3A_206 : i32
      %mul3A_208 = arith.constant 128 : i32
      %mul3A_209 = arith.muli %add3A_207, %mul3A_208 : i32
      %multiple_of3A_210 = tpu.assume_multiple %mul3A_209, 8 : i32
      %dma_wait3A_211 = tpu.memref_slice %arg3[%multiple_of3A_210, %multiple_of3A] : memref<320000x256xf32, #tpu.memory_space<hbm>> -> memref<128x128xf32, #tpu.memory_space<hbm>>
      %dma_wait3A_212 = tpu.memref_slice %arg3[%multiple_of3A_210, %multiple_of3A] : memref<320000x256xf32, #tpu.memory_space<hbm>> -> memref<128x128xf32, #tpu.memory_space<hbm>>
      tpu.wait_dma2 semaphore(%arg10 : memref<!tpu.dma_semaphore, #tpu.memory_space<semaphore_mem>>) src(%dma_wait3A_212 : memref<128x128xf32, #tpu.memory_space<hbm>>) dst(%arg7 : memref<128x128xf32, #tpu.memory_space<vmem>>)
      %run_scoped3A_213 = arith.constant 8 : i32
      "tpu.region"() ({
        %run_scoped3A_339 = tpu.sem_alloc : memref<!tpu.dma_semaphore, #tpu.memory_space<semaphore_mem>>
        %dma_start3A_340 = arith.constant 0 : i32
        %dma_start3A_341 = tpu.memref_slice %arg6[%run_scoped3A_213, %dma_start3A_340] : memref<16x128xi32, #tpu.memory_space<vmem>> -> memref<1x128xi32, #tpu.memory_space<vmem>>
        %dma_start3A_342 = tpu.memref_squeeze %dma_start3A_341 : memref<1x128xi32, #tpu.memory_space<vmem>> -> memref<128xi32, #tpu.memory_space<vmem>>
        %dma_start3A_343 = arith.constant 0 : i32
        %dma_start3A_344 = arith.constant 0 : i32
        %dma_start3A_345 = tpu.memref_slice %arg9[%dma_start3A_343, %dma_start3A_344] : memref<10000x128xf32, #tpu.memory_space<vmem_shared>> -> memref<10000x128xf32, #tpu.memory_space<vmem_shared>>
        tpu.enqueue_indirect_dma source(%arg7 : memref<128x128xf32, #tpu.memory_space<vmem>>) target(%dma_start3A_345 : memref<10000x128xf32, #tpu.memory_space<vmem_shared>>) offsets(%dma_start3A_342 : memref<128xi32, #tpu.memory_space<vmem>>) semaphore(%run_scoped3A_339 : memref<!tpu.dma_semaphore, #tpu.memory_space<semaphore_mem>>) {add = true}
        %dma_wait3A_346 = arith.constant 0 : i32
        %dma_wait3A_347 = tpu.memref_slice %arg6[%run_scoped3A_213, %dma_wait3A_346] : memref<16x128xi32, #tpu.memory_space<vmem>> -> memref<1x128xi32, #tpu.memory_space<vmem>>
        %dma_wait3A_348 = tpu.memref_squeeze %dma_wait3A_347 : memref<1x128xi32, #tpu.memory_space<vmem>> -> memref<128xi32, #tpu.memory_space<vmem>>
        %dma_wait3A_349 = arith.constant 0 : i32
        %dma_wait3A_350 = arith.constant 0 : i32
        %dma_wait3A_351 = tpu.memref_slice %arg9[%dma_wait3A_349, %dma_wait3A_350] : memref<10000x128xf32, #tpu.memory_space<vmem_shared>> -> memref<10000x128xf32, #tpu.memory_space<vmem_shared>>
        tpu.wait_indirect_dma semaphore(%run_scoped3A_339 : memref<!tpu.dma_semaphore, #tpu.memory_space<semaphore_mem>>) src(%arg7 : memref<128x128xf32, #tpu.memory_space<vmem>>) dst(%dma_wait3A_351 : memref<10000x128xf32, #tpu.memory_space<vmem_shared>>)
        tpu.yield
      }) : () -> ()
      %add3A_214 = arith.constant 2 : i32
      %add3A_215 = arith.addi %add3A_206, %add3A_214 : i32
      %lt3A_216 = arith.cmpi slt, %add3A_215, %mul3A_18 : i32
      %convert_element_type3A_217 = arith.extui %lt3A_216 : i1 to i32
      %cond3A_218 = arith.constant 0 : i32
      %cond3A_219 = arith.cmpi ne, %convert_element_type3A_217, %cond3A_218 : i32
      scf.if %cond3A_219 {
        %add3A_339 = arith.constant 2 : i32
        %add3A_340 = arith.addi %add3A_206, %add3A_339 : i32
        %add3A_341 = arith.addi %mul3A_16, %add3A_340 : i32
        %mul3A_342 = arith.constant 128 : i32
        %mul3A_343 = arith.muli %add3A_341, %mul3A_342 : i32
        %multiple_of3A_344 = tpu.assume_multiple %mul3A_343, 8 : i32
        %dma_start3A_345 = tpu.memref_slice %arg3[%multiple_of3A_344, %multiple_of3A] : memref<320000x256xf32, #tpu.memory_space<hbm>> -> memref<128x128xf32, #tpu.memory_space<hbm>>
        %dma_start3A_346 = tpu.memref_slice %arg3[%multiple_of3A_344, %multiple_of3A] : memref<320000x256xf32, #tpu.memory_space<hbm>> -> memref<128x128xf32, #tpu.memory_space<hbm>>
        tpu.enqueue_dma source(%dma_start3A_346 : memref<128x128xf32, #tpu.memory_space<hbm>>) target(%arg7 : memref<128x128xf32, #tpu.memory_space<vmem>>) target_semaphore(%arg10 : memref<!tpu.dma_semaphore, #tpu.memory_space<semaphore_mem>>)
      } else {
      }
      %mul3A_220 = arith.constant 16 : i32
      %mul3A_221 = arith.muli %while3A_64, %mul3A_220 : i32
      %add3A_222 = arith.constant 9 : i32
      %add3A_223 = arith.addi %mul3A_221, %add3A_222 : i32
      %add3A_224 = arith.addi %mul3A_16, %add3A_223 : i32
      %mul3A_225 = arith.constant 128 : i32
      %mul3A_226 = arith.muli %add3A_224, %mul3A_225 : i32
      %multiple_of3A_227 = tpu.assume_multiple %mul3A_226, 8 : i32
      %dma_wait3A_228 = tpu.memref_slice %arg3[%multiple_of3A_227, %multiple_of3A] : memref<320000x256xf32, #tpu.memory_space<hbm>> -> memref<128x128xf32, #tpu.memory_space<hbm>>
      %dma_wait3A_229 = tpu.memref_slice %arg3[%multiple_of3A_227, %multiple_of3A] : memref<320000x256xf32, #tpu.memory_space<hbm>> -> memref<128x128xf32, #tpu.memory_space<hbm>>
      tpu.wait_dma2 semaphore(%arg11 : memref<!tpu.dma_semaphore, #tpu.memory_space<semaphore_mem>>) src(%dma_wait3A_229 : memref<128x128xf32, #tpu.memory_space<hbm>>) dst(%arg8 : memref<128x128xf32, #tpu.memory_space<vmem>>)
      %run_scoped3A_230 = arith.constant 9 : i32
      "tpu.region"() ({
        %run_scoped3A_339 = tpu.sem_alloc : memref<!tpu.dma_semaphore, #tpu.memory_space<semaphore_mem>>
        %dma_start3A_340 = arith.constant 0 : i32
        %dma_start3A_341 = tpu.memref_slice %arg6[%run_scoped3A_230, %dma_start3A_340] : memref<16x128xi32, #tpu.memory_space<vmem>> -> memref<1x128xi32, #tpu.memory_space<vmem>>
        %dma_start3A_342 = tpu.memref_squeeze %dma_start3A_341 : memref<1x128xi32, #tpu.memory_space<vmem>> -> memref<128xi32, #tpu.memory_space<vmem>>
        %dma_start3A_343 = arith.constant 0 : i32
        %dma_start3A_344 = arith.constant 0 : i32
        %dma_start3A_345 = tpu.memref_slice %arg9[%dma_start3A_343, %dma_start3A_344] : memref<10000x128xf32, #tpu.memory_space<vmem_shared>> -> memref<10000x128xf32, #tpu.memory_space<vmem_shared>>
        tpu.enqueue_indirect_dma source(%arg8 : memref<128x128xf32, #tpu.memory_space<vmem>>) target(%dma_start3A_345 : memref<10000x128xf32, #tpu.memory_space<vmem_shared>>) offsets(%dma_start3A_342 : memref<128xi32, #tpu.memory_space<vmem>>) semaphore(%run_scoped3A_339 : memref<!tpu.dma_semaphore, #tpu.memory_space<semaphore_mem>>) {add = true}
        %dma_wait3A_346 = arith.constant 0 : i32
        %dma_wait3A_347 = tpu.memref_slice %arg6[%run_scoped3A_230, %dma_wait3A_346] : memref<16x128xi32, #tpu.memory_space<vmem>> -> memref<1x128xi32, #tpu.memory_space<vmem>>
        %dma_wait3A_348 = tpu.memref_squeeze %dma_wait3A_347 : memref<1x128xi32, #tpu.memory_space<vmem>> -> memref<128xi32, #tpu.memory_space<vmem>>
        %dma_wait3A_349 = arith.constant 0 : i32
        %dma_wait3A_350 = arith.constant 0 : i32
        %dma_wait3A_351 = tpu.memref_slice %arg9[%dma_wait3A_349, %dma_wait3A_350] : memref<10000x128xf32, #tpu.memory_space<vmem_shared>> -> memref<10000x128xf32, #tpu.memory_space<vmem_shared>>
        tpu.wait_indirect_dma semaphore(%run_scoped3A_339 : memref<!tpu.dma_semaphore, #tpu.memory_space<semaphore_mem>>) src(%arg8 : memref<128x128xf32, #tpu.memory_space<vmem>>) dst(%dma_wait3A_351 : memref<10000x128xf32, #tpu.memory_space<vmem_shared>>)
        tpu.yield
      }) : () -> ()
      %add3A_231 = arith.constant 2 : i32
      %add3A_232 = arith.addi %add3A_223, %add3A_231 : i32
      %lt3A_233 = arith.cmpi slt, %add3A_232, %mul3A_18 : i32
      %convert_element_type3A_234 = arith.extui %lt3A_233 : i1 to i32
      %cond3A_235 = arith.constant 0 : i32
      %cond3A_236 = arith.cmpi ne, %convert_element_type3A_234, %cond3A_235 : i32
      scf.if %cond3A_236 {
        %add3A_339 = arith.constant 2 : i32
        %add3A_340 = arith.addi %add3A_223, %add3A_339 : i32
        %add3A_341 = arith.addi %mul3A_16, %add3A_340 : i32
        %mul3A_342 = arith.constant 128 : i32
        %mul3A_343 = arith.muli %add3A_341, %mul3A_342 : i32
        %multiple_of3A_344 = tpu.assume_multiple %mul3A_343, 8 : i32
        %dma_start3A_345 = tpu.memref_slice %arg3[%multiple_of3A_344, %multiple_of3A] : memref<320000x256xf32, #tpu.memory_space<hbm>> -> memref<128x128xf32, #tpu.memory_space<hbm>>
        %dma_start3A_346 = tpu.memref_slice %arg3[%multiple_of3A_344, %multiple_of3A] : memref<320000x256xf32, #tpu.memory_space<hbm>> -> memref<128x128xf32, #tpu.memory_space<hbm>>
        tpu.enqueue_dma source(%dma_start3A_346 : memref<128x128xf32, #tpu.memory_space<hbm>>) target(%arg8 : memref<128x128xf32, #tpu.memory_space<vmem>>) target_semaphore(%arg11 : memref<!tpu.dma_semaphore, #tpu.memory_space<semaphore_mem>>)
      } else {
      }
      %mul3A_237 = arith.constant 16 : i32
      %mul3A_238 = arith.muli %while3A_64, %mul3A_237 : i32
      %add3A_239 = arith.constant 10 : i32
      %add3A_240 = arith.addi %mul3A_238, %add3A_239 : i32
      %add3A_241 = arith.addi %mul3A_16, %add3A_240 : i32
      %mul3A_242 = arith.constant 128 : i32
      %mul3A_243 = arith.muli %add3A_241, %mul3A_242 : i32
      %multiple_of3A_244 = tpu.assume_multiple %mul3A_243, 8 : i32
      %dma_wait3A_245 = tpu.memref_slice %arg3[%multiple_of3A_244, %multiple_of3A] : memref<320000x256xf32, #tpu.memory_space<hbm>> -> memref<128x128xf32, #tpu.memory_space<hbm>>
      %dma_wait3A_246 = tpu.memref_slice %arg3[%multiple_of3A_244, %multiple_of3A] : memref<320000x256xf32, #tpu.memory_space<hbm>> -> memref<128x128xf32, #tpu.memory_space<hbm>>
      tpu.wait_dma2 semaphore(%arg10 : memref<!tpu.dma_semaphore, #tpu.memory_space<semaphore_mem>>) src(%dma_wait3A_246 : memref<128x128xf32, #tpu.memory_space<hbm>>) dst(%arg7 : memref<128x128xf32, #tpu.memory_space<vmem>>)
      %run_scoped3A_247 = arith.constant 10 : i32
      "tpu.region"() ({
        %run_scoped3A_339 = tpu.sem_alloc : memref<!tpu.dma_semaphore, #tpu.memory_space<semaphore_mem>>
        %dma_start3A_340 = arith.constant 0 : i32
        %dma_start3A_341 = tpu.memref_slice %arg6[%run_scoped3A_247, %dma_start3A_340] : memref<16x128xi32, #tpu.memory_space<vmem>> -> memref<1x128xi32, #tpu.memory_space<vmem>>
        %dma_start3A_342 = tpu.memref_squeeze %dma_start3A_341 : memref<1x128xi32, #tpu.memory_space<vmem>> -> memref<128xi32, #tpu.memory_space<vmem>>
        %dma_start3A_343 = arith.constant 0 : i32
        %dma_start3A_344 = arith.constant 0 : i32
        %dma_start3A_345 = tpu.memref_slice %arg9[%dma_start3A_343, %dma_start3A_344] : memref<10000x128xf32, #tpu.memory_space<vmem_shared>> -> memref<10000x128xf32, #tpu.memory_space<vmem_shared>>
        tpu.enqueue_indirect_dma source(%arg7 : memref<128x128xf32, #tpu.memory_space<vmem>>) target(%dma_start3A_345 : memref<10000x128xf32, #tpu.memory_space<vmem_shared>>) offsets(%dma_start3A_342 : memref<128xi32, #tpu.memory_space<vmem>>) semaphore(%run_scoped3A_339 : memref<!tpu.dma_semaphore, #tpu.memory_space<semaphore_mem>>) {add = true}
        %dma_wait3A_346 = arith.constant 0 : i32
        %dma_wait3A_347 = tpu.memref_slice %arg6[%run_scoped3A_247, %dma_wait3A_346] : memref<16x128xi32, #tpu.memory_space<vmem>> -> memref<1x128xi32, #tpu.memory_space<vmem>>
        %dma_wait3A_348 = tpu.memref_squeeze %dma_wait3A_347 : memref<1x128xi32, #tpu.memory_space<vmem>> -> memref<128xi32, #tpu.memory_space<vmem>>
        %dma_wait3A_349 = arith.constant 0 : i32
        %dma_wait3A_350 = arith.constant 0 : i32
        %dma_wait3A_351 = tpu.memref_slice %arg9[%dma_wait3A_349, %dma_wait3A_350] : memref<10000x128xf32, #tpu.memory_space<vmem_shared>> -> memref<10000x128xf32, #tpu.memory_space<vmem_shared>>
        tpu.wait_indirect_dma semaphore(%run_scoped3A_339 : memref<!tpu.dma_semaphore, #tpu.memory_space<semaphore_mem>>) src(%arg7 : memref<128x128xf32, #tpu.memory_space<vmem>>) dst(%dma_wait3A_351 : memref<10000x128xf32, #tpu.memory_space<vmem_shared>>)
        tpu.yield
      }) : () -> ()
      %add3A_248 = arith.constant 2 : i32
      %add3A_249 = arith.addi %add3A_240, %add3A_248 : i32
      %lt3A_250 = arith.cmpi slt, %add3A_249, %mul3A_18 : i32
      %convert_element_type3A_251 = arith.extui %lt3A_250 : i1 to i32
      %cond3A_252 = arith.constant 0 : i32
      %cond3A_253 = arith.cmpi ne, %convert_element_type3A_251, %cond3A_252 : i32
      scf.if %cond3A_253 {
        %add3A_339 = arith.constant 2 : i32
        %add3A_340 = arith.addi %add3A_240, %add3A_339 : i32
        %add3A_341 = arith.addi %mul3A_16, %add3A_340 : i32
        %mul3A_342 = arith.constant 128 : i32
        %mul3A_343 = arith.muli %add3A_341, %mul3A_342 : i32
        %multiple_of3A_344 = tpu.assume_multiple %mul3A_343, 8 : i32
        %dma_start3A_345 = tpu.memref_slice %arg3[%multiple_of3A_344, %multiple_of3A] : memref<320000x256xf32, #tpu.memory_space<hbm>> -> memref<128x128xf32, #tpu.memory_space<hbm>>
        %dma_start3A_346 = tpu.memref_slice %arg3[%multiple_of3A_344, %multiple_of3A] : memref<320000x256xf32, #tpu.memory_space<hbm>> -> memref<128x128xf32, #tpu.memory_space<hbm>>
        tpu.enqueue_dma source(%dma_start3A_346 : memref<128x128xf32, #tpu.memory_space<hbm>>) target(%arg7 : memref<128x128xf32, #tpu.memory_space<vmem>>) target_semaphore(%arg10 : memref<!tpu.dma_semaphore, #tpu.memory_space<semaphore_mem>>)
      } else {
      }
      %mul3A_254 = arith.constant 16 : i32
      %mul3A_255 = arith.muli %while3A_64, %mul3A_254 : i32
      %add3A_256 = arith.constant 11 : i32
      %add3A_257 = arith.addi %mul3A_255, %add3A_256 : i32
      %add3A_258 = arith.addi %mul3A_16, %add3A_257 : i32
      %mul3A_259 = arith.constant 128 : i32
      %mul3A_260 = arith.muli %add3A_258, %mul3A_259 : i32
      %multiple_of3A_261 = tpu.assume_multiple %mul3A_260, 8 : i32
      %dma_wait3A_262 = tpu.memref_slice %arg3[%multiple_of3A_261, %multiple_of3A] : memref<320000x256xf32, #tpu.memory_space<hbm>> -> memref<128x128xf32, #tpu.memory_space<hbm>>
      %dma_wait3A_263 = tpu.memref_slice %arg3[%multiple_of3A_261, %multiple_of3A] : memref<320000x256xf32, #tpu.memory_space<hbm>> -> memref<128x128xf32, #tpu.memory_space<hbm>>
      tpu.wait_dma2 semaphore(%arg11 : memref<!tpu.dma_semaphore, #tpu.memory_space<semaphore_mem>>) src(%dma_wait3A_263 : memref<128x128xf32, #tpu.memory_space<hbm>>) dst(%arg8 : memref<128x128xf32, #tpu.memory_space<vmem>>)
      %run_scoped3A_264 = arith.constant 11 : i32
      "tpu.region"() ({
        %run_scoped3A_339 = tpu.sem_alloc : memref<!tpu.dma_semaphore, #tpu.memory_space<semaphore_mem>>
        %dma_start3A_340 = arith.constant 0 : i32
        %dma_start3A_341 = tpu.memref_slice %arg6[%run_scoped3A_264, %dma_start3A_340] : memref<16x128xi32, #tpu.memory_space<vmem>> -> memref<1x128xi32, #tpu.memory_space<vmem>>
        %dma_start3A_342 = tpu.memref_squeeze %dma_start3A_341 : memref<1x128xi32, #tpu.memory_space<vmem>> -> memref<128xi32, #tpu.memory_space<vmem>>
        %dma_start3A_343 = arith.constant 0 : i32
        %dma_start3A_344 = arith.constant 0 : i32
        %dma_start3A_345 = tpu.memref_slice %arg9[%dma_start3A_343, %dma_start3A_344] : memref<10000x128xf32, #tpu.memory_space<vmem_shared>> -> memref<10000x128xf32, #tpu.memory_space<vmem_shared>>
        tpu.enqueue_indirect_dma source(%arg8 : memref<128x128xf32, #tpu.memory_space<vmem>>) target(%dma_start3A_345 : memref<10000x128xf32, #tpu.memory_space<vmem_shared>>) offsets(%dma_start3A_342 : memref<128xi32, #tpu.memory_space<vmem>>) semaphore(%run_scoped3A_339 : memref<!tpu.dma_semaphore, #tpu.memory_space<semaphore_mem>>) {add = true}
        %dma_wait3A_346 = arith.constant 0 : i32
        %dma_wait3A_347 = tpu.memref_slice %arg6[%run_scoped3A_264, %dma_wait3A_346] : memref<16x128xi32, #tpu.memory_space<vmem>> -> memref<1x128xi32, #tpu.memory_space<vmem>>
        %dma_wait3A_348 = tpu.memref_squeeze %dma_wait3A_347 : memref<1x128xi32, #tpu.memory_space<vmem>> -> memref<128xi32, #tpu.memory_space<vmem>>
        %dma_wait3A_349 = arith.constant 0 : i32
        %dma_wait3A_350 = arith.constant 0 : i32
        %dma_wait3A_351 = tpu.memref_slice %arg9[%dma_wait3A_349, %dma_wait3A_350] : memref<10000x128xf32, #tpu.memory_space<vmem_shared>> -> memref<10000x128xf32, #tpu.memory_space<vmem_shared>>
        tpu.wait_indirect_dma semaphore(%run_scoped3A_339 : memref<!tpu.dma_semaphore, #tpu.memory_space<semaphore_mem>>) src(%arg8 : memref<128x128xf32, #tpu.memory_space<vmem>>) dst(%dma_wait3A_351 : memref<10000x128xf32, #tpu.memory_space<vmem_shared>>)
        tpu.yield
      }) : () -> ()
      %add3A_265 = arith.constant 2 : i32
      %add3A_266 = arith.addi %add3A_257, %add3A_265 : i32
      %lt3A_267 = arith.cmpi slt, %add3A_266, %mul3A_18 : i32
      %convert_element_type3A_268 = arith.extui %lt3A_267 : i1 to i32
      %cond3A_269 = arith.constant 0 : i32
      %cond3A_270 = arith.cmpi ne, %convert_element_type3A_268, %cond3A_269 : i32
      scf.if %cond3A_270 {
        %add3A_339 = arith.constant 2 : i32
        %add3A_340 = arith.addi %add3A_257, %add3A_339 : i32
        %add3A_341 = arith.addi %mul3A_16, %add3A_340 : i32
        %mul3A_342 = arith.constant 128 : i32
        %mul3A_343 = arith.muli %add3A_341, %mul3A_342 : i32
        %multiple_of3A_344 = tpu.assume_multiple %mul3A_343, 8 : i32
        %dma_start3A_345 = tpu.memref_slice %arg3[%multiple_of3A_344, %multiple_of3A] : memref<320000x256xf32, #tpu.memory_space<hbm>> -> memref<128x128xf32, #tpu.memory_space<hbm>>
        %dma_start3A_346 = tpu.memref_slice %arg3[%multiple_of3A_344, %multiple_of3A] : memref<320000x256xf32, #tpu.memory_space<hbm>> -> memref<128x128xf32, #tpu.memory_space<hbm>>
        tpu.enqueue_dma source(%dma_start3A_346 : memref<128x128xf32, #tpu.memory_space<hbm>>) target(%arg8 : memref<128x128xf32, #tpu.memory_space<vmem>>) target_semaphore(%arg11 : memref<!tpu.dma_semaphore, #tpu.memory_space<semaphore_mem>>)
      } else {
      }
      %mul3A_271 = arith.constant 16 : i32
      %mul3A_272 = arith.muli %while3A_64, %mul3A_271 : i32
      %add3A_273 = arith.constant 12 : i32
      %add3A_274 = arith.addi %mul3A_272, %add3A_273 : i32
      %add3A_275 = arith.addi %mul3A_16, %add3A_274 : i32
      %mul3A_276 = arith.constant 128 : i32
      %mul3A_277 = arith.muli %add3A_275, %mul3A_276 : i32
      %multiple_of3A_278 = tpu.assume_multiple %mul3A_277, 8 : i32
      %dma_wait3A_279 = tpu.memref_slice %arg3[%multiple_of3A_278, %multiple_of3A] : memref<320000x256xf32, #tpu.memory_space<hbm>> -> memref<128x128xf32, #tpu.memory_space<hbm>>
      %dma_wait3A_280 = tpu.memref_slice %arg3[%multiple_of3A_278, %multiple_of3A] : memref<320000x256xf32, #tpu.memory_space<hbm>> -> memref<128x128xf32, #tpu.memory_space<hbm>>
      tpu.wait_dma2 semaphore(%arg10 : memref<!tpu.dma_semaphore, #tpu.memory_space<semaphore_mem>>) src(%dma_wait3A_280 : memref<128x128xf32, #tpu.memory_space<hbm>>) dst(%arg7 : memref<128x128xf32, #tpu.memory_space<vmem>>)
      %run_scoped3A_281 = arith.constant 12 : i32
      "tpu.region"() ({
        %run_scoped3A_339 = tpu.sem_alloc : memref<!tpu.dma_semaphore, #tpu.memory_space<semaphore_mem>>
        %dma_start3A_340 = arith.constant 0 : i32
        %dma_start3A_341 = tpu.memref_slice %arg6[%run_scoped3A_281, %dma_start3A_340] : memref<16x128xi32, #tpu.memory_space<vmem>> -> memref<1x128xi32, #tpu.memory_space<vmem>>
        %dma_start3A_342 = tpu.memref_squeeze %dma_start3A_341 : memref<1x128xi32, #tpu.memory_space<vmem>> -> memref<128xi32, #tpu.memory_space<vmem>>
        %dma_start3A_343 = arith.constant 0 : i32
        %dma_start3A_344 = arith.constant 0 : i32
        %dma_start3A_345 = tpu.memref_slice %arg9[%dma_start3A_343, %dma_start3A_344] : memref<10000x128xf32, #tpu.memory_space<vmem_shared>> -> memref<10000x128xf32, #tpu.memory_space<vmem_shared>>
        tpu.enqueue_indirect_dma source(%arg7 : memref<128x128xf32, #tpu.memory_space<vmem>>) target(%dma_start3A_345 : memref<10000x128xf32, #tpu.memory_space<vmem_shared>>) offsets(%dma_start3A_342 : memref<128xi32, #tpu.memory_space<vmem>>) semaphore(%run_scoped3A_339 : memref<!tpu.dma_semaphore, #tpu.memory_space<semaphore_mem>>) {add = true}
        %dma_wait3A_346 = arith.constant 0 : i32
        %dma_wait3A_347 = tpu.memref_slice %arg6[%run_scoped3A_281, %dma_wait3A_346] : memref<16x128xi32, #tpu.memory_space<vmem>> -> memref<1x128xi32, #tpu.memory_space<vmem>>
        %dma_wait3A_348 = tpu.memref_squeeze %dma_wait3A_347 : memref<1x128xi32, #tpu.memory_space<vmem>> -> memref<128xi32, #tpu.memory_space<vmem>>
        %dma_wait3A_349 = arith.constant 0 : i32
        %dma_wait3A_350 = arith.constant 0 : i32
        %dma_wait3A_351 = tpu.memref_slice %arg9[%dma_wait3A_349, %dma_wait3A_350] : memref<10000x128xf32, #tpu.memory_space<vmem_shared>> -> memref<10000x128xf32, #tpu.memory_space<vmem_shared>>
        tpu.wait_indirect_dma semaphore(%run_scoped3A_339 : memref<!tpu.dma_semaphore, #tpu.memory_space<semaphore_mem>>) src(%arg7 : memref<128x128xf32, #tpu.memory_space<vmem>>) dst(%dma_wait3A_351 : memref<10000x128xf32, #tpu.memory_space<vmem_shared>>)
        tpu.yield
      }) : () -> ()
      %add3A_282 = arith.constant 2 : i32
      %add3A_283 = arith.addi %add3A_274, %add3A_282 : i32
      %lt3A_284 = arith.cmpi slt, %add3A_283, %mul3A_18 : i32
      %convert_element_type3A_285 = arith.extui %lt3A_284 : i1 to i32
      %cond3A_286 = arith.constant 0 : i32
      %cond3A_287 = arith.cmpi ne, %convert_element_type3A_285, %cond3A_286 : i32
      scf.if %cond3A_287 {
        %add3A_339 = arith.constant 2 : i32
        %add3A_340 = arith.addi %add3A_274, %add3A_339 : i32
        %add3A_341 = arith.addi %mul3A_16, %add3A_340 : i32
        %mul3A_342 = arith.constant 128 : i32
        %mul3A_343 = arith.muli %add3A_341, %mul3A_342 : i32
        %multiple_of3A_344 = tpu.assume_multiple %mul3A_343, 8 : i32
        %dma_start3A_345 = tpu.memref_slice %arg3[%multiple_of3A_344, %multiple_of3A] : memref<320000x256xf32, #tpu.memory_space<hbm>> -> memref<128x128xf32, #tpu.memory_space<hbm>>
        %dma_start3A_346 = tpu.memref_slice %arg3[%multiple_of3A_344, %multiple_of3A] : memref<320000x256xf32, #tpu.memory_space<hbm>> -> memref<128x128xf32, #tpu.memory_space<hbm>>
        tpu.enqueue_dma source(%dma_start3A_346 : memref<128x128xf32, #tpu.memory_space<hbm>>) target(%arg7 : memref<128x128xf32, #tpu.memory_space<vmem>>) target_semaphore(%arg10 : memref<!tpu.dma_semaphore, #tpu.memory_space<semaphore_mem>>)
      } else {
      }
      %mul3A_288 = arith.constant 16 : i32
      %mul3A_289 = arith.muli %while3A_64, %mul3A_288 : i32
      %add3A_290 = arith.constant 13 : i32
      %add3A_291 = arith.addi %mul3A_289, %add3A_290 : i32
      %add3A_292 = arith.addi %mul3A_16, %add3A_291 : i32
      %mul3A_293 = arith.constant 128 : i32
      %mul3A_294 = arith.muli %add3A_292, %mul3A_293 : i32
      %multiple_of3A_295 = tpu.assume_multiple %mul3A_294, 8 : i32
      %dma_wait3A_296 = tpu.memref_slice %arg3[%multiple_of3A_295, %multiple_of3A] : memref<320000x256xf32, #tpu.memory_space<hbm>> -> memref<128x128xf32, #tpu.memory_space<hbm>>
      %dma_wait3A_297 = tpu.memref_slice %arg3[%multiple_of3A_295, %multiple_of3A] : memref<320000x256xf32, #tpu.memory_space<hbm>> -> memref<128x128xf32, #tpu.memory_space<hbm>>
      tpu.wait_dma2 semaphore(%arg11 : memref<!tpu.dma_semaphore, #tpu.memory_space<semaphore_mem>>) src(%dma_wait3A_297 : memref<128x128xf32, #tpu.memory_space<hbm>>) dst(%arg8 : memref<128x128xf32, #tpu.memory_space<vmem>>)
      %run_scoped3A_298 = arith.constant 13 : i32
      "tpu.region"() ({
        %run_scoped3A_339 = tpu.sem_alloc : memref<!tpu.dma_semaphore, #tpu.memory_space<semaphore_mem>>
        %dma_start3A_340 = arith.constant 0 : i32
        %dma_start3A_341 = tpu.memref_slice %arg6[%run_scoped3A_298, %dma_start3A_340] : memref<16x128xi32, #tpu.memory_space<vmem>> -> memref<1x128xi32, #tpu.memory_space<vmem>>
        %dma_start3A_342 = tpu.memref_squeeze %dma_start3A_341 : memref<1x128xi32, #tpu.memory_space<vmem>> -> memref<128xi32, #tpu.memory_space<vmem>>
        %dma_start3A_343 = arith.constant 0 : i32
        %dma_start3A_344 = arith.constant 0 : i32
        %dma_start3A_345 = tpu.memref_slice %arg9[%dma_start3A_343, %dma_start3A_344] : memref<10000x128xf32, #tpu.memory_space<vmem_shared>> -> memref<10000x128xf32, #tpu.memory_space<vmem_shared>>
        tpu.enqueue_indirect_dma source(%arg8 : memref<128x128xf32, #tpu.memory_space<vmem>>) target(%dma_start3A_345 : memref<10000x128xf32, #tpu.memory_space<vmem_shared>>) offsets(%dma_start3A_342 : memref<128xi32, #tpu.memory_space<vmem>>) semaphore(%run_scoped3A_339 : memref<!tpu.dma_semaphore, #tpu.memory_space<semaphore_mem>>) {add = true}
        %dma_wait3A_346 = arith.constant 0 : i32
        %dma_wait3A_347 = tpu.memref_slice %arg6[%run_scoped3A_298, %dma_wait3A_346] : memref<16x128xi32, #tpu.memory_space<vmem>> -> memref<1x128xi32, #tpu.memory_space<vmem>>
        %dma_wait3A_348 = tpu.memref_squeeze %dma_wait3A_347 : memref<1x128xi32, #tpu.memory_space<vmem>> -> memref<128xi32, #tpu.memory_space<vmem>>
        %dma_wait3A_349 = arith.constant 0 : i32
        %dma_wait3A_350 = arith.constant 0 : i32
        %dma_wait3A_351 = tpu.memref_slice %arg9[%dma_wait3A_349, %dma_wait3A_350] : memref<10000x128xf32, #tpu.memory_space<vmem_shared>> -> memref<10000x128xf32, #tpu.memory_space<vmem_shared>>
        tpu.wait_indirect_dma semaphore(%run_scoped3A_339 : memref<!tpu.dma_semaphore, #tpu.memory_space<semaphore_mem>>) src(%arg8 : memref<128x128xf32, #tpu.memory_space<vmem>>) dst(%dma_wait3A_351 : memref<10000x128xf32, #tpu.memory_space<vmem_shared>>)
        tpu.yield
      }) : () -> ()
      %add3A_299 = arith.constant 2 : i32
      %add3A_300 = arith.addi %add3A_291, %add3A_299 : i32
      %lt3A_301 = arith.cmpi slt, %add3A_300, %mul3A_18 : i32
      %convert_element_type3A_302 = arith.extui %lt3A_301 : i1 to i32
      %cond3A_303 = arith.constant 0 : i32
      %cond3A_304 = arith.cmpi ne, %convert_element_type3A_302, %cond3A_303 : i32
      scf.if %cond3A_304 {
        %add3A_339 = arith.constant 2 : i32
        %add3A_340 = arith.addi %add3A_291, %add3A_339 : i32
        %add3A_341 = arith.addi %mul3A_16, %add3A_340 : i32
        %mul3A_342 = arith.constant 128 : i32
        %mul3A_343 = arith.muli %add3A_341, %mul3A_342 : i32
        %multiple_of3A_344 = tpu.assume_multiple %mul3A_343, 8 : i32
        %dma_start3A_345 = tpu.memref_slice %arg3[%multiple_of3A_344, %multiple_of3A] : memref<320000x256xf32, #tpu.memory_space<hbm>> -> memref<128x128xf32, #tpu.memory_space<hbm>>
        %dma_start3A_346 = tpu.memref_slice %arg3[%multiple_of3A_344, %multiple_of3A] : memref<320000x256xf32, #tpu.memory_space<hbm>> -> memref<128x128xf32, #tpu.memory_space<hbm>>
        tpu.enqueue_dma source(%dma_start3A_346 : memref<128x128xf32, #tpu.memory_space<hbm>>) target(%arg8 : memref<128x128xf32, #tpu.memory_space<vmem>>) target_semaphore(%arg11 : memref<!tpu.dma_semaphore, #tpu.memory_space<semaphore_mem>>)
      } else {
      }
      %mul3A_305 = arith.constant 16 : i32
      %mul3A_306 = arith.muli %while3A_64, %mul3A_305 : i32
      %add3A_307 = arith.constant 14 : i32
      %add3A_308 = arith.addi %mul3A_306, %add3A_307 : i32
      %add3A_309 = arith.addi %mul3A_16, %add3A_308 : i32
      %mul3A_310 = arith.constant 128 : i32
      %mul3A_311 = arith.muli %add3A_309, %mul3A_310 : i32
      %multiple_of3A_312 = tpu.assume_multiple %mul3A_311, 8 : i32
      %dma_wait3A_313 = tpu.memref_slice %arg3[%multiple_of3A_312, %multiple_of3A] : memref<320000x256xf32, #tpu.memory_space<hbm>> -> memref<128x128xf32, #tpu.memory_space<hbm>>
      %dma_wait3A_314 = tpu.memref_slice %arg3[%multiple_of3A_312, %multiple_of3A] : memref<320000x256xf32, #tpu.memory_space<hbm>> -> memref<128x128xf32, #tpu.memory_space<hbm>>
      tpu.wait_dma2 semaphore(%arg10 : memref<!tpu.dma_semaphore, #tpu.memory_space<semaphore_mem>>) src(%dma_wait3A_314 : memref<128x128xf32, #tpu.memory_space<hbm>>) dst(%arg7 : memref<128x128xf32, #tpu.memory_space<vmem>>)
      %run_scoped3A_315 = arith.constant 14 : i32
      "tpu.region"() ({
        %run_scoped3A_339 = tpu.sem_alloc : memref<!tpu.dma_semaphore, #tpu.memory_space<semaphore_mem>>
        %dma_start3A_340 = arith.constant 0 : i32
        %dma_start3A_341 = tpu.memref_slice %arg6[%run_scoped3A_315, %dma_start3A_340] : memref<16x128xi32, #tpu.memory_space<vmem>> -> memref<1x128xi32, #tpu.memory_space<vmem>>
        %dma_start3A_342 = tpu.memref_squeeze %dma_start3A_341 : memref<1x128xi32, #tpu.memory_space<vmem>> -> memref<128xi32, #tpu.memory_space<vmem>>
        %dma_start3A_343 = arith.constant 0 : i32
        %dma_start3A_344 = arith.constant 0 : i32
        %dma_start3A_345 = tpu.memref_slice %arg9[%dma_start3A_343, %dma_start3A_344] : memref<10000x128xf32, #tpu.memory_space<vmem_shared>> -> memref<10000x128xf32, #tpu.memory_space<vmem_shared>>
        tpu.enqueue_indirect_dma source(%arg7 : memref<128x128xf32, #tpu.memory_space<vmem>>) target(%dma_start3A_345 : memref<10000x128xf32, #tpu.memory_space<vmem_shared>>) offsets(%dma_start3A_342 : memref<128xi32, #tpu.memory_space<vmem>>) semaphore(%run_scoped3A_339 : memref<!tpu.dma_semaphore, #tpu.memory_space<semaphore_mem>>) {add = true}
        %dma_wait3A_346 = arith.constant 0 : i32
        %dma_wait3A_347 = tpu.memref_slice %arg6[%run_scoped3A_315, %dma_wait3A_346] : memref<16x128xi32, #tpu.memory_space<vmem>> -> memref<1x128xi32, #tpu.memory_space<vmem>>
        %dma_wait3A_348 = tpu.memref_squeeze %dma_wait3A_347 : memref<1x128xi32, #tpu.memory_space<vmem>> -> memref<128xi32, #tpu.memory_space<vmem>>
        %dma_wait3A_349 = arith.constant 0 : i32
        %dma_wait3A_350 = arith.constant 0 : i32
        %dma_wait3A_351 = tpu.memref_slice %arg9[%dma_wait3A_349, %dma_wait3A_350] : memref<10000x128xf32, #tpu.memory_space<vmem_shared>> -> memref<10000x128xf32, #tpu.memory_space<vmem_shared>>
        tpu.wait_indirect_dma semaphore(%run_scoped3A_339 : memref<!tpu.dma_semaphore, #tpu.memory_space<semaphore_mem>>) src(%arg7 : memref<128x128xf32, #tpu.memory_space<vmem>>) dst(%dma_wait3A_351 : memref<10000x128xf32, #tpu.memory_space<vmem_shared>>)
        tpu.yield
      }) : () -> ()
      %add3A_316 = arith.constant 2 : i32
      %add3A_317 = arith.addi %add3A_308, %add3A_316 : i32
      %lt3A_318 = arith.cmpi slt, %add3A_317, %mul3A_18 : i32
      %convert_element_type3A_319 = arith.extui %lt3A_318 : i1 to i32
      %cond3A_320 = arith.constant 0 : i32
      %cond3A_321 = arith.cmpi ne, %convert_element_type3A_319, %cond3A_320 : i32
      scf.if %cond3A_321 {
        %add3A_339 = arith.constant 2 : i32
        %add3A_340 = arith.addi %add3A_308, %add3A_339 : i32
        %add3A_341 = arith.addi %mul3A_16, %add3A_340 : i32
        %mul3A_342 = arith.constant 128 : i32
        %mul3A_343 = arith.muli %add3A_341, %mul3A_342 : i32
        %multiple_of3A_344 = tpu.assume_multiple %mul3A_343, 8 : i32
        %dma_start3A_345 = tpu.memref_slice %arg3[%multiple_of3A_344, %multiple_of3A] : memref<320000x256xf32, #tpu.memory_space<hbm>> -> memref<128x128xf32, #tpu.memory_space<hbm>>
        %dma_start3A_346 = tpu.memref_slice %arg3[%multiple_of3A_344, %multiple_of3A] : memref<320000x256xf32, #tpu.memory_space<hbm>> -> memref<128x128xf32, #tpu.memory_space<hbm>>
        tpu.enqueue_dma source(%dma_start3A_346 : memref<128x128xf32, #tpu.memory_space<hbm>>) target(%arg7 : memref<128x128xf32, #tpu.memory_space<vmem>>) target_semaphore(%arg10 : memref<!tpu.dma_semaphore, #tpu.memory_space<semaphore_mem>>)
      } else {
      }
      %mul3A_322 = arith.constant 16 : i32
      %mul3A_323 = arith.muli %while3A_64, %mul3A_322 : i32
      %add3A_324 = arith.constant 15 : i32
      %add3A_325 = arith.addi %mul3A_323, %add3A_324 : i32
      %add3A_326 = arith.addi %mul3A_16, %add3A_325 : i32
      %mul3A_327 = arith.constant 128 : i32
      %mul3A_328 = arith.muli %add3A_326, %mul3A_327 : i32
      %multiple_of3A_329 = tpu.assume_multiple %mul3A_328, 8 : i32
      %dma_wait3A_330 = tpu.memref_slice %arg3[%multiple_of3A_329, %multiple_of3A] : memref<320000x256xf32, #tpu.memory_space<hbm>> -> memref<128x128xf32, #tpu.memory_space<hbm>>
      %dma_wait3A_331 = tpu.memref_slice %arg3[%multiple_of3A_329, %multiple_of3A] : memref<320000x256xf32, #tpu.memory_space<hbm>> -> memref<128x128xf32, #tpu.memory_space<hbm>>
      tpu.wait_dma2 semaphore(%arg11 : memref<!tpu.dma_semaphore, #tpu.memory_space<semaphore_mem>>) src(%dma_wait3A_331 : memref<128x128xf32, #tpu.memory_space<hbm>>) dst(%arg8 : memref<128x128xf32, #tpu.memory_space<vmem>>)
      %run_scoped3A_332 = arith.constant 15 : i32
      "tpu.region"() ({
        %run_scoped3A_339 = tpu.sem_alloc : memref<!tpu.dma_semaphore, #tpu.memory_space<semaphore_mem>>
        %dma_start3A_340 = arith.constant 0 : i32
        %dma_start3A_341 = tpu.memref_slice %arg6[%run_scoped3A_332, %dma_start3A_340] : memref<16x128xi32, #tpu.memory_space<vmem>> -> memref<1x128xi32, #tpu.memory_space<vmem>>
        %dma_start3A_342 = tpu.memref_squeeze %dma_start3A_341 : memref<1x128xi32, #tpu.memory_space<vmem>> -> memref<128xi32, #tpu.memory_space<vmem>>
        %dma_start3A_343 = arith.constant 0 : i32
        %dma_start3A_344 = arith.constant 0 : i32
        %dma_start3A_345 = tpu.memref_slice %arg9[%dma_start3A_343, %dma_start3A_344] : memref<10000x128xf32, #tpu.memory_space<vmem_shared>> -> memref<10000x128xf32, #tpu.memory_space<vmem_shared>>
        tpu.enqueue_indirect_dma source(%arg8 : memref<128x128xf32, #tpu.memory_space<vmem>>) target(%dma_start3A_345 : memref<10000x128xf32, #tpu.memory_space<vmem_shared>>) offsets(%dma_start3A_342 : memref<128xi32, #tpu.memory_space<vmem>>) semaphore(%run_scoped3A_339 : memref<!tpu.dma_semaphore, #tpu.memory_space<semaphore_mem>>) {add = true}
        %dma_wait3A_346 = arith.constant 0 : i32
        %dma_wait3A_347 = tpu.memref_slice %arg6[%run_scoped3A_332, %dma_wait3A_346] : memref<16x128xi32, #tpu.memory_space<vmem>> -> memref<1x128xi32, #tpu.memory_space<vmem>>
        %dma_wait3A_348 = tpu.memref_squeeze %dma_wait3A_347 : memref<1x128xi32, #tpu.memory_space<vmem>> -> memref<128xi32, #tpu.memory_space<vmem>>
        %dma_wait3A_349 = arith.constant 0 : i32
        %dma_wait3A_350 = arith.constant 0 : i32
        %dma_wait3A_351 = tpu.memref_slice %arg9[%dma_wait3A_349, %dma_wait3A_350] : memref<10000x128xf32, #tpu.memory_space<vmem_shared>> -> memref<10000x128xf32, #tpu.memory_space<vmem_shared>>
        tpu.wait_indirect_dma semaphore(%run_scoped3A_339 : memref<!tpu.dma_semaphore, #tpu.memory_space<semaphore_mem>>) src(%arg8 : memref<128x128xf32, #tpu.memory_space<vmem>>) dst(%dma_wait3A_351 : memref<10000x128xf32, #tpu.memory_space<vmem_shared>>)
        tpu.yield
      }) : () -> ()
      %add3A_333 = arith.constant 2 : i32
      %add3A_334 = arith.addi %add3A_325, %add3A_333 : i32
      %lt3A_335 = arith.cmpi slt, %add3A_334, %mul3A_18 : i32
      %convert_element_type3A_336 = arith.extui %lt3A_335 : i1 to i32
      %cond3A_337 = arith.constant 0 : i32
      %cond3A_338 = arith.cmpi ne, %convert_element_type3A_336, %cond3A_337 : i32
      scf.if %cond3A_338 {
        %add3A_339 = arith.constant 2 : i32
        %add3A_340 = arith.addi %add3A_325, %add3A_339 : i32
        %add3A_341 = arith.addi %mul3A_16, %add3A_340 : i32
        %mul3A_342 = arith.constant 128 : i32
        %mul3A_343 = arith.muli %add3A_341, %mul3A_342 : i32
        %multiple_of3A_344 = tpu.assume_multiple %mul3A_343, 8 : i32
        %dma_start3A_345 = tpu.memref_slice %arg3[%multiple_of3A_344, %multiple_of3A] : memref<320000x256xf32, #tpu.memory_space<hbm>> -> memref<128x128xf32, #tpu.memory_space<hbm>>
        %dma_start3A_346 = tpu.memref_slice %arg3[%multiple_of3A_344, %multiple_of3A] : memref<320000x256xf32, #tpu.memory_space<hbm>> -> memref<128x128xf32, #tpu.memory_space<hbm>>
        tpu.enqueue_dma source(%dma_start3A_346 : memref<128x128xf32, #tpu.memory_space<hbm>>) target(%arg8 : memref<128x128xf32, #tpu.memory_space<vmem>>) target_semaphore(%arg11 : memref<!tpu.dma_semaphore, #tpu.memory_space<semaphore_mem>>)
      } else {
      }
    }
    %eq3A_48 = arith.constant 15 : i32
    %eq3A_49 = arith.cmpi eq, %arg1, %eq3A_48 : i32
    %convert_element_type3A_50 = arith.extui %eq3A_49 : i1 to i32
    %cond3A_51 = arith.constant 0 : i32
    %cond3A_52 = arith.cmpi ne, %convert_element_type3A_50, %cond3A_51 : i32
    scf.if %cond3A_52 {
      "tpu.region"() ({
        %run_scoped3A_67 = tpu.sem_alloc : memref<!tpu.dma_semaphore, #tpu.memory_space<semaphore_mem>>
        %dma_start3A_68 = arith.constant 2496 : i32
        %dma_start3A_69 = arith.constant 0 : i32
        %dma_start3A_70 = tpu.memref_slice %arg2[%dma_start3A_68, %dma_start3A_69] : memref<2512x128xi32, #tpu.memory_space<hbm>> -> memref<16x128xi32, #tpu.memory_space<hbm>>
        %dma_start3A_71 = arith.constant 2496 : i32
        %dma_start3A_72 = arith.constant 0 : i32
        %dma_start3A_73 = tpu.memref_slice %arg2[%dma_start3A_71, %dma_start3A_72] : memref<2512x128xi32, #tpu.memory_space<hbm>> -> memref<16x128xi32, #tpu.memory_space<hbm>>
        tpu.enqueue_dma source(%dma_start3A_73 : memref<16x128xi32, #tpu.memory_space<hbm>>) target(%arg6 : memref<16x128xi32, #tpu.memory_space<vmem>>) target_semaphore(%run_scoped3A_67 : memref<!tpu.dma_semaphore, #tpu.memory_space<semaphore_mem>>)
        %dma_wait3A = arith.constant 2496 : i32
        %dma_wait3A_74 = arith.constant 0 : i32
        %dma_wait3A_75 = tpu.memref_slice %arg2[%dma_wait3A, %dma_wait3A_74] : memref<2512x128xi32, #tpu.memory_space<hbm>> -> memref<16x128xi32, #tpu.memory_space<hbm>>
        %dma_wait3A_76 = arith.constant 2496 : i32
        %dma_wait3A_77 = arith.constant 0 : i32
        %dma_wait3A_78 = tpu.memref_slice %arg2[%dma_wait3A_76, %dma_wait3A_77] : memref<2512x128xi32, #tpu.memory_space<hbm>> -> memref<16x128xi32, #tpu.memory_space<hbm>>
        tpu.wait_dma2 semaphore(%run_scoped3A_67 : memref<!tpu.dma_semaphore, #tpu.memory_space<semaphore_mem>>) src(%dma_wait3A_78 : memref<16x128xi32, #tpu.memory_space<hbm>>) dst(%arg6 : memref<16x128xi32, #tpu.memory_space<vmem>>)
        tpu.yield
      }) : () -> ()
      "tpu.region"() ({
        %run_scoped3A_67 = tpu.sem_alloc : memref<!tpu.dma_semaphore, #tpu.memory_space<semaphore_mem>>
        %dma_start3A_68 = arith.constant 319488 : i32
        %dma_start3A_69 = tpu.memref_slice %arg3[%dma_start3A_68, %multiple_of3A] : memref<320000x256xf32, #tpu.memory_space<hbm>> -> memref<128x128xf32, #tpu.memory_space<hbm>>
        %dma_start3A_70 = arith.constant 319488 : i32
        %dma_start3A_71 = tpu.memref_slice %arg3[%dma_start3A_70, %multiple_of3A] : memref<320000x256xf32, #tpu.memory_space<hbm>> -> memref<128x128xf32, #tpu.memory_space<hbm>>
        tpu.enqueue_dma source(%dma_start3A_71 : memref<128x128xf32, #tpu.memory_space<hbm>>) target(%arg7 : memref<128x128xf32, #tpu.memory_space<vmem>>) target_semaphore(%run_scoped3A_67 : memref<!tpu.dma_semaphore, #tpu.memory_space<semaphore_mem>>)
        %dma_wait3A = arith.constant 319488 : i32
        %dma_wait3A_72 = tpu.memref_slice %arg3[%dma_wait3A, %multiple_of3A] : memref<320000x256xf32, #tpu.memory_space<hbm>> -> memref<128x128xf32, #tpu.memory_space<hbm>>
        %dma_wait3A_73 = arith.constant 319488 : i32
        %dma_wait3A_74 = tpu.memref_slice %arg3[%dma_wait3A_73, %multiple_of3A] : memref<320000x256xf32, #tpu.memory_space<hbm>> -> memref<128x128xf32, #tpu.memory_space<hbm>>
        tpu.wait_dma2 semaphore(%run_scoped3A_67 : memref<!tpu.dma_semaphore, #tpu.memory_space<semaphore_mem>>) src(%dma_wait3A_74 : memref<128x128xf32, #tpu.memory_space<hbm>>) dst(%arg7 : memref<128x128xf32, #tpu.memory_space<vmem>>)
        tpu.yield
      }) : () -> ()
      %run_scoped3A = arith.constant 0 : i32
      "tpu.region"() ({
        %run_scoped3A_67 = tpu.sem_alloc : memref<!tpu.dma_semaphore, #tpu.memory_space<semaphore_mem>>
        %dma_start3A_68 = arith.constant 0 : i32
        %dma_start3A_69 = tpu.memref_slice %arg6[%run_scoped3A, %dma_start3A_68] : memref<16x128xi32, #tpu.memory_space<vmem>> -> memref<1x128xi32, #tpu.memory_space<vmem>>
        %dma_start3A_70 = tpu.memref_squeeze %dma_start3A_69 : memref<1x128xi32, #tpu.memory_space<vmem>> -> memref<128xi32, #tpu.memory_space<vmem>>
        %dma_start3A_71 = arith.constant 0 : i32
        %dma_start3A_72 = arith.constant 0 : i32
        %dma_start3A_73 = tpu.memref_slice %arg9[%dma_start3A_71, %dma_start3A_72] : memref<10000x128xf32, #tpu.memory_space<vmem_shared>> -> memref<10000x128xf32, #tpu.memory_space<vmem_shared>>
        tpu.enqueue_indirect_dma source(%arg7 : memref<128x128xf32, #tpu.memory_space<vmem>>) target(%dma_start3A_73 : memref<10000x128xf32, #tpu.memory_space<vmem_shared>>) offsets(%dma_start3A_70 : memref<128xi32, #tpu.memory_space<vmem>>) semaphore(%run_scoped3A_67 : memref<!tpu.dma_semaphore, #tpu.memory_space<semaphore_mem>>) {add = true}
        %dma_wait3A = arith.constant 0 : i32
        %dma_wait3A_74 = tpu.memref_slice %arg6[%run_scoped3A, %dma_wait3A] : memref<16x128xi32, #tpu.memory_space<vmem>> -> memref<1x128xi32, #tpu.memory_space<vmem>>
        %dma_wait3A_75 = tpu.memref_squeeze %dma_wait3A_74 : memref<1x128xi32, #tpu.memory_space<vmem>> -> memref<128xi32, #tpu.memory_space<vmem>>
        %dma_wait3A_76 = arith.constant 0 : i32
        %dma_wait3A_77 = arith.constant 0 : i32
        %dma_wait3A_78 = tpu.memref_slice %arg9[%dma_wait3A_76, %dma_wait3A_77] : memref<10000x128xf32, #tpu.memory_space<vmem_shared>> -> memref<10000x128xf32, #tpu.memory_space<vmem_shared>>
        tpu.wait_indirect_dma semaphore(%run_scoped3A_67 : memref<!tpu.dma_semaphore, #tpu.memory_space<semaphore_mem>>) src(%arg7 : memref<128x128xf32, #tpu.memory_space<vmem>>) dst(%dma_wait3A_78 : memref<10000x128xf32, #tpu.memory_space<vmem_shared>>)
        tpu.yield
      }) : () -> ()
      "tpu.region"() ({
        %run_scoped3A_67 = tpu.sem_alloc : memref<!tpu.dma_semaphore, #tpu.memory_space<semaphore_mem>>
        %dma_start3A_68 = arith.constant 319616 : i32
        %dma_start3A_69 = tpu.memref_slice %arg3[%dma_start3A_68, %multiple_of3A] : memref<320000x256xf32, #tpu.memory_space<hbm>> -> memref<128x128xf32, #tpu.memory_space<hbm>>
        %dma_start3A_70 = arith.constant 319616 : i32
        %dma_start3A_71 = tpu.memref_slice %arg3[%dma_start3A_70, %multiple_of3A] : memref<320000x256xf32, #tpu.memory_space<hbm>> -> memref<128x128xf32, #tpu.memory_space<hbm>>
        tpu.enqueue_dma source(%dma_start3A_71 : memref<128x128xf32, #tpu.memory_space<hbm>>) target(%arg7 : memref<128x128xf32, #tpu.memory_space<vmem>>) target_semaphore(%run_scoped3A_67 : memref<!tpu.dma_semaphore, #tpu.memory_space<semaphore_mem>>)
        %dma_wait3A = arith.constant 319616 : i32
        %dma_wait3A_72 = tpu.memref_slice %arg3[%dma_wait3A, %multiple_of3A] : memref<320000x256xf32, #tpu.memory_space<hbm>> -> memref<128x128xf32, #tpu.memory_space<hbm>>
        %dma_wait3A_73 = arith.constant 319616 : i32
        %dma_wait3A_74 = tpu.memref_slice %arg3[%dma_wait3A_73, %multiple_of3A] : memref<320000x256xf32, #tpu.memory_space<hbm>> -> memref<128x128xf32, #tpu.memory_space<hbm>>
        tpu.wait_dma2 semaphore(%run_scoped3A_67 : memref<!tpu.dma_semaphore, #tpu.memory_space<semaphore_mem>>) src(%dma_wait3A_74 : memref<128x128xf32, #tpu.memory_space<hbm>>) dst(%arg7 : memref<128x128xf32, #tpu.memory_space<vmem>>)
        tpu.yield
      }) : () -> ()
      %run_scoped3A_64 = arith.constant 1 : i32
      "tpu.region"() ({
        %run_scoped3A_67 = tpu.sem_alloc : memref<!tpu.dma_semaphore, #tpu.memory_space<semaphore_mem>>
        %dma_start3A_68 = arith.constant 0 : i32
        %dma_start3A_69 = tpu.memref_slice %arg6[%run_scoped3A_64, %dma_start3A_68] : memref<16x128xi32, #tpu.memory_space<vmem>> -> memref<1x128xi32, #tpu.memory_space<vmem>>
        %dma_start3A_70 = tpu.memref_squeeze %dma_start3A_69 : memref<1x128xi32, #tpu.memory_space<vmem>> -> memref<128xi32, #tpu.memory_space<vmem>>
        %dma_start3A_71 = arith.constant 0 : i32
        %dma_start3A_72 = arith.constant 0 : i32
        %dma_start3A_73 = tpu.memref_slice %arg9[%dma_start3A_71, %dma_start3A_72] : memref<10000x128xf32, #tpu.memory_space<vmem_shared>> -> memref<10000x128xf32, #tpu.memory_space<vmem_shared>>
        tpu.enqueue_indirect_dma source(%arg7 : memref<128x128xf32, #tpu.memory_space<vmem>>) target(%dma_start3A_73 : memref<10000x128xf32, #tpu.memory_space<vmem_shared>>) offsets(%dma_start3A_70 : memref<128xi32, #tpu.memory_space<vmem>>) semaphore(%run_scoped3A_67 : memref<!tpu.dma_semaphore, #tpu.memory_space<semaphore_mem>>) {add = true}
        %dma_wait3A = arith.constant 0 : i32
        %dma_wait3A_74 = tpu.memref_slice %arg6[%run_scoped3A_64, %dma_wait3A] : memref<16x128xi32, #tpu.memory_space<vmem>> -> memref<1x128xi32, #tpu.memory_space<vmem>>
        %dma_wait3A_75 = tpu.memref_squeeze %dma_wait3A_74 : memref<1x128xi32, #tpu.memory_space<vmem>> -> memref<128xi32, #tpu.memory_space<vmem>>
        %dma_wait3A_76 = arith.constant 0 : i32
        %dma_wait3A_77 = arith.constant 0 : i32
        %dma_wait3A_78 = tpu.memref_slice %arg9[%dma_wait3A_76, %dma_wait3A_77] : memref<10000x128xf32, #tpu.memory_space<vmem_shared>> -> memref<10000x128xf32, #tpu.memory_space<vmem_shared>>
        tpu.wait_indirect_dma semaphore(%run_scoped3A_67 : memref<!tpu.dma_semaphore, #tpu.memory_space<semaphore_mem>>) src(%arg7 : memref<128x128xf32, #tpu.memory_space<vmem>>) dst(%dma_wait3A_78 : memref<10000x128xf32, #tpu.memory_space<vmem_shared>>)
        tpu.yield
      }) : () -> ()
      "tpu.region"() ({
        %run_scoped3A_67 = tpu.sem_alloc : memref<!tpu.dma_semaphore, #tpu.memory_space<semaphore_mem>>
        %dma_start3A_68 = arith.constant 319744 : i32
        %dma_start3A_69 = tpu.memref_slice %arg3[%dma_start3A_68, %multiple_of3A] : memref<320000x256xf32, #tpu.memory_space<hbm>> -> memref<128x128xf32, #tpu.memory_space<hbm>>
        %dma_start3A_70 = arith.constant 319744 : i32
        %dma_start3A_71 = tpu.memref_slice %arg3[%dma_start3A_70, %multiple_of3A] : memref<320000x256xf32, #tpu.memory_space<hbm>> -> memref<128x128xf32, #tpu.memory_space<hbm>>
        tpu.enqueue_dma source(%dma_start3A_71 : memref<128x128xf32, #tpu.memory_space<hbm>>) target(%arg7 : memref<128x128xf32, #tpu.memory_space<vmem>>) target_semaphore(%run_scoped3A_67 : memref<!tpu.dma_semaphore, #tpu.memory_space<semaphore_mem>>)
        %dma_wait3A = arith.constant 319744 : i32
        %dma_wait3A_72 = tpu.memref_slice %arg3[%dma_wait3A, %multiple_of3A] : memref<320000x256xf32, #tpu.memory_space<hbm>> -> memref<128x128xf32, #tpu.memory_space<hbm>>
        %dma_wait3A_73 = arith.constant 319744 : i32
        %dma_wait3A_74 = tpu.memref_slice %arg3[%dma_wait3A_73, %multiple_of3A] : memref<320000x256xf32, #tpu.memory_space<hbm>> -> memref<128x128xf32, #tpu.memory_space<hbm>>
        tpu.wait_dma2 semaphore(%run_scoped3A_67 : memref<!tpu.dma_semaphore, #tpu.memory_space<semaphore_mem>>) src(%dma_wait3A_74 : memref<128x128xf32, #tpu.memory_space<hbm>>) dst(%arg7 : memref<128x128xf32, #tpu.memory_space<vmem>>)
        tpu.yield
      }) : () -> ()
      %run_scoped3A_65 = arith.constant 2 : i32
      "tpu.region"() ({
        %run_scoped3A_67 = tpu.sem_alloc : memref<!tpu.dma_semaphore, #tpu.memory_space<semaphore_mem>>
        %dma_start3A_68 = arith.constant 0 : i32
        %dma_start3A_69 = tpu.memref_slice %arg6[%run_scoped3A_65, %dma_start3A_68] : memref<16x128xi32, #tpu.memory_space<vmem>> -> memref<1x128xi32, #tpu.memory_space<vmem>>
        %dma_start3A_70 = tpu.memref_squeeze %dma_start3A_69 : memref<1x128xi32, #tpu.memory_space<vmem>> -> memref<128xi32, #tpu.memory_space<vmem>>
        %dma_start3A_71 = arith.constant 0 : i32
        %dma_start3A_72 = arith.constant 0 : i32
        %dma_start3A_73 = tpu.memref_slice %arg9[%dma_start3A_71, %dma_start3A_72] : memref<10000x128xf32, #tpu.memory_space<vmem_shared>> -> memref<10000x128xf32, #tpu.memory_space<vmem_shared>>
        tpu.enqueue_indirect_dma source(%arg7 : memref<128x128xf32, #tpu.memory_space<vmem>>) target(%dma_start3A_73 : memref<10000x128xf32, #tpu.memory_space<vmem_shared>>) offsets(%dma_start3A_70 : memref<128xi32, #tpu.memory_space<vmem>>) semaphore(%run_scoped3A_67 : memref<!tpu.dma_semaphore, #tpu.memory_space<semaphore_mem>>) {add = true}
        %dma_wait3A = arith.constant 0 : i32
        %dma_wait3A_74 = tpu.memref_slice %arg6[%run_scoped3A_65, %dma_wait3A] : memref<16x128xi32, #tpu.memory_space<vmem>> -> memref<1x128xi32, #tpu.memory_space<vmem>>
        %dma_wait3A_75 = tpu.memref_squeeze %dma_wait3A_74 : memref<1x128xi32, #tpu.memory_space<vmem>> -> memref<128xi32, #tpu.memory_space<vmem>>
        %dma_wait3A_76 = arith.constant 0 : i32
        %dma_wait3A_77 = arith.constant 0 : i32
        %dma_wait3A_78 = tpu.memref_slice %arg9[%dma_wait3A_76, %dma_wait3A_77] : memref<10000x128xf32, #tpu.memory_space<vmem_shared>> -> memref<10000x128xf32, #tpu.memory_space<vmem_shared>>
        tpu.wait_indirect_dma semaphore(%run_scoped3A_67 : memref<!tpu.dma_semaphore, #tpu.memory_space<semaphore_mem>>) src(%arg7 : memref<128x128xf32, #tpu.memory_space<vmem>>) dst(%dma_wait3A_78 : memref<10000x128xf32, #tpu.memory_space<vmem_shared>>)
        tpu.yield
      }) : () -> ()
      "tpu.region"() ({
        %run_scoped3A_67 = tpu.sem_alloc : memref<!tpu.dma_semaphore, #tpu.memory_space<semaphore_mem>>
        %dma_start3A_68 = arith.constant 319872 : i32
        %dma_start3A_69 = tpu.memref_slice %arg3[%dma_start3A_68, %multiple_of3A] : memref<320000x256xf32, #tpu.memory_space<hbm>> -> memref<128x128xf32, #tpu.memory_space<hbm>>
        %dma_start3A_70 = arith.constant 319872 : i32
        %dma_start3A_71 = tpu.memref_slice %arg3[%dma_start3A_70, %multiple_of3A] : memref<320000x256xf32, #tpu.memory_space<hbm>> -> memref<128x128xf32, #tpu.memory_space<hbm>>
        tpu.enqueue_dma source(%dma_start3A_71 : memref<128x128xf32, #tpu.memory_space<hbm>>) target(%arg7 : memref<128x128xf32, #tpu.memory_space<vmem>>) target_semaphore(%run_scoped3A_67 : memref<!tpu.dma_semaphore, #tpu.memory_space<semaphore_mem>>)
        %dma_wait3A = arith.constant 319872 : i32
        %dma_wait3A_72 = tpu.memref_slice %arg3[%dma_wait3A, %multiple_of3A] : memref<320000x256xf32, #tpu.memory_space<hbm>> -> memref<128x128xf32, #tpu.memory_space<hbm>>
        %dma_wait3A_73 = arith.constant 319872 : i32
        %dma_wait3A_74 = tpu.memref_slice %arg3[%dma_wait3A_73, %multiple_of3A] : memref<320000x256xf32, #tpu.memory_space<hbm>> -> memref<128x128xf32, #tpu.memory_space<hbm>>
        tpu.wait_dma2 semaphore(%run_scoped3A_67 : memref<!tpu.dma_semaphore, #tpu.memory_space<semaphore_mem>>) src(%dma_wait3A_74 : memref<128x128xf32, #tpu.memory_space<hbm>>) dst(%arg7 : memref<128x128xf32, #tpu.memory_space<vmem>>)
        tpu.yield
      }) : () -> ()
      %run_scoped3A_66 = arith.constant 3 : i32
      "tpu.region"() ({
        %run_scoped3A_67 = tpu.sem_alloc : memref<!tpu.dma_semaphore, #tpu.memory_space<semaphore_mem>>
        %dma_start3A_68 = arith.constant 0 : i32
        %dma_start3A_69 = tpu.memref_slice %arg6[%run_scoped3A_66, %dma_start3A_68] : memref<16x128xi32, #tpu.memory_space<vmem>> -> memref<1x128xi32, #tpu.memory_space<vmem>>
        %dma_start3A_70 = tpu.memref_squeeze %dma_start3A_69 : memref<1x128xi32, #tpu.memory_space<vmem>> -> memref<128xi32, #tpu.memory_space<vmem>>
        %dma_start3A_71 = arith.constant 0 : i32
        %dma_start3A_72 = arith.constant 0 : i32
        %dma_start3A_73 = tpu.memref_slice %arg9[%dma_start3A_71, %dma_start3A_72] : memref<10000x128xf32, #tpu.memory_space<vmem_shared>> -> memref<10000x128xf32, #tpu.memory_space<vmem_shared>>
        tpu.enqueue_indirect_dma source(%arg7 : memref<128x128xf32, #tpu.memory_space<vmem>>) target(%dma_start3A_73 : memref<10000x128xf32, #tpu.memory_space<vmem_shared>>) offsets(%dma_start3A_70 : memref<128xi32, #tpu.memory_space<vmem>>) semaphore(%run_scoped3A_67 : memref<!tpu.dma_semaphore, #tpu.memory_space<semaphore_mem>>) {add = true}
        %dma_wait3A = arith.constant 0 : i32
        %dma_wait3A_74 = tpu.memref_slice %arg6[%run_scoped3A_66, %dma_wait3A] : memref<16x128xi32, #tpu.memory_space<vmem>> -> memref<1x128xi32, #tpu.memory_space<vmem>>
        %dma_wait3A_75 = tpu.memref_squeeze %dma_wait3A_74 : memref<1x128xi32, #tpu.memory_space<vmem>> -> memref<128xi32, #tpu.memory_space<vmem>>
        %dma_wait3A_76 = arith.constant 0 : i32
        %dma_wait3A_77 = arith.constant 0 : i32
        %dma_wait3A_78 = tpu.memref_slice %arg9[%dma_wait3A_76, %dma_wait3A_77] : memref<10000x128xf32, #tpu.memory_space<vmem_shared>> -> memref<10000x128xf32, #tpu.memory_space<vmem_shared>>
        tpu.wait_indirect_dma semaphore(%run_scoped3A_67 : memref<!tpu.dma_semaphore, #tpu.memory_space<semaphore_mem>>) src(%arg7 : memref<128x128xf32, #tpu.memory_space<vmem>>) dst(%dma_wait3A_78 : memref<10000x128xf32, #tpu.memory_space<vmem_shared>>)
        tpu.yield
      }) : () -> ()
    } else {
    }
    %barrier3A_53 = arith.constant 0 : index
    tpu.barrier barrier_id(%barrier3A_53)
    %lt3A_54 = arith.constant 15 : i32
    %lt3A_55 = arith.cmpi slt, %arg1, %lt3A_54 : i32
    %convert_element_type3A_56 = arith.extui %lt3A_55 : i1 to i32
    %cond3A_57 = arith.constant 0 : i32
    %cond3A_58 = arith.cmpi ne, %convert_element_type3A_56, %cond3A_57 : i32
    scf.if %cond3A_58 {
      "tpu.region"() ({
        %run_scoped3A = tpu.sem_alloc : memref<!tpu.dma_semaphore, #tpu.memory_space<semaphore_mem>>
        %dma_start3A_64 = arith.constant 0 : i32
        %dma_start3A_65 = tpu.memref_slice %arg5[%arg0, %multiple_of3A_3, %dma_start3A_64] : memref<2x10000x128xf32, #tpu.memory_space<hbm>> -> memref<1x632x128xf32, #tpu.memory_space<hbm>>
        %dma_start3A_66 = tpu.memref_squeeze %dma_start3A_65 : memref<1x632x128xf32, #tpu.memory_space<hbm>> -> memref<632x128xf32, #tpu.memory_space<hbm>>
        %dma_start3A_67 = arith.constant 0 : i32
        %dma_start3A_68 = tpu.memref_slice %arg9[%multiple_of3A_3, %dma_start3A_67] : memref<10000x128xf32, #tpu.memory_space<vmem_shared>> -> memref<632x128xf32, #tpu.memory_space<vmem_shared>>
        tpu.enqueue_dma source(%dma_start3A_68 : memref<632x128xf32, #tpu.memory_space<vmem_shared>>) target(%dma_start3A_66 : memref<632x128xf32, #tpu.memory_space<hbm>>) target_semaphore(%run_scoped3A : memref<!tpu.dma_semaphore, #tpu.memory_space<semaphore_mem>>)
        %dma_wait3A = arith.constant 0 : i32
        %dma_wait3A_69 = tpu.memref_slice %arg5[%arg0, %multiple_of3A_3, %dma_wait3A] : memref<2x10000x128xf32, #tpu.memory_space<hbm>> -> memref<1x632x128xf32, #tpu.memory_space<hbm>>
        %dma_wait3A_70 = tpu.memref_squeeze %dma_wait3A_69 : memref<1x632x128xf32, #tpu.memory_space<hbm>> -> memref<632x128xf32, #tpu.memory_space<hbm>>
        %dma_wait3A_71 = arith.constant 0 : i32
        %dma_wait3A_72 = tpu.memref_slice %arg9[%multiple_of3A_3, %dma_wait3A_71] : memref<10000x128xf32, #tpu.memory_space<vmem_shared>> -> memref<632x128xf32, #tpu.memory_space<vmem_shared>>
        tpu.wait_dma2 semaphore(%run_scoped3A : memref<!tpu.dma_semaphore, #tpu.memory_space<semaphore_mem>>) src(%dma_wait3A_72 : memref<632x128xf32, #tpu.memory_space<vmem_shared>>) dst(%dma_wait3A_70 : memref<632x128xf32, #tpu.memory_space<hbm>>)
        tpu.yield
      }) : () -> ()
    } else {
    }
    %eq3A_59 = arith.constant 15 : i32
    %eq3A_60 = arith.cmpi eq, %arg1, %eq3A_59 : i32
    %convert_element_type3A_61 = arith.extui %eq3A_60 : i1 to i32
    %cond3A_62 = arith.constant 0 : i32
    %cond3A_63 = arith.cmpi ne, %convert_element_type3A_61, %cond3A_62 : i32
    scf.if %cond3A_63 {
      "tpu.region"() ({
        %run_scoped3A = tpu.sem_alloc : memref<!tpu.dma_semaphore, #tpu.memory_space<semaphore_mem>>
        %dma_start3A_64 = arith.constant 9480 : i32
        %dma_start3A_65 = arith.constant 0 : i32
        %dma_start3A_66 = tpu.memref_slice %arg5[%arg0, %dma_start3A_64, %dma_start3A_65] : memref<2x10000x128xf32, #tpu.memory_space<hbm>> -> memref<1x520x128xf32, #tpu.memory_space<hbm>>
        %dma_start3A_67 = tpu.memref_squeeze %dma_start3A_66 : memref<1x520x128xf32, #tpu.memory_space<hbm>> -> memref<520x128xf32, #tpu.memory_space<hbm>>
        %dma_start3A_68 = arith.constant 9480 : i32
        %dma_start3A_69 = arith.constant 0 : i32
        %dma_start3A_70 = tpu.memref_slice %arg9[%dma_start3A_68, %dma_start3A_69] : memref<10000x128xf32, #tpu.memory_space<vmem_shared>> -> memref<520x128xf32, #tpu.memory_space<vmem_shared>>
        tpu.enqueue_dma source(%dma_start3A_70 : memref<520x128xf32, #tpu.memory_space<vmem_shared>>) target(%dma_start3A_67 : memref<520x128xf32, #tpu.memory_space<hbm>>) target_semaphore(%run_scoped3A : memref<!tpu.dma_semaphore, #tpu.memory_space<semaphore_mem>>)
        %dma_wait3A = arith.constant 9480 : i32
        %dma_wait3A_71 = arith.constant 0 : i32
        %dma_wait3A_72 = tpu.memref_slice %arg5[%arg0, %dma_wait3A, %dma_wait3A_71] : memref<2x10000x128xf32, #tpu.memory_space<hbm>> -> memref<1x520x128xf32, #tpu.memory_space<hbm>>
        %dma_wait3A_73 = tpu.memref_squeeze %dma_wait3A_72 : memref<1x520x128xf32, #tpu.memory_space<hbm>> -> memref<520x128xf32, #tpu.memory_space<hbm>>
        %dma_wait3A_74 = arith.constant 9480 : i32
        %dma_wait3A_75 = arith.constant 0 : i32
        %dma_wait3A_76 = tpu.memref_slice %arg9[%dma_wait3A_74, %dma_wait3A_75] : memref<10000x128xf32, #tpu.memory_space<vmem_shared>> -> memref<520x128xf32, #tpu.memory_space<vmem_shared>>
        tpu.wait_dma2 semaphore(%run_scoped3A : memref<!tpu.dma_semaphore, #tpu.memory_space<semaphore_mem>>) src(%dma_wait3A_76 : memref<520x128xf32, #tpu.memory_space<vmem_shared>>) dst(%dma_wait3A_73 : memref<520x128xf32, #tpu.memory_space<hbm>>)
        tpu.yield
      }) : () -> ()
    } else {
    }
    return
  }
}

module attributes {stable_mosaic.version = 14 : i64} {
  func.func @_mm_body(%arg0: i32, %arg1: memref<2x2000x128xf32, #tpu.memory_space<vmem>>, %arg2: memref<2000x128xf32, #tpu.memory_space<vmem>>, %arg3: memref<2x128x128xf32, #tpu.memory_space<vmem>>, %arg4: memref<1x128xf32, #tpu.memory_space<vmem>>, %arg5: memref<2000x128xf32, #tpu.memory_space<vmem>>) attributes {dimension_semantics = [#tpu.dimension_semantics<arbitrary>], iteration_bounds = array<i64: 5>, scalar_prefetch = 0 : i64, scratch_operands = 0 : i64, tpu.core_type = #tpu.core_type<tc>, window_params = [{transform_indices = @transform_0, window_bounds = array<i64: 2, 2000, 128>}, {transform_indices = @transform_1, window_bounds = array<i64: 2000, 128>}, {pipeline_mode = #tpu.pipeline_mode<synchronous>, transform_indices = @transform_2, window_bounds = array<i64: 2, 128, 128>}, {pipeline_mode = #tpu.pipeline_mode<synchronous>, transform_indices = @transform_3, window_bounds = array<i64: 1, 128>}, {transform_indices = @transform_4, window_bounds = array<i64: 2000, 128>}]} {
    %get3A = arith.constant 0 : index
    %get3A_0 = arith.constant 0 : index
    %get3A_1 = vector.load %arg2[%get3A, %get3A_0] : memref<2000x128xf32, #tpu.memory_space<vmem>>, vector<2000x128xf32>
    %get3A_2 = arith.constant 0 : index
    %get3A_3 = arith.constant 0 : index
    %get3A_4 = vector.load %arg4[%get3A_2, %get3A_3] : memref<1x128xf32, #tpu.memory_space<vmem>>, vector<1x128xf32>
    %add3A = vector.broadcast %get3A_4 : vector<1x128xf32> to vector<2000x128xf32>
    %add3A_5 = arith.addf %get3A_1, %add3A : vector<2000x128xf32>
    %get3A_6 = arith.constant 0 : index
    %get3A_7 = arith.constant 0 : index
    %get3A_8 = arith.constant 0 : index
    %get3A_9 = vector.load %arg1[%get3A_6, %get3A_7, %get3A_8] : memref<2x2000x128xf32, #tpu.memory_space<vmem>>, vector<1x2000x128xf32>
    %get3A_10 = vector.shape_cast %get3A_9 : vector<1x2000x128xf32> to vector<2000x128xf32>
    %get3A_11 = arith.constant 0 : index
    %get3A_12 = arith.constant 0 : index
    %get3A_13 = arith.constant 0 : index
    %get3A_14 = vector.load %arg3[%get3A_11, %get3A_12, %get3A_13] : memref<2x128x128xf32, #tpu.memory_space<vmem>>, vector<1x128x128xf32>
    %get3A_15 = vector.shape_cast %get3A_14 : vector<1x128x128xf32> to vector<128x128xf32>
    %dot_general3A = arith.constant dense<0.000000e+00> : vector<2000x128xf32>
    %dot_general3A_16 = tpu.matmul %get3A_10, %get3A_15, %dot_general3A {dimension_numbers = #tpu.dot_dimension_numbers<[1], [0], [0], [1], [0, 0, 1, 1], [], []>, transpose_lhs_hint = false} : vector<2000x128xf32>, vector<128x128xf32>, vector<2000x128xf32> -> vector<2000x128xf32>
    %add3A_17 = arith.addf %add3A_5, %dot_general3A_16 : vector<2000x128xf32>
    %get3A_18 = arith.constant 1 : index
    %get3A_19 = arith.constant 0 : index
    %get3A_20 = arith.constant 0 : index
    %get3A_21 = vector.load %arg1[%get3A_18, %get3A_19, %get3A_20] : memref<2x2000x128xf32, #tpu.memory_space<vmem>>, vector<1x2000x128xf32>
    %get3A_22 = vector.shape_cast %get3A_21 : vector<1x2000x128xf32> to vector<2000x128xf32>
    %get3A_23 = arith.constant 1 : index
    %get3A_24 = arith.constant 0 : index
    %get3A_25 = arith.constant 0 : index
    %get3A_26 = vector.load %arg3[%get3A_23, %get3A_24, %get3A_25] : memref<2x128x128xf32, #tpu.memory_space<vmem>>, vector<1x128x128xf32>
    %get3A_27 = vector.shape_cast %get3A_26 : vector<1x128x128xf32> to vector<128x128xf32>
    %dot_general3A_28 = arith.constant dense<0.000000e+00> : vector<2000x128xf32>
    %dot_general3A_29 = tpu.matmul %get3A_22, %get3A_27, %dot_general3A_28 {dimension_numbers = #tpu.dot_dimension_numbers<[1], [0], [0], [1], [0, 0, 1, 1], [], []>, transpose_lhs_hint = false} : vector<2000x128xf32>, vector<128x128xf32>, vector<2000x128xf32> -> vector<2000x128xf32>
    %add3A_30 = arith.addf %add3A_17, %dot_general3A_29 : vector<2000x128xf32>
    %swap3A = arith.constant 0 : index
    %swap3A_31 = arith.constant 0 : index
    %swap3A_32 = vector.load %arg5[%swap3A, %swap3A_31] : memref<2000x128xf32, #tpu.memory_space<vmem>>, vector<2000x128xf32>
    tpu.vector_store %arg5[%swap3A, %swap3A_31], %add3A_30 {strides = array<i32>} : memref<2000x128xf32, #tpu.memory_space<vmem>>, vector<2000x128xf32>,
    return
  }
  func.func @transform_0(%arg0: i32) -> (i32, i32, i32) {
    %c0_i32 = arith.constant 0 : i32
    %c0_i32_0 = arith.constant 0 : i32
    %c0_i32_1 = arith.constant 0 : i32
    return %c0_i32, %arg0, %c0_i32_0 : i32, i32, i32
  }
  func.func @transform_1(%arg0: i32) -> (i32, i32) {
    %c0_i32 = arith.constant 0 : i32
    %c0_i32_0 = arith.constant 0 : i32
    return %arg0, %c0_i32 : i32, i32
  }
  func.func @transform_2(%arg0: i32) -> (i32, i32, i32) {
    %c0_i32 = arith.constant 0 : i32
    %c0_i32_0 = arith.constant 0 : i32
    %c0_i32_1 = arith.constant 0 : i32
    %c0_i32_2 = arith.constant 0 : i32
    return %c0_i32, %c0_i32_0, %c0_i32_1 : i32, i32, i32
  }
  func.func @transform_3(%arg0: i32) -> (i32, i32) {
    %c0_i32 = arith.constant 0 : i32
    %c0_i32_0 = arith.constant 0 : i32
    %c0_i32_1 = arith.constant 0 : i32
    return %c0_i32, %c0_i32_0 : i32, i32
  }
  func.func @transform_4(%arg0: i32) -> (i32, i32) {
    %c0_i32 = arith.constant 0 : i32
    %c0_i32_0 = arith.constant 0 : i32
    return %arg0, %c0_i32 : i32, i32
  }
}

</mosaic_0001>

<sc_bundles>
// kernel: kernel.4.cloned.1.call-start
scs
__scs_entry_jumppad:
0x0: {  	(pc) =	sbr.rel $0x88, $3  }
0x1: {  	(tag) =	ssettag $0x0;
	lr =	simm.s32 $0x1  }
0x2: {  	[smem:$0x3F9C] =	sst lr;
	_ =	strace $0xD0000000  }
0x3: {  	_ = 	snop  }
0x4: {  	_ = 	snop  }
0x5: {  	_ = 	snop  }
0x6: {  	_ = 	snop  }
0x7: {  	_ = 	snop  }
__scs_overlays_trampoline_lowered:
0x8: {  	[smem:$0x3FAB] =	sst s0  }
0x9: {  	[smem:$0x3FAC] =	sst s1  }
0xa: {  	[smem:$0x3FAD] =	sst s2  }
0xb: {  	[smem:$0x3FAE] =	sst s3  }
0xc: {  	[smem:$0x3FAF] =	sst s4  }
0xd: {  	[smem:$0x3FB0] =	sst s5  }
0xe: {  	[smem:$0x3FB1] =	sst s6  }
0xf: {  	[smem:$0x3FB2] =	sst s7  }
0x10: {  	[smem:$0x3FB3] =	sst s8  }
0x11: {  	[smem:$0x3FB4] =	sst s9;
	s0 =	simm.s32 @!p0 $0x0  }
0x12: {  	s1 =	sld [smem:$0x3F9A];
	s0 =	simm.s32 @p0 $0x1  }
0x13: {  	[smem:$0x3FB5] =	sst s0;
	s0 =	simm.s32 @!p1 $0x0  }
0x14: {  	s2 =	sld [smem:$0x3F99];
	s0 =	simm.s32 @p1 $0x1  }
0x15: {  	[smem:$0x3FB6] =	sst s0;
	s0 =	simm.s32 @!p2 $0x0  }
0x16: {  	s3 =	sld [smem:$0x3FDB];
	s0 =	simm.s32 @p2 $0x1  }
0x17: {  	s4 =	simm.s32 $0x1BF5;
	[smem:$0x3FB8] =	sst s0  }
0x18: {  	s0 =	sld [smem:$0x3F9B];
	_ =	swait.ge [sflag:s4], $0x0  }
0x19: {  	s7 =	sld [smem:$0x3F9C]  }
0x1a: {  	s8 =	sadd.s32 $0xFFFFE003, lr  }
0x1b: {  	s9 =	sadd.s32 $0xFFFFFEF7, lr;
	s5 =	simm.s32 $0xFFFFFFFF;
	p2 =	slt.u32 s8, $0xFFFFF086  }
0x1c: {  	p1 =	slt.u32 s9, $0xF7A;
	s5 =	simm.s32 @!p2 $0x0  }
0x1d: {  	s5 =	simm.s32 @p1 $0x1;
	p0 =	seq.s32 s7, s2  }
0x1e: {  	s7 =	smul.u32 @!p0 $0xF7A, s2;
	p2 =	seq.s32 @!p0 s5, $0x0  }
0x1f: {  	s9 =	smul.u32 $0xF7A, s1;
	s8 =	simm.s32 @!p0 $0x1BF5;
	p2 =	por !p2, p0  }
0x20: {  	[sflag:s8] =	ssyncset.s32 @!p0 $0xFFFFF086;
	s6 =	sadd.s32 @!p0 s3, s7;
	s7 =	simm.s32 @!p0 $0x108  }
0x21: {  	s3 =	sadd.s32 s3, s9;
	s6 =	sadd.s32 @!p0 $0x88, s6;
	s7 =	simm.s32 @p2 $0x1082  }
0x22: {  	[simem:s7], [sflag:s8] =	dma.local @!p0 [hbm:s6], $0xF7A  }
0x23: {  	s9 =	sor.u32 $0xD0000000, s2;
	s6 =	simm.s32 $0x108;
	_ =	swait.ge @!p0 [sflag:s8], $0x0  }
0x24: {  	s3 =	sadd.s32 $0x88, s3;
	s6 =	simm.s32 @!p1 $0x1082;
	[sflag:s4] =	ssyncset.s32 $0xFFFFF086  }
0x25: {  	[simem:s6], [sflag:s4] =	dma.local [hbm:s3], $0xF7A  }
0x26: {  	[smem:$0x3F9C] =	sst s1;
	(tag) =	ssettag s2;
	_ =	strace s9  }
0x27: {  	s1 =	sld [smem:$0x3FAC]  }
0x28: {  	s2 =	sld [smem:$0x3FAD]  }
0x29: {  	s4 =	sld [smem:$0x3FAF]  }
0x2a: {  	p0 =	seq.s32 s5, $0x0;
	s5 =	sld [smem:$0x3FB0]  }
0x2b: {  	s6 =	sld [smem:$0x3FB1]  }
0x2c: {  	s7 =	sld [smem:$0x3FB2]  }
0x2d: {  	s3 =	simm.s32 $0x108;
	s8 =	sld [smem:$0x3FB3]  }
0x2e: {  	s3 =	simm.s32 @!p0 $0x1082;
	s9 =	sld [smem:$0x3FB4]  }
0x2f: {  	lr =	sadd.s32 s0, s3;
	s0 =	sld [smem:$0x3FAB]  }
0x30: {  	s3 =	sld [smem:$0x3FAE]  }
0x31: {  	[smem:$0x3FB7] =	sst s10  }
0x32: {  	s10 =	sld [smem:$0x3FB5];
	_ =	sdelay $0x3  }
0x33: {  	p0 =	seq.s32 s10, $0x1;
	s10 =	sld [smem:$0x3FB7];
	_ =	sdelay $0x3  }
0x34: {  	[smem:$0x3FB7] =	sst s10  }
0x35: {  	s10 =	sld [smem:$0x3FB6];
	_ =	sdelay $0x3  }
0x36: {  	p1 =	seq.s32 s10, $0x1;
	s10 =	sld [smem:$0x3FB7];
	_ =	sdelay $0x3  }
0x37: {  	[smem:$0x3FB7] =	sst s10  }
0x38: {  	s10 =	sld [smem:$0x3FB8]  }
0x39: {  	_ = 	snop;
	(pc) =	sbr.ind lr, $3  }
0x3a: {  	_ = 	snop  }
0x3b: {  	_ = 	snop  }
0x3c: {  	p2 =	seq.s32 s10, $0x1;
	s10 =	sld [smem:$0x3FB7]  }
0x3d: {  	_ =	shalt  }
0x3e: {  	_ =	shalt  }
0x3f: {  	_ =	shalt  }
0x40: {  	_ =	shalt  }
0x41: {  	_ =	shalt  }
0x42: {  	_ =	shalt  }
0x43: {  	_ =	shalt  }
0x44: {  	_ =	shalt  }
0x45: {  	_ =	shalt  }
0x46: {  	_ =	shalt  }
0x47: {  	_ =	shalt  }
0x48: {  	_ =	shalt  }
0x49: {  	_ =	shalt  }
0x4a: {  	_ =	shalt  }
0x4b: {  	_ =	shalt  }
0x4c: {  	_ =	shalt  }
0x4d: {  	_ =	shalt  }
0x4e: {  	_ =	shalt  }
0x4f: {  	_ =	shalt  }
0x50: {  	_ =	shalt  }
0x51: {  	_ =	shalt  }
0x52: {  	_ =	shalt  }
0x53: {  	_ =	shalt  }
0x54: {  	_ =	shalt  }
0x55: {  	_ =	shalt  }
0x56: {  	_ =	shalt  }
0x57: {  	_ =	shalt  }
0x58: {  	_ =	shalt  }
0x59: {  	_ =	shalt  }
0x5a: {  	_ =	shalt  }
0x5b: {  	_ =	shalt  }
0x5c: {  	_ =	shalt  }
0x5d: {  	_ =	shalt  }
0x5e: {  	_ =	shalt  }
0x5f: {  	_ =	shalt  }
0x60: {  	_ =	shalt  }
0x61: {  	_ =	shalt  }
0x62: {  	_ =	shalt  }
0x63: {  	_ =	shalt  }
0x64: {  	_ =	shalt  }
0x65: {  	_ =	shalt  }
0x66: {  	_ =	shalt  }
0x67: {  	_ =	shalt  }
0x68: {  	_ =	shalt  }
0x69: {  	_ =	shalt  }
0x6a: {  	_ =	shalt  }
0x6b: {  	_ =	shalt  }
0x6c: {  	_ =	shalt  }
0x6d: {  	_ =	shalt  }
0x6e: {  	_ =	shalt  }
0x6f: {  	_ =	shalt  }
0x70: {  	_ =	shalt  }
0x71: {  	_ =	shalt  }
0x72: {  	_ =	shalt  }
0x73: {  	_ =	shalt  }
0x74: {  	_ =	shalt  }
0x75: {  	_ =	shalt  }
0x76: {  	_ =	shalt  }
0x77: {  	_ =	shalt  }
0x78: {  	_ =	shalt  }
0x79: {  	_ =	shalt  }
0x7a: {  	_ =	shalt  }
0x7b: {  	_ =	shalt  }
0x7c: {  	_ =	shalt  }
0x7d: {  	_ =	shalt  }
0x7e: {  	_ =	shalt  }
0x7f: {  	_ =	shalt  }
0x80: {  	_ =	shalt  }
0x81: {  	_ =	shalt  }
0x82: {  	_ =	shalt  }
0x83: {  	_ =	shalt  }
0x84: {  	_ =	shalt  }
0x85: {  	_ =	shalt  }
0x86: {  	_ =	shalt  }
0x87: {  	_ =	shalt  }
.Lfunc_end0:
.L_simem_size_0:
called_computation_lowered:
.L_overlay_start_0:
0x88: {  	s2 =	sld [smem:$0x3FD9]  }
0x89: {  	s3 =	sld [smem:$0x3FFE];
	_ =	sdelay $0x1  }
0x8a: {  	s1 =	srdreg.scid  }
0x8b: {  	s0 =	sand.u32 $0x1, s1  }
0x8c: {  	s17 =	sshll.u32 s0, $0xA;
	s2 =	sadd.s32 s3, s2  }
0x8d: {  	s2 =	sadd.s32 s2, s17  }
0x8e: {  	[smem:$0x3FC3] =	sst s2  }
0x8f: {  	_ = 	snop  }
0x90: {  	s2 =	sld [smem:$0x3FC7]  }
0x91: {  	s18 =	sld [smem:$0x3FD0];
	(tm) =	ssettm $0x1  }
0x92: {  	s4 =	sld [smem:$0x3FFB];
	_ =	sdelay $0x3  }
0x93: {  	_ =	strace s4  }
0x94: {  	s4 =	sld [smem:$0x3FFC];
	_ =	sdelay $0x3  }
0x95: {  	_ =	strace s4  }
0x96: {  	s4 =	sld [smem:$0x3FFD];
	_ =	sdelay $0x3  }
0x97: {  	_ =	strace s4  }
0x98: {  	_ =	strace $0x8FFFFFFF  }
0x99: {  	s19 =	sld [smem:$0x3FDB];
	_ =	sdelay $0x1  }
0x9a: {  	s5 =	simm.s32 $_scs_section_size  }
0x9b: {  	s6 =	simm.s32 $_size__tile_overlayer_lowered;
	s7 =	simm.s32 $_tile_overlayer_lowered  }
0x9c: {  	s22 =	simm.s32 $0x1BFF;
	s21 =	sshll.u32 s7, $0x1;
	s4 =	sadd.s32 s5, s19  }
0x9d: {  	s8 =	simm.s32 $0x0;
	s20 =	sshll.u32 s6, $0x1;
	s6 =	sadd.s32 s21, s4  }
0x9e: {  	[timem:s8], [sflag:s22] =	dma.local [hbm:s6], s20  }
0x9f: {  	_ =	swait.ge [sflag:s22], s20  }
0xa0: {  	s5 =	ssub.s32 $0x0, s20;
	[sflag:s22] =	ssyncset.done $0x0  }
0xa1: {  	[sflag:s22] =	ssyncadd.s32 s5;
	_ =	sdelay $0x1  }
0xa2: {  	s23 =	simm.s32 $0x1B8B  }
0xa3: {  	_ =	swait.ge [sflag:s23], $0x1  }
0xa4: {  	[sflag:s23] =	ssyncset.done $0x0  }
0xa5: {  	s25 =	simm.s32 $0x1B8E;
	s24 =	sld [smem:$0x3FFE];
	[sflag:s23] =	ssyncadd.s32 $0xFFFFFFFF  }
0xa6: {  	s26 =	simm.s32 $execute0_lowered;
	[smem:$0x3FD2] =	sst s25  }
0xa7: {  	s6 =	sshll.u32 s26, $0x1;
	_ =	strace $0x80000046;
	[dreg:$0x1] =	wrdreg $0xFFFFFFFF  }
0xa8: {  	s28 =	simm.s32 $_size_execute0_lowered;
	s4 =	sadd.s32 s4, s6;
	[dreg:$0x0] =	wrdreg $0x0  }
0xa9: {  	s6 =	sshll.u32 s28, $0x1;
	[dreg:$0x2] =	wrdreg s4  }
0xaa: {  	[dreg:$0x3] =	wrdreg s6  }
0xab: {  	[dreg:$0x4] =	wrdreg $0xC0  }
0xac: {  	_ =	task [dreg:s8], $0x5FFFF  }
0xad: {  	[dreg:$0x1] =	wrdreg $0xFFFFFFFF  }
0xae: {  	[dreg:$0x0] =	wrdreg $0x60  }
0xaf: {  	[dreg:$0x2] =	wrdreg s18  }
0xb0: {  	[dreg:$0x3] =	wrdreg s2  }
0xb1: {  	[dreg:$0x4] =	wrdreg s24  }
0xb2: {  	[dreg:$0x5] =	wrdreg $0x88000  }
0xb3: {  	[dreg:$0x6] =	wrdreg $0x9  }
0xb4: {  	_ =	task.clear_ibuf [dreg:s8], $0x7FFFF;
	_ =	strace $0x90000046  }
0xb5: {  	s29 =	simm.s32 $0x9;
	_ =	strace $0x80000048  }
0xb6: {  	_ =	swait.ge [sflag:s29], $0x1  }
0xb7: {  	[sflag:s29] =	ssyncadd.s32 $0xFFFFFFFF  }
0xb8: {  	_ =	strace $0x90000048  }
0xb9: {  	_ =	sfence  }
0xba: {  	s30 =	sld [smem:$0x0];
	_ =	sdelay $0x2  }
0xbb: {  	s31 =	sshll.u32 s1, $0xD;
	s1 =	sshrl.u32 s1, $0x2  }
0xbc: {  	s3 =	sand.u32 $0x4000, s31;
	s1 =	sadd.s32 s1, s30  }
0xbd: {  	s0 =	sor.u32 s3, s0;
	s1 =	sshll.u32 s1, $0x11  }
0xbe: {  	s0 =	sor.u32 s1, s0  }
0xbf: {  	s0 =	sadd.s32 $0x8F2B, s0  }
0xc0: {  	[sflag:s0] =	ssyncadd.remote.s32 $0x1  }
0xc1: {  	_ =	sfence.sel $0xFFFF  }
0xc2: {  	[dreg:$0x0] =	wrdreg $0xFFFFFFFF;
	(pc) =	sbr.abs _section_cstart, $3  }
0xc3: {  	[dreg:$0x1] =	wrdreg $0xFFFFFFFF  }
0xc4: {  	_ =	task.clear_ibuf [dreg:s8], $0x2FFFF;
	_ =	strace $0x9FFFFFFF  }
0xc5: {  	(tm) =	ssettm $0x7FFFFFFF  }
tec
execute0_lowered:
.L_overlay_start_1:
0x0: {  	(tag) =	ssettag $0x1  }
0x1: {  	s0 =	rddreg [dreg:$0x0]  }
0x2: {  	s13 =	rddreg [dreg:$0x1]  }
0x3: {  	s1 =	rddreg [dreg:$0x2]  }
0x4: {  	s3 =	rddreg [dreg:$0x3];
	s15 =	stileid.u32  }
0x5: {  	s4 =	simm.s32 $0x0;
	s6 =	srdreg.scid;
	s2 =	smul.u32 $0x9, s15  }
0x6: {  	[smem:$0x7FF] =	sst s4;
	s7 =	smul.u32 $0xA, s15  }
0x7: {  	s5 =	sadd.s32 $0x800, s1;
	s10 =	sand.u32 $0x1, s6;
	s14 =	smul.u32 $0x4F000, s15  }
0x8: {  	p0 =	slt.u32 s15, $0xC;
	s1 =	sadd.s32 $0x3000, s1;
	s17 =	smul.u32 $0x13C00, s15  }
0x9: {  	s19 =	smul.u32 $0x480000, s15;
	s23 =	sadd.s32 $0x9C00, s0;
	_ =	strace $0x80000047  }
0xa: {  	s6 =	ssub.s32 $0x2, s10;
	s11 =	sshll.u32 s10, $0xA;
	s21 =	sshll.u32 s10, $0x7  }
0xb: {  	[smem:$0x7F7] =	sst s23;
	s2 =	sadd.s32 $0xC, s2;
	s9 =	sshrl.u32 s6, $0x1  }
0xc: {  	s16 =	sshrl.u32 s14, $0x2;
	s14 =	sadd.s32 $0x128400, s3;
	s2 =	smov.u32 @p0 s7  }
0xd: {  	s8 =	sshll.u32 s2, $0x13;
	s2 =	ssub.s32 s6, s9;
	s9 =	smul.u32 $0x138800, s10  }
0xe: {  	[smem:$0x7F5] =	sst s14;
	s12 =	sor.u32 s11, s8;
	s8 =	smin.u32 s15, $0xC  }
0xf: {  	s7 =	sshrl.u32 s12, $0x3;
	s18 =	sadd.s32 s17, s9;
	s20 =	sshll.u32 s8, $0x13  }
0x10: {  	s9 =	sshrl.u32 s9, $0x3;
	s12 =	sadd.s32 s13, s7;
	s7 =	sadd.s32 s16, s3  }
0x11: {  	s22 =	sadd.s32 s20, s19;
	[smem:$0x7F2] =	sst s12;
	s12 =	sadd.s32 $0x1000, s12  }
0x12: {  	[smem:$0x7F4] =	sst s7;
	s7 =	sshrl.u32 s18, $0x3;
	s10 =	sor.u32 s11, s22  }
0x13: {  	[smem:$0x7F3] =	sst s12;
	s7 =	sadd.s32 s1, s7;
	s26 =	sor.u32 $0x78000, s10  }
0x14: {  	s31 =	sor.u32 $0x70000, s10;
	s12 =	simm.s32 $0x200;
	[smem:$0x7F6] =	sst s7  }
0x15: {  	s16 =	sor.u32 $0x68000, s10;
	s11 =	sshrl.u32 s26, $0x3;
	[dreg:$0x16] =	wrdreg s12  }
0x16: {  	s18 =	sor.u32 $0x60000, s10;
	s14 =	sshrl.u32 s31, $0x3;
	[dreg:$0x5] =	wrdreg s11  }
0x17: {  	s20 =	sor.u32 $0x58000, s10;
	s17 =	sshrl.u32 s16, $0x3;
	[dreg:$0x6] =	wrdreg s14  }
0x18: {  	s22 =	sor.u32 $0x50000, s10;
	s19 =	sshrl.u32 s18, $0x3;
	[dreg:$0x7] =	wrdreg s17  }
0x19: {  	s7 =	sadd.s32 s21, s13;
	s21 =	sshrl.u32 s20, $0x3;
	[dreg:$0x8] =	wrdreg s19  }
0x1a: {  	s1 =	sadd.s32 s1, s9;
	s23 =	sshrl.u32 s22, $0x3;
	[dreg:$0x9] =	wrdreg s21  }
0x1b: {  	s1 =	sadd.s32 $0x25080, s1;
	[dreg:$0xa] =	wrdreg s23  }
0x1c: {  	s24 =	sadd.s32 $0x9C0000, s7;
	[smem:$0x7FC] =	sst s1  }
0x1d: {  	s28 =	simm.s32 $0x2;
	s25 =	sadd.s32 $0x9C1000, s7;
	[smem:$0x7F8] =	sst s24  }
0x1e: {  	s31 =	sor.u32 $0x38000, s10;
	s30 =	sadd.s32 $0x9C2000, s7;
	[smem:$0x7F9] =	sst s25  }
0x1f: {  	s16 =	sor.u32 $0x30000, s10;
	s14 =	sshrl.u32 s31, $0x3;
	[smem:$0x7FA] =	sst s30  }
0x20: {  	s18 =	sor.u32 $0x28000, s10;
	s17 =	sshrl.u32 s16, $0x3;
	[dreg:$0xd] =	wrdreg s14  }
0x21: {  	s20 =	sor.u32 $0x20000, s10;
	s19 =	sshrl.u32 s18, $0x3;
	[dreg:$0xe] =	wrdreg s17  }
0x22: {  	s22 =	sor.u32 $0x18000, s10;
	s21 =	sshrl.u32 s20, $0x3;
	[dreg:$0xf] =	wrdreg s19  }
0x23: {  	s29 =	simm.s32 $0x0;
	s23 =	sshrl.u32 s22, $0x3;
	[dreg:$0x10] =	wrdreg s21  }
0x24: {  	s6 =	simm.s32 $0xA0;
	s7 =	sadd.s32 $0x9C3000, s7;
	[dreg:$0x11] =	wrdreg s23  }
0x25: {  	s6 =	simm.s32 @!p0 $0x90;
	s31 =	simm.s32 $0x100;
	[smem:$0x7FB] =	sst s7  }
0x26: {  	p0 =	seq.s32 s15, $0xF;
	s11 =	simm.s32 $0x180;
	[dreg:$0x14] =	wrdreg s31  }
0x27: {  	s26 =	sor.u32 $0x40000, s10;
	s20 =	simm.s32 $0x380;
	[dreg:$0x15] =	wrdreg s11  }
0x28: {  	s18 =	smax.u32 s2, $0x1;
	s30 =	sshrl.u32 s26, $0x3;
	[dreg:$0x19] =	wrdreg s20  }
0x29: {  	s16 =	smul.u32 $0x900, s15;
	s14 =	simm.s32 $0x280;
	[dreg:$0xc] =	wrdreg s30  }
0x2a: {  	s22 =	sshll.u32 s8, $0x8;
	s17 =	simm.s32 $0x300;
	[dreg:$0x17] =	wrdreg s14  }
0x2b: {  	s24 =	sor.u32 $0x48000, s10;
	s21 =	simm.s32 $0x480;
	[dreg:$0x18] =	wrdreg s17  }
0x2c: {  	s26 =	sadd.s32 $0x88000, s10;
	s23 =	simm.s32 $0x500;
	[dreg:$0x1a] =	wrdreg s21  }
0x2d: {  	s19 =	sadd.s32 $0x80000, s10;
	s31 =	simm.s32 $0x780;
	[dreg:$0x1b] =	wrdreg s23  }
0x2e: {  	s25 =	sshrl.u32 s24, $0x3;
	s24 =	sor.u32 $0x10000, s10;
	[smem:$0x7FD] =	sst s31  }
0x2f: {  	s30 =	sshrl.u32 s26, $0x3;
	s0 =	sadd.s32 s16, s0;
	[dreg:$0xb] =	wrdreg s25  }
0x30: {  	s21 =	simm.s32 $0x400;
	s26 =	simm.s32 $0x680;
	[dreg:$0x13] =	wrdreg s30  }
0x31: {  	s23 =	simm.s32 $0x4800;
	s25 =	sshrl.u32 s24, $0x3;
	[dreg:$0x1e] =	wrdreg s26  }
0x32: {  	s20 =	sadd.s32 s22, s0;
	s24 =	simm.s32 $0x580;
	[dreg:$0x12] =	wrdreg s25  }
0x33: {  	s22 =	simm.s32 $0x800;
	s30 =	simm.s32 $0x700;
	[dreg:$0x1c] =	wrdreg s24  }
0x34: {  	s26 =	simm.s32 $0x80;
	s25 =	simm.s32 $0x600;
	[dreg:$0x1f] =	wrdreg s30  }
0x35: {  	s24 =	simm.s32 $0x3;
	[dreg:$0x1d] =	wrdreg s25;
	s25 =	simm.s32 $0x1  }
.LBB2_1:
0x36: {  	s0 =	sld [smem:$0x7F2];
	_ =	sdelay $0x1  }
0x37: {  	s11 =	sld [smem:$0x7F3]  }
0x38: {  	[tilespmem:s22], [sflag:$0x1] =	stream.strided.gather [hbm4b:s0+s21], $0x4000, s22, s21, $0x38;
	[tilespmem:$0x1C080] =	vst v63  }
0x39: {  	s0 =	sld [smem:$0x7F5]  }
0x3a: {  	s2 =	simm.s32 @p0 $0x1FC3  }
0x3b: {  	[tilespmem:s23], [sflag:$0x2] =	stream.strided.gather [hbm4b:s11+s21], $0x4000, s22, s21, $0x38;
	[tilespmem:$0x1C080] =	vst v63  }
0x3c: {  	s31 =	simm.s32 @p0 $0x3;
	s30 =	sshrl.u32 @p0 s0, $0x3;
	s0 =	stileid.u32  }
0x3d: {  	[spmem:s30], [sflag:s2] =	dma.local @p0 [hbm:s5], $0x2080  }
0x3e: {  	s0 =	sshll.u32 @!p0 s0, $0x6;
	_ =	swait.ge @p0 [sflag:s31], $0x2080  }
0x3f: {  	s8 =	sor.u32 @!p0 $0x1C03, s0;
	s0 =	sld [smem:$0x7F4];
	_ =	sdelay $0x1  }
0x40: {  	[sflag:s31] =	ssyncset.done @p0 $0x0  }
0x41: {  	[sflag:s31] =	ssyncadd.s32 @p0 $0xFFFFDF80;
	s9 =	sshrl.u32 @!p0 s0, $0x3;
	s0 =	simm.s32 @!p0 $0x3  }
0x42: {  	[spmem:s9], [sflag:s8] =	dma.local @!p0 [hbm:s5], $0x2780  }
0x43: {  	_ =	swait.ge @!p0 [sflag:s0], $0x2780  }
0x44: {  	[sflag:s0] =	ssyncset.done @!p0 $0x0  }
0x45: {  	[sflag:s0] =	ssyncadd.s32 @!p0 $0xFFFFD880  }
0x46: {  	[bflag:$0x0] =	sbarrier.arrive $0xFFFF  }
0x47: {  	[tilespmem:s4], [sflag:$0x3] =	stream.linear.gather [hbm4b:s20+s4], $0x800, $0x38;
	[tilespmem:$0x1C080] =	vst v63  }
0x48: {  	_ =	swait.ge [sflag:s24], $0x800  }
0x49: {  	[sflag:s24] =	ssyncset.done $0x0  }
0x4a: {  	[sflag:s24] =	ssyncadd.s32 $0xFFFFF800  }
0x4b: {  	_ =	swait.ge [sflag:s25], $0x4000  }
0x4c: {  	[sflag:s25] =	ssyncset.done $0x0  }
0x4d: {  	[sflag:s25] =	ssyncadd.s32 $0xFFFFC000  }
0x4e: {  	[spmem:s3] =	stream.indirect.scatter.add.f32 [tilespmem:s22], [sflag:$0x3], $0x80, s4, s26, $0xb8;
	[tilespmem:$0x1C080] =	vst v63  }
0x4f: {  	p1 =	sle.u32 s6, $0x2;
	_ =	swait.ge [sflag:s24], $0x4000  }
0x50: {  	s7 =	simm.s32 @!p1 $0x400;
	s1 =	rddreg [dreg:$0x12];
	[sflag:s24] =	ssyncset.done $0x0  }
0x51: {  	s10 =	simm.s32 @!p1 $0x800;
	[sflag:s24] =	ssyncadd.s32 $0xFFFFC000;
	s1 =	sadd.s32 @!p1 s13, s1  }
0x52: {  	[tilespmem:s10], [sflag:$0x1] =	stream.strided.gather @!p1 [hbm4b:s1+s7], $0x4000, s10, s7, $0x38;
	[tilespmem:$0x1C080] =	vst v63  }
0x53: {  	_ =	swait.ge [sflag:s28], $0x4000  }
0x54: {  	[sflag:s28] =	ssyncset.done $0x0  }
0x55: {  	p1 =	sle.u32 s6, $0x3;
	[sflag:s28] =	ssyncadd.s32 $0xFFFFC000  }
0x56: {  	[spmem:s3] =	stream.indirect.scatter.add.f32 [tilespmem:s23], [sflag:$0x3], $0x80, s26, s26, $0xb8;
	[tilespmem:$0x1C080] =	vst v63  }
0x57: {  	s7 =	simm.s32 @!p1 $0x400;
	_ =	swait.ge [sflag:s24], $0x4000  }
0x58: {  	s10 =	simm.s32 @!p1 $0x4800;
	s1 =	rddreg [dreg:$0x11];
	[sflag:s24] =	ssyncset.done $0x0  }
0x59: {  	s11 =	simm.s32 @!p1 $0x800;
	[sflag:s24] =	ssyncadd.s32 $0xFFFFC000;
	s1 =	sadd.s32 @!p1 s13, s1  }
0x5a: {  	[tilespmem:s10], [sflag:$0x2] =	stream.strided.gather @!p1 [hbm4b:s1+s7], $0x4000, s11, s7, $0x38;
	[tilespmem:$0x1C080] =	vst v63  }
0x5b: {  	_ =	swait.ge [sflag:s25], $0x4000  }
0x5c: {  	[sflag:s25] =	ssyncset.done $0x0  }
0x5d: {  	s12 =	rddreg [dreg:$0x14];
	[sflag:s25] =	ssyncadd.s32 $0xFFFFC000  }
0x5e: {  	[spmem:s3] =	stream.indirect.scatter.add.f32 [tilespmem:s22], [sflag:$0x3], $0x80, s12, s26, $0xb8;
	[tilespmem:$0x1C080] =	vst v63  }
0x5f: {  	p1 =	sle.u32 s6, $0x4;
	_ =	swait.ge [sflag:s24], $0x4000  }
0x60: {  	s7 =	simm.s32 @!p1 $0x400;
	s1 =	rddreg [dreg:$0x10];
	[sflag:s24] =	ssyncset.done $0x0  }
0x61: {  	s10 =	simm.s32 @!p1 $0x800;
	[sflag:s24] =	ssyncadd.s32 $0xFFFFC000;
	s1 =	sadd.s32 @!p1 s13, s1  }
0x62: {  	[tilespmem:s10], [sflag:$0x1] =	stream.strided.gather @!p1 [hbm4b:s1+s7], $0x4000, s10, s7, $0x38;
	[tilespmem:$0x1C080] =	vst v63  }
0x63: {  	_ =	swait.ge [sflag:s28], $0x4000  }
0x64: {  	[sflag:s28] =	ssyncset.done $0x0  }
0x65: {  	p1 =	sle.u32 s6, $0x5;
	s14 =	rddreg [dreg:$0x15];
	[sflag:s28] =	ssyncadd.s32 $0xFFFFC000  }
0x66: {  	[spmem:s3] =	stream.indirect.scatter.add.f32 [tilespmem:s23], [sflag:$0x3], $0x80, s14, s26, $0xb8;
	[tilespmem:$0x1C080] =	vst v63  }
0x67: {  	s7 =	simm.s32 @!p1 $0x400;
	_ =	swait.ge [sflag:s24], $0x4000  }
0x68: {  	s10 =	simm.s32 @!p1 $0x4800;
	s1 =	rddreg [dreg:$0xf];
	[sflag:s24] =	ssyncset.done $0x0  }
0x69: {  	s11 =	simm.s32 @!p1 $0x800;
	[sflag:s24] =	ssyncadd.s32 $0xFFFFC000;
	s1 =	sadd.s32 @!p1 s13, s1  }
0x6a: {  	[tilespmem:s10], [sflag:$0x2] =	stream.strided.gather @!p1 [hbm4b:s1+s7], $0x4000, s11, s7, $0x38;
	[tilespmem:$0x1C080] =	vst v63  }
0x6b: {  	_ =	swait.ge [sflag:s25], $0x4000  }
0x6c: {  	[sflag:s25] =	ssyncset.done $0x0  }
0x6d: {  	s15 =	rddreg [dreg:$0x16];
	[sflag:s25] =	ssyncadd.s32 $0xFFFFC000  }
0x6e: {  	[spmem:s3] =	stream.indirect.scatter.add.f32 [tilespmem:s22], [sflag:$0x3], $0x80, s15, s26, $0xb8;
	[tilespmem:$0x1C080] =	vst v63  }
0x6f: {  	p1 =	sle.u32 s6, $0x6;
	_ =	swait.ge [sflag:s24], $0x4000  }
0x70: {  	s7 =	simm.s32 @!p1 $0x400;
	s1 =	rddreg [dreg:$0xe];
	[sflag:s24] =	ssyncset.done $0x0  }
0x71: {  	s10 =	simm.s32 @!p1 $0x800;
	[sflag:s24] =	ssyncadd.s32 $0xFFFFC000;
	s1 =	sadd.s32 @!p1 s13, s1  }
0x72: {  	[tilespmem:s10], [sflag:$0x1] =	stream.strided.gather @!p1 [hbm4b:s1+s7], $0x4000, s10, s7, $0x38;
	[tilespmem:$0x1C080] =	vst v63  }
0x73: {  	_ =	swait.ge [sflag:s28], $0x4000  }
0x74: {  	[sflag:s28] =	ssyncset.done $0x0  }
0x75: {  	p1 =	sle.u32 s6, $0x7;
	s16 =	rddreg [dreg:$0x17];
	[sflag:s28] =	ssyncadd.s32 $0xFFFFC000  }
0x76: {  	[spmem:s3] =	stream.indirect.scatter.add.f32 [tilespmem:s23], [sflag:$0x3], $0x80, s16, s26, $0xb8;
	[tilespmem:$0x1C080] =	vst v63  }
0x77: {  	s7 =	simm.s32 @!p1 $0x400;
	_ =	swait.ge [sflag:s24], $0x4000  }
0x78: {  	s10 =	simm.s32 @!p1 $0x4800;
	s1 =	rddreg [dreg:$0xd];
	[sflag:s24] =	ssyncset.done $0x0  }
0x79: {  	s11 =	simm.s32 @!p1 $0x800;
	[sflag:s24] =	ssyncadd.s32 $0xFFFFC000;
	s1 =	sadd.s32 @!p1 s13, s1  }
0x7a: {  	[tilespmem:s10], [sflag:$0x2] =	stream.strided.gather @!p1 [hbm4b:s1+s7], $0x4000, s11, s7, $0x38;
	[tilespmem:$0x1C080] =	vst v63  }
0x7b: {  	_ =	swait.ge [sflag:s25], $0x4000  }
0x7c: {  	[sflag:s25] =	ssyncset.done $0x0  }
0x7d: {  	s17 =	rddreg [dreg:$0x18];
	[sflag:s25] =	ssyncadd.s32 $0xFFFFC000  }
0x7e: {  	[spmem:s3] =	stream.indirect.scatter.add.f32 [tilespmem:s22], [sflag:$0x3], $0x80, s17, s26, $0xb8;
	[tilespmem:$0x1C080] =	vst v63  }
0x7f: {  	p1 =	sle.u32 s6, $0x8;
	_ =	swait.ge [sflag:s24], $0x4000  }
0x80: {  	s7 =	simm.s32 @!p1 $0x400;
	s1 =	rddreg [dreg:$0xc];
	[sflag:s24] =	ssyncset.done $0x0  }
0x81: {  	s10 =	simm.s32 @!p1 $0x800;
	[sflag:s24] =	ssyncadd.s32 $0xFFFFC000;
	s1 =	sadd.s32 @!p1 s13, s1  }
0x82: {  	[tilespmem:s10], [sflag:$0x1] =	stream.strided.gather @!p1 [hbm4b:s1+s7], $0x4000, s10, s7, $0x38;
	[tilespmem:$0x1C080] =	vst v63  }
0x83: {  	_ =	swait.ge [sflag:s28], $0x4000  }
0x84: {  	[sflag:s28] =	ssyncset.done $0x0  }
0x85: {  	p1 =	sle.u32 s6, $0x9;
	s7 =	rddreg [dreg:$0x19];
	[sflag:s28] =	ssyncadd.s32 $0xFFFFC000  }
0x86: {  	[spmem:s3] =	stream.indirect.scatter.add.f32 [tilespmem:s23], [sflag:$0x3], $0x80, s7, s26, $0xb8;
	[tilespmem:$0x1C080] =	vst v63  }
0x87: {  	s10 =	simm.s32 @!p1 $0x4800;
	_ =	swait.ge [sflag:s24], $0x4000  }
0x88: {  	s11 =	simm.s32 @!p1 $0x800;
	s1 =	rddreg [dreg:$0xb];
	[sflag:s24] =	ssyncset.done $0x0  }
0x89: {  	s7 =	simm.s32 @!p1 $0x400;
	[sflag:s24] =	ssyncadd.s32 $0xFFFFC000;
	s1 =	sadd.s32 @!p1 s13, s1  }
0x8a: {  	[tilespmem:s10], [sflag:$0x2] =	stream.strided.gather @!p1 [hbm4b:s1+s7], $0x4000, s11, s7, $0x38;
	[tilespmem:$0x1C080] =	vst v63  }
0x8b: {  	_ =	swait.ge [sflag:s25], $0x4000  }
0x8c: {  	[sflag:s25] =	ssyncset.done $0x0  }
0x8d: {  	[sflag:s25] =	ssyncadd.s32 $0xFFFFC000  }
0x8e: {  	[spmem:s3] =	stream.indirect.scatter.add.f32 [tilespmem:s22], [sflag:$0x3], $0x80, s21, s26, $0xb8;
	[tilespmem:$0x1C080] =	vst v63  }
0x8f: {  	p1 =	sle.u32 s6, $0xA;
	_ =	swait.ge [sflag:s24], $0x4000  }
0x90: {  	s7 =	simm.s32 @!p1 $0x400;
	s1 =	rddreg [dreg:$0xa];
	[sflag:s24] =	ssyncset.done $0x0  }
0x91: {  	s10 =	simm.s32 @!p1 $0x800;
	[sflag:s24] =	ssyncadd.s32 $0xFFFFC000;
	s1 =	sadd.s32 @!p1 s13, s1  }
0x92: {  	[tilespmem:s10], [sflag:$0x1] =	stream.strided.gather @!p1 [hbm4b:s1+s7], $0x4000, s10, s7, $0x38;
	[tilespmem:$0x1C080] =	vst v63  }
0x93: {  	_ =	swait.ge [sflag:s28], $0x4000  }
0x94: {  	[sflag:s28] =	ssyncset.done $0x0  }
0x95: {  	p1 =	sle.u32 s6, $0xB;
	s10 =	rddreg [dreg:$0x1a];
	[sflag:s28] =	ssyncadd.s32 $0xFFFFC000  }
0x96: {  	[spmem:s3] =	stream.indirect.scatter.add.f32 [tilespmem:s23], [sflag:$0x3], $0x80, s10, s26, $0xb8;
	[tilespmem:$0x1C080] =	vst v63  }
0x97: {  	s7 =	simm.s32 @!p1 $0x400;
	_ =	swait.ge [sflag:s24], $0x4000  }
0x98: {  	s11 =	simm.s32 @!p1 $0x800;
	s1 =	rddreg [dreg:$0x9];
	[sflag:s24] =	ssyncset.done $0x0  }
0x99: {  	s10 =	simm.s32 @!p1 $0x4800;
	[sflag:s24] =	ssyncadd.s32 $0xFFFFC000;
	s1 =	sadd.s32 @!p1 s13, s1  }
0x9a: {  	[tilespmem:s10], [sflag:$0x2] =	stream.strided.gather @!p1 [hbm4b:s1+s7], $0x4000, s11, s7, $0x38;
	[tilespmem:$0x1C080] =	vst v63  }
0x9b: {  	_ =	swait.ge [sflag:s25], $0x4000  }
0x9c: {  	[sflag:s25] =	ssyncset.done $0x0  }
0x9d: {  	s11 =	rddreg [dreg:$0x1b];
	[sflag:s25] =	ssyncadd.s32 $0xFFFFC000  }
0x9e: {  	[spmem:s3] =	stream.indirect.scatter.add.f32 [tilespmem:s22], [sflag:$0x3], $0x80, s11, s26, $0xb8;
	[tilespmem:$0x1C080] =	vst v63  }
0x9f: {  	p1 =	sle.u32 s6, $0xC;
	_ =	swait.ge [sflag:s24], $0x4000  }
0xa0: {  	s7 =	simm.s32 @!p1 $0x400;
	s1 =	rddreg [dreg:$0x8];
	[sflag:s24] =	ssyncset.done $0x0  }
0xa1: {  	s10 =	simm.s32 @!p1 $0x800;
	[sflag:s24] =	ssyncadd.s32 $0xFFFFC000;
	s1 =	sadd.s32 @!p1 s13, s1  }
0xa2: {  	[tilespmem:s10], [sflag:$0x1] =	stream.strided.gather @!p1 [hbm4b:s1+s7], $0x4000, s10, s7, $0x38;
	[tilespmem:$0x1C080] =	vst v63  }
0xa3: {  	_ =	swait.ge [sflag:s28], $0x4000  }
0xa4: {  	[sflag:s28] =	ssyncset.done $0x0  }
0xa5: {  	p1 =	sle.u32 s6, $0xD;
	s12 =	rddreg [dreg:$0x1c];
	[sflag:s28] =	ssyncadd.s32 $0xFFFFC000  }
0xa6: {  	[spmem:s3] =	stream.indirect.scatter.add.f32 [tilespmem:s23], [sflag:$0x3], $0x80, s12, s26, $0xb8;
	[tilespmem:$0x1C080] =	vst v63  }
0xa7: {  	s7 =	simm.s32 @!p1 $0x400;
	_ =	swait.ge [sflag:s24], $0x4000  }
0xa8: {  	s10 =	simm.s32 @!p1 $0x4800;
	s1 =	rddreg [dreg:$0x7];
	[sflag:s24] =	ssyncset.done $0x0  }
0xa9: {  	s11 =	simm.s32 @!p1 $0x800;
	[sflag:s24] =	ssyncadd.s32 $0xFFFFC000;
	s1 =	sadd.s32 @!p1 s13, s1  }
0xaa: {  	[tilespmem:s10], [sflag:$0x2] =	stream.strided.gather @!p1 [hbm4b:s1+s7], $0x4000, s11, s7, $0x38;
	[tilespmem:$0x1C080] =	vst v63  }
0xab: {  	_ =	swait.ge [sflag:s25], $0x4000  }
0xac: {  	[sflag:s25] =	ssyncset.done $0x0  }
0xad: {  	s14 =	rddreg [dreg:$0x1d];
	[sflag:s25] =	ssyncadd.s32 $0xFFFFC000  }
0xae: {  	[spmem:s3] =	stream.indirect.scatter.add.f32 [tilespmem:s22], [sflag:$0x3], $0x80, s14, s26, $0xb8;
	[tilespmem:$0x1C080] =	vst v63  }
0xaf: {  	p1 =	sle.u32 s6, $0xE;
	_ =	swait.ge [sflag:s24], $0x4000  }
0xb0: {  	s7 =	simm.s32 @!p1 $0x400;
	s1 =	rddreg [dreg:$0x6];
	[sflag:s24] =	ssyncset.done $0x0  }
0xb1: {  	s10 =	simm.s32 @!p1 $0x800;
	[sflag:s24] =	ssyncadd.s32 $0xFFFFC000;
	s1 =	sadd.s32 @!p1 s13, s1  }
0xb2: {  	[tilespmem:s10], [sflag:$0x1] =	stream.strided.gather @!p1 [hbm4b:s1+s7], $0x4000, s10, s7, $0x38;
	[tilespmem:$0x1C080] =	vst v63  }
0xb3: {  	_ =	swait.ge [sflag:s28], $0x4000  }
0xb4: {  	[sflag:s28] =	ssyncset.done $0x0  }
0xb5: {  	p1 =	sle.u32 s6, $0xF;
	s15 =	rddreg [dreg:$0x1e];
	[sflag:s28] =	ssyncadd.s32 $0xFFFFC000  }
0xb6: {  	[spmem:s3] =	stream.indirect.scatter.add.f32 [tilespmem:s23], [sflag:$0x3], $0x80, s15, s26, $0xb8;
	[tilespmem:$0x1C080] =	vst v63  }
0xb7: {  	s7 =	simm.s32 @!p1 $0x400;
	_ =	swait.ge [sflag:s24], $0x4000  }
0xb8: {  	s10 =	simm.s32 @!p1 $0x4800;
	s1 =	rddreg [dreg:$0x5];
	[sflag:s24] =	ssyncset.done $0x0  }
0xb9: {  	s11 =	simm.s32 @!p1 $0x800;
	[sflag:s24] =	ssyncadd.s32 $0xFFFFC000;
	s1 =	sadd.s32 @!p1 s13, s1  }
0xba: {  	[tilespmem:s10], [sflag:$0x2] =	stream.strided.gather @!p1 [hbm4b:s1+s7], $0x4000, s11, s7, $0x38;
	[tilespmem:$0x1C080] =	vst v63  }
0xbb: {  	_ =	swait.ge [sflag:s25], $0x4000  }
0xbc: {  	[sflag:s25] =	ssyncset.done $0x0  }
0xbd: {  	s16 =	rddreg [dreg:$0x1f];
	[sflag:s25] =	ssyncadd.s32 $0xFFFFC000  }
0xbe: {  	[spmem:s3] =	stream.indirect.scatter.add.f32 [tilespmem:s22], [sflag:$0x3], $0x80, s16, s26, $0xb8;
	[tilespmem:$0x1C080] =	vst v63  }
0xbf: {  	p1 =	sle.u32 s6, $0x10;
	_ =	swait.ge [sflag:s24], $0x4000  }
0xc0: {  	s1 =	sshrl.u32 @!p1 s19, $0x3;
	s7 =	simm.s32 @!p1 $0x800;
	[sflag:s24] =	ssyncset.done $0x0  }
0xc1: {  	s10 =	simm.s32 @!p1 $0x400;
	s1 =	sadd.s32 @!p1 s13, s1;
	[sflag:s24] =	ssyncadd.s32 $0xFFFFC000  }
0xc2: {  	[tilespmem:s7], [sflag:$0x1] =	stream.strided.gather @!p1 [hbm4b:s1+s10], $0x4000, s7, s10, $0x38;
	[tilespmem:$0x1C080] =	vst v63  }
0xc3: {  	_ =	swait.ge [sflag:s28], $0x4000  }
0xc4: {  	p2 =	sle.u32 s6, $0x11;
	s17 =	sld [smem:$0x7FD]  }
0xc5: {  	s12 =	sadd.s32 $0x80000, s19;
	p1 =	sne.s32 s6, $0x10;
	[sflag:s28] =	ssyncset.done $0x0  }
.Ltmp0:
0xc6: {  	s15 =	simm.s32 @!p2 $0x400;
	[sflag:s28] =	ssyncadd.s32 $0xFFFFC000;
	(pc) =	sbr.rel @!p1 .LBB2_3-.Ltmp0, $4  }
0xc7: {  	[spmem:s3] =	stream.indirect.scatter.add.f32 [tilespmem:s23], [sflag:$0x3], $0x80, s17, s26, $0xb8;
	[tilespmem:$0x1C080] =	vst v63  }
0xc8: {  	s11 =	sadd.s32 $0x100, s20;
	s16 =	simm.s32 @!p2 $0x4800;
	_ =	swait.ge [sflag:s24], $0x4000  }
0xc9: {  	s10 =	simm.s32 $0x10;
	s7 =	simm.s32 @!p2 $0x800;
	[sflag:s24] =	ssyncset.done $0x0  }
0xca: {  	s1 =	smov.u32 s13;
	s14 =	rddreg [dreg:$0x13];
	[sflag:s24] =	ssyncadd.s32 $0xFFFFC000  }
.LBB2_2:
0xcb: {  	s17 =	sadd.s32 @!p2 s1, s14  }
0xcc: {  	[tilespmem:s16], [sflag:$0x2] =	stream.strided.gather @!p2 [hbm4b:s17+s15], $0x4000, s7, s15, $0x38;
	[tilespmem:$0x1C080] =	vst v63  }
0xcd: {  	_ = 	snop  }
0xce: {  	[tilespmem:s4], [sflag:$0x3] =	stream.linear.gather [hbm4b:s11+s4], $0x800, $0x38;
	[tilespmem:$0x1C080] =	vst v63  }
0xcf: {  	_ =	swait.ge [sflag:s24], $0x800  }
0xd0: {  	[sflag:s24] =	ssyncset.done $0x0  }
0xd1: {  	[sflag:s24] =	ssyncadd.s32 $0xFFFFF800  }
0xd2: {  	_ =	swait.ge [sflag:s25], $0x4000  }
0xd3: {  	s14 =	smov.u32 s10;
	[sflag:s25] =	ssyncset.done $0x0  }
0xd4: {  	s16 =	sadd.s32 $0x2, s14;
	[sflag:s25] =	ssyncadd.s32 $0xFFFFC000  }
0xd5: {  	[spmem:s3] =	stream.indirect.scatter.add.f32 [tilespmem:s22], [sflag:$0x3], $0x80, s4, s26, $0xb8;
	[tilespmem:$0x1C080] =	vst v63  }
0xd6: {  	s1 =	sadd.s32 $0x10000, s1;
	p2 =	sge.u32 s16, s6;
	_ =	swait.ge [sflag:s24], $0x4000  }
0xd7: {  	s15 =	simm.s32 @!p2 $0x400;
	s7 =	rddreg [dreg:$0x12];
	[sflag:s24] =	ssyncset.done $0x0  }
0xd8: {  	s16 =	simm.s32 @!p2 $0x800;
	[sflag:s24] =	ssyncadd.s32 $0xFFFFC000;
	s7 =	sadd.s32 @!p2 s1, s7  }
0xd9: {  	[tilespmem:s16], [sflag:$0x1] =	stream.strided.gather @!p2 [hbm4b:s7+s15], $0x4000, s16, s15, $0x38;
	[tilespmem:$0x1C080] =	vst v63  }
0xda: {  	_ =	swait.ge [sflag:s28], $0x4000  }
0xdb: {  	s17 =	sadd.s32 $0x3, s14;
	[sflag:s28] =	ssyncset.done $0x0  }
0xdc: {  	p2 =	sge.u32 s17, s6;
	[sflag:s28] =	ssyncadd.s32 $0xFFFFC000  }
0xdd: {  	[spmem:s3] =	stream.indirect.scatter.add.f32 [tilespmem:s23], [sflag:$0x3], $0x80, s26, s26, $0xb8;
	[tilespmem:$0x1C080] =	vst v63  }
0xde: {  	s7 =	simm.s32 @!p2 $0x400;
	_ =	swait.ge [sflag:s24], $0x4000  }
0xdf: {  	s16 =	simm.s32 @!p2 $0x4800;
	s15 =	rddreg [dreg:$0x11];
	[sflag:s24] =	ssyncset.done $0x0  }
0xe0: {  	s17 =	simm.s32 @!p2 $0x800;
	[sflag:s24] =	ssyncadd.s32 $0xFFFFC000;
	s15 =	sadd.s32 @!p2 s1, s15  }
0xe1: {  	[tilespmem:s16], [sflag:$0x2] =	stream.strided.gather @!p2 [hbm4b:s15+s7], $0x4000, s17, s7, $0x38;
	[tilespmem:$0x1C080] =	vst v63  }
0xe2: {  	_ =	swait.ge [sflag:s25], $0x4000  }
0xe3: {  	[sflag:s25] =	ssyncset.done $0x0  }
0xe4: {  	s17 =	sadd.s32 $0x4, s14;
	s16 =	rddreg [dreg:$0x14];
	[sflag:s25] =	ssyncadd.s32 $0xFFFFC000  }
0xe5: {  	[spmem:s3] =	stream.indirect.scatter.add.f32 [tilespmem:s22], [sflag:$0x3], $0x80, s16, s26, $0xb8;
	[tilespmem:$0x1C080] =	vst v63  }
0xe6: {  	p2 =	sge.u32 s17, s6;
	_ =	swait.ge [sflag:s24], $0x4000  }
0xe7: {  	s7 =	simm.s32 @!p2 $0x400;
	s15 =	rddreg [dreg:$0x10];
	[sflag:s24] =	ssyncset.done $0x0  }
0xe8: {  	s16 =	simm.s32 @!p2 $0x800;
	[sflag:s24] =	ssyncadd.s32 $0xFFFFC000;
	s15 =	sadd.s32 @!p2 s1, s15  }
0xe9: {  	[tilespmem:s16], [sflag:$0x1] =	stream.strided.gather @!p2 [hbm4b:s15+s7], $0x4000, s16, s7, $0x38;
	[tilespmem:$0x1C080] =	vst v63  }
0xea: {  	_ =	swait.ge [sflag:s28], $0x4000  }
0xeb: {  	s17 =	sadd.s32 $0x5, s14;
	[sflag:s28] =	ssyncset.done $0x0  }
0xec: {  	p2 =	sge.u32 s17, s6;
	s16 =	rddreg [dreg:$0x15];
	[sflag:s28] =	ssyncadd.s32 $0xFFFFC000  }
0xed: {  	[spmem:s3] =	stream.indirect.scatter.add.f32 [tilespmem:s23], [sflag:$0x3], $0x80, s16, s26, $0xb8;
	[tilespmem:$0x1C080] =	vst v63  }
0xee: {  	s7 =	simm.s32 @!p2 $0x400;
	_ =	swait.ge [sflag:s24], $0x4000  }
0xef: {  	s17 =	simm.s32 @!p2 $0x800;
	s15 =	rddreg [dreg:$0xf];
	[sflag:s24] =	ssyncset.done $0x0  }
0xf0: {  	s16 =	simm.s32 @!p2 $0x4800;
	[sflag:s24] =	ssyncadd.s32 $0xFFFFC000;
	s15 =	sadd.s32 @!p2 s1, s15  }
0xf1: {  	[tilespmem:s16], [sflag:$0x2] =	stream.strided.gather @!p2 [hbm4b:s15+s7], $0x4000, s17, s7, $0x38;
	[tilespmem:$0x1C080] =	vst v63  }
0xf2: {  	_ =	swait.ge [sflag:s25], $0x4000  }
0xf3: {  	[sflag:s25] =	ssyncset.done $0x0  }
0xf4: {  	s17 =	sadd.s32 $0x6, s14;
	s16 =	rddreg [dreg:$0x16];
	[sflag:s25] =	ssyncadd.s32 $0xFFFFC000  }
0xf5: {  	[spmem:s3] =	stream.indirect.scatter.add.f32 [tilespmem:s22], [sflag:$0x3], $0x80, s16, s26, $0xb8;
	[tilespmem:$0x1C080] =	vst v63  }
0xf6: {  	p2 =	sge.u32 s17, s6;
	_ =	swait.ge [sflag:s24], $0x4000  }
0xf7: {  	s7 =	simm.s32 @!p2 $0x400;
	s15 =	rddreg [dreg:$0xe];
	[sflag:s24] =	ssyncset.done $0x0  }
0xf8: {  	s16 =	simm.s32 @!p2 $0x800;
	[sflag:s24] =	ssyncadd.s32 $0xFFFFC000;
	s15 =	sadd.s32 @!p2 s1, s15  }
0xf9: {  	[tilespmem:s16], [sflag:$0x1] =	stream.strided.gather @!p2 [hbm4b:s15+s7], $0x4000, s16, s7, $0x38;
	[tilespmem:$0x1C080] =	vst v63  }
0xfa: {  	_ =	swait.ge [sflag:s28], $0x4000  }
0xfb: {  	s17 =	sadd.s32 $0x7, s14;
	[sflag:s28] =	ssyncset.done $0x0  }
0xfc: {  	p2 =	sge.u32 s17, s6;
	s16 =	rddreg [dreg:$0x17];
	[sflag:s28] =	ssyncadd.s32 $0xFFFFC000  }
0xfd: {  	[spmem:s3] =	stream.indirect.scatter.add.f32 [tilespmem:s23], [sflag:$0x3], $0x80, s16, s26, $0xb8;
	[tilespmem:$0x1C080] =	vst v63  }
0xfe: {  	s7 =	simm.s32 @!p2 $0x400;
	_ =	swait.ge [sflag:s24], $0x4000  }
0xff: {  	s17 =	simm.s32 @!p2 $0x800;
	s15 =	rddreg [dreg:$0xd];
	[sflag:s24] =	ssyncset.done $0x0  }
0x100: {  	s16 =	simm.s32 @!p2 $0x4800;
	[sflag:s24] =	ssyncadd.s32 $0xFFFFC000;
	s15 =	sadd.s32 @!p2 s1, s15  }
0x101: {  	[tilespmem:s16], [sflag:$0x2] =	stream.strided.gather @!p2 [hbm4b:s15+s7], $0x4000, s17, s7, $0x38;
	[tilespmem:$0x1C080] =	vst v63  }
0x102: {  	_ =	swait.ge [sflag:s25], $0x4000  }
0x103: {  	[sflag:s25] =	ssyncset.done $0x0  }
0x104: {  	s17 =	sadd.s32 $0x8, s14;
	s16 =	rddreg [dreg:$0x18];
	[sflag:s25] =	ssyncadd.s32 $0xFFFFC000  }
0x105: {  	[spmem:s3] =	stream.indirect.scatter.add.f32 [tilespmem:s22], [sflag:$0x3], $0x80, s16, s26, $0xb8;
	[tilespmem:$0x1C080] =	vst v63  }
0x106: {  	p2 =	sge.u32 s17, s6;
	_ =	swait.ge [sflag:s24], $0x4000  }
0x107: {  	s7 =	simm.s32 @!p2 $0x400;
	s15 =	rddreg [dreg:$0xc];
	[sflag:s24] =	ssyncset.done $0x0  }
0x108: {  	s16 =	simm.s32 @!p2 $0x800;
	[sflag:s24] =	ssyncadd.s32 $0xFFFFC000;
	s15 =	sadd.s32 @!p2 s1, s15  }
0x109: {  	[tilespmem:s16], [sflag:$0x1] =	stream.strided.gather @!p2 [hbm4b:s15+s7], $0x4000, s16, s7, $0x38;
	[tilespmem:$0x1C080] =	vst v63  }
0x10a: {  	_ =	swait.ge [sflag:s28], $0x4000  }
0x10b: {  	s16 =	sadd.s32 $0x9, s14;
	[sflag:s28] =	ssyncset.done $0x0  }
0x10c: {  	p2 =	sge.u32 s16, s6;
	s15 =	rddreg [dreg:$0x19];
	[sflag:s28] =	ssyncadd.s32 $0xFFFFC000  }
0x10d: {  	[spmem:s3] =	stream.indirect.scatter.add.f32 [tilespmem:s23], [sflag:$0x3], $0x80, s15, s26, $0xb8;
	[tilespmem:$0x1C080] =	vst v63  }
0x10e: {  	s7 =	simm.s32 @!p2 $0x400;
	_ =	swait.ge [sflag:s24], $0x4000  }
0x10f: {  	s16 =	simm.s32 @!p2 $0x4800;
	s15 =	rddreg [dreg:$0xb];
	[sflag:s24] =	ssyncset.done $0x0  }
0x110: {  	s17 =	simm.s32 @!p2 $0x800;
	[sflag:s24] =	ssyncadd.s32 $0xFFFFC000;
	s15 =	sadd.s32 @!p2 s1, s15  }
0x111: {  	[tilespmem:s16], [sflag:$0x2] =	stream.strided.gather @!p2 [hbm4b:s15+s7], $0x4000, s17, s7, $0x38;
	[tilespmem:$0x1C080] =	vst v63  }
0x112: {  	_ =	swait.ge [sflag:s25], $0x4000  }
0x113: {  	[sflag:s25] =	ssyncset.done $0x0  }
0x114: {  	s17 =	sadd.s32 $0xA, s14;
	[sflag:s25] =	ssyncadd.s32 $0xFFFFC000  }
0x115: {  	[spmem:s3] =	stream.indirect.scatter.add.f32 [tilespmem:s22], [sflag:$0x3], $0x80, s21, s26, $0xb8;
	[tilespmem:$0x1C080] =	vst v63  }
0x116: {  	p2 =	sge.u32 s17, s6;
	_ =	swait.ge [sflag:s24], $0x4000  }
0x117: {  	s7 =	simm.s32 @!p2 $0x400;
	s15 =	rddreg [dreg:$0xa];
	[sflag:s24] =	ssyncset.done $0x0  }
0x118: {  	s16 =	simm.s32 @!p2 $0x800;
	[sflag:s24] =	ssyncadd.s32 $0xFFFFC000;
	s15 =	sadd.s32 @!p2 s1, s15  }
0x119: {  	[tilespmem:s16], [sflag:$0x1] =	stream.strided.gather @!p2 [hbm4b:s15+s7], $0x4000, s16, s7, $0x38;
	[tilespmem:$0x1C080] =	vst v63  }
0x11a: {  	_ =	swait.ge [sflag:s28], $0x4000  }
0x11b: {  	s17 =	sadd.s32 $0xB, s14;
	[sflag:s28] =	ssyncset.done $0x0  }
0x11c: {  	p2 =	sge.u32 s17, s6;
	s16 =	rddreg [dreg:$0x1a];
	[sflag:s28] =	ssyncadd.s32 $0xFFFFC000  }
0x11d: {  	[spmem:s3] =	stream.indirect.scatter.add.f32 [tilespmem:s23], [sflag:$0x3], $0x80, s16, s26, $0xb8;
	[tilespmem:$0x1C080] =	vst v63  }
0x11e: {  	s7 =	simm.s32 @!p2 $0x400;
	_ =	swait.ge [sflag:s24], $0x4000  }
0x11f: {  	s17 =	simm.s32 @!p2 $0x800;
	s15 =	rddreg [dreg:$0x9];
	[sflag:s24] =	ssyncset.done $0x0  }
0x120: {  	s16 =	simm.s32 @!p2 $0x4800;
	[sflag:s24] =	ssyncadd.s32 $0xFFFFC000;
	s15 =	sadd.s32 @!p2 s1, s15  }
0x121: {  	[tilespmem:s16], [sflag:$0x2] =	stream.strided.gather @!p2 [hbm4b:s15+s7], $0x4000, s17, s7, $0x38;
	[tilespmem:$0x1C080] =	vst v63  }
0x122: {  	_ =	swait.ge [sflag:s25], $0x4000  }
0x123: {  	[sflag:s25] =	ssyncset.done $0x0  }
0x124: {  	s17 =	sadd.s32 $0xC, s14;
	s16 =	rddreg [dreg:$0x1b];
	[sflag:s25] =	ssyncadd.s32 $0xFFFFC000  }
0x125: {  	[spmem:s3] =	stream.indirect.scatter.add.f32 [tilespmem:s22], [sflag:$0x3], $0x80, s16, s26, $0xb8;
	[tilespmem:$0x1C080] =	vst v63  }
0x126: {  	p2 =	sge.u32 s17, s6;
	_ =	swait.ge [sflag:s24], $0x4000  }
0x127: {  	s7 =	simm.s32 @!p2 $0x400;
	s15 =	rddreg [dreg:$0x8];
	[sflag:s24] =	ssyncset.done $0x0  }
0x128: {  	s16 =	simm.s32 @!p2 $0x800;
	[sflag:s24] =	ssyncadd.s32 $0xFFFFC000;
	s15 =	sadd.s32 @!p2 s1, s15  }
0x129: {  	[tilespmem:s16], [sflag:$0x1] =	stream.strided.gather @!p2 [hbm4b:s15+s7], $0x4000, s16, s7, $0x38;
	[tilespmem:$0x1C080] =	vst v63  }
0x12a: {  	_ =	swait.ge [sflag:s28], $0x4000  }
0x12b: {  	s17 =	sadd.s32 $0xD, s14;
	[sflag:s28] =	ssyncset.done $0x0  }
0x12c: {  	p2 =	sge.u32 s17, s6;
	s16 =	rddreg [dreg:$0x1c];
	[sflag:s28] =	ssyncadd.s32 $0xFFFFC000  }
0x12d: {  	[spmem:s3] =	stream.indirect.scatter.add.f32 [tilespmem:s23], [sflag:$0x3], $0x80, s16, s26, $0xb8;
	[tilespmem:$0x1C080] =	vst v63  }
0x12e: {  	s7 =	simm.s32 @!p2 $0x400;
	_ =	swait.ge [sflag:s24], $0x4000  }
0x12f: {  	s17 =	simm.s32 @!p2 $0x800;
	s15 =	rddreg [dreg:$0x7];
	[sflag:s24] =	ssyncset.done $0x0  }
0x130: {  	s16 =	simm.s32 @!p2 $0x4800;
	[sflag:s24] =	ssyncadd.s32 $0xFFFFC000;
	s15 =	sadd.s32 @!p2 s1, s15  }
0x131: {  	[tilespmem:s16], [sflag:$0x2] =	stream.strided.gather @!p2 [hbm4b:s15+s7], $0x4000, s17, s7, $0x38;
	[tilespmem:$0x1C080] =	vst v63  }
0x132: {  	_ =	swait.ge [sflag:s25], $0x4000  }
0x133: {  	[sflag:s25] =	ssyncset.done $0x0  }
0x134: {  	s17 =	sadd.s32 $0xE, s14;
	s16 =	rddreg [dreg:$0x1d];
	[sflag:s25] =	ssyncadd.s32 $0xFFFFC000  }
0x135: {  	[spmem:s3] =	stream.indirect.scatter.add.f32 [tilespmem:s22], [sflag:$0x3], $0x80, s16, s26, $0xb8;
	[tilespmem:$0x1C080] =	vst v63  }
0x136: {  	p2 =	sge.u32 s17, s6;
	_ =	swait.ge [sflag:s24], $0x4000  }
0x137: {  	s7 =	simm.s32 @!p2 $0x400;
	s15 =	rddreg [dreg:$0x6];
	[sflag:s24] =	ssyncset.done $0x0  }
0x138: {  	s16 =	simm.s32 @!p2 $0x800;
	[sflag:s24] =	ssyncadd.s32 $0xFFFFC000;
	s15 =	sadd.s32 @!p2 s1, s15  }
0x139: {  	[tilespmem:s16], [sflag:$0x1] =	stream.strided.gather @!p2 [hbm4b:s15+s7], $0x4000, s16, s7, $0x38;
	[tilespmem:$0x1C080] =	vst v63  }
0x13a: {  	_ =	swait.ge [sflag:s28], $0x4000  }
0x13b: {  	s17 =	sadd.s32 $0xF, s14;
	[sflag:s28] =	ssyncset.done $0x0  }
0x13c: {  	p2 =	sge.u32 s17, s6;
	s16 =	rddreg [dreg:$0x1e];
	[sflag:s28] =	ssyncadd.s32 $0xFFFFC000  }
0x13d: {  	[spmem:s3] =	stream.indirect.scatter.add.f32 [tilespmem:s23], [sflag:$0x3], $0x80, s16, s26, $0xb8;
	[tilespmem:$0x1C080] =	vst v63  }
0x13e: {  	s7 =	simm.s32 @!p2 $0x400;
	_ =	swait.ge [sflag:s24], $0x4000  }
0x13f: {  	s17 =	simm.s32 @!p2 $0x800;
	s15 =	rddreg [dreg:$0x5];
	[sflag:s24] =	ssyncset.done $0x0  }
0x140: {  	s16 =	simm.s32 @!p2 $0x4800;
	[sflag:s24] =	ssyncadd.s32 $0xFFFFC000;
	s15 =	sadd.s32 @!p2 s1, s15  }
0x141: {  	[tilespmem:s16], [sflag:$0x2] =	stream.strided.gather @!p2 [hbm4b:s15+s7], $0x4000, s17, s7, $0x38;
	[tilespmem:$0x1C080] =	vst v63  }
0x142: {  	_ =	swait.ge [sflag:s25], $0x4000  }
0x143: {  	[sflag:s25] =	ssyncset.done $0x0  }
0x144: {  	s10 =	sadd.s32 $0x10, s10;
	s15 =	rddreg [dreg:$0x1f];
	[sflag:s25] =	ssyncadd.s32 $0xFFFFC000  }
0x145: {  	[spmem:s3] =	stream.indirect.scatter.add.f32 [tilespmem:s22], [sflag:$0x3], $0x80, s15, s26, $0xb8;
	[tilespmem:$0x1C080] =	vst v63  }
0x146: {  	p2 =	sge.u32 s10, s6;
	_ =	swait.ge [sflag:s24], $0x4000  }
0x147: {  	s7 =	sshrl.u32 @!p2 s12, $0x3;
	s16 =	simm.s32 @!p2 $0x400;
	[sflag:s24] =	ssyncset.done $0x0  }
0x148: {  	s7 =	sadd.s32 @!p2 s13, s7;
	s15 =	simm.s32 @!p2 $0x800;
	[sflag:s24] =	ssyncadd.s32 $0xFFFFC000  }
0x149: {  	[tilespmem:s15], [sflag:$0x1] =	stream.strided.gather @!p2 [hbm4b:s7+s16], $0x4000, s15, s16, $0x38;
	[tilespmem:$0x1C080] =	vst v63  }
0x14a: {  	_ =	swait.ge [sflag:s28], $0x4000  }
0x14b: {  	s16 =	sld [smem:$0x7FD]  }
0x14c: {  	p1 =	sne.s32 s6, s10;
	s11 =	sadd.s32 $0x100, s11;
	[sflag:s28] =	ssyncset.done $0x0  }
.Ltmp1:
0x14d: {  	s17 =	sadd.s32 $0x11, s14;
	[sflag:s28] =	ssyncadd.s32 $0xFFFFC000;
	(pc) =	sbr.rel @p1 .LBB2_2-.Ltmp1, $4  }
0x14e: {  	[spmem:s3] =	stream.indirect.scatter.add.f32 [tilespmem:s23], [sflag:$0x3], $0x80, s16, s26, $0xb8;
	[tilespmem:$0x1C080] =	vst v63  }
0x14f: {  	s12 =	sadd.s32 $0x80000, s12;
	p2 =	sge.u32 s17, s6;
	_ =	swait.ge [sflag:s24], $0x4000  }
0x150: {  	s15 =	simm.s32 @!p2 $0x400;
	s7 =	simm.s32 @!p2 $0x800;
	[sflag:s24] =	ssyncset.done $0x0  }
0x151: {  	s16 =	simm.s32 @!p2 $0x4800;
	s14 =	rddreg [dreg:$0x13];
	[sflag:s24] =	ssyncadd.s32 $0xFFFFC000  }
.LBB2_3:
0x152: {  	s1 =	sadd.s32 @!p2 s1, s14  }
0x153: {  	[tilespmem:s16], [sflag:$0x2] =	stream.strided.gather @!p2 [hbm4b:s1+s15], $0x4000, s7, s15, $0x38;
	[tilespmem:$0x1C080] =	vst v63  }
0x154: {  	s7 =	sld [smem:$0x7F7];
	_ =	sdelay $0x1  }
0x155: {  	s1 =	simm.s32 @p0 $0x0  }
0x156: {  	[tilespmem:s1], [sflag:$0x3] =	stream.linear.gather @p0 [hbm4b:s7+s1], $0x800, $0x38;
	[tilespmem:$0x1C080] =	vst v63  }
0x157: {  	_ =	swait.ge @p0 [sflag:s31], $0x800  }
0x158: {  	s11 =	sld [smem:$0x7F8]  }
0x159: {  	[sflag:s31] =	ssyncset.done @p0 $0x0  }
0x15a: {  	s10 =	simm.s32 @p0 $0x800;
	s7 =	simm.s32 @p0 $0x400;
	[sflag:s31] =	ssyncadd.s32 @p0 $0xFFFFF800  }
0x15b: {  	[tilespmem:s10], [sflag:$0x3] =	stream.strided.gather @p0 [hbm4b:s11+s7], $0x4000, s10, s7, $0x38;
	[tilespmem:$0x1C080] =	vst v63  }
0x15c: {  	_ =	swait.ge @p0 [sflag:s31], $0x4000  }
0x15d: {  	[sflag:s31] =	ssyncset.done @p0 $0x0  }
0x15e: {  	s11 =	simm.s32 @p0 $0x80;
	[sflag:s31] =	ssyncadd.s32 @p0 $0xFFFFC000  }
0x15f: {  	[spmem:s3] =	stream.indirect.scatter.add.f32 @p0 [tilespmem:s10], [sflag:$0x3], $0x80, s1, s11, $0xb8;
	[tilespmem:$0x1C080] =	vst v63  }
0x160: {  	_ =	swait.ge @p0 [sflag:s31], $0x4000  }
0x161: {  	s1 =	sld [smem:$0x7F9]  }
0x162: {  	[sflag:s31] =	ssyncset.done @p0 $0x0  }
0x163: {  	[sflag:s31] =	ssyncadd.s32 @p0 $0xFFFFC000  }
0x164: {  	[tilespmem:s10], [sflag:$0x3] =	stream.strided.gather @p0 [hbm4b:s1+s7], $0x4000, s10, s7, $0x38;
	[tilespmem:$0x1C080] =	vst v63  }
0x165: {  	_ =	swait.ge @p0 [sflag:s31], $0x4000  }
0x166: {  	[sflag:s31] =	ssyncset.done @p0 $0x0  }
0x167: {  	[sflag:s31] =	ssyncadd.s32 @p0 $0xFFFFC000  }
0x168: {  	[spmem:s3] =	stream.indirect.scatter.add.f32 @p0 [tilespmem:s10], [sflag:$0x3], $0x80, s11, s11, $0xb8;
	[tilespmem:$0x1C080] =	vst v63  }
0x169: {  	_ =	swait.ge @p0 [sflag:s31], $0x4000  }
0x16a: {  	s1 =	sld [smem:$0x7FA]  }
0x16b: {  	[sflag:s31] =	ssyncset.done @p0 $0x0  }
0x16c: {  	[sflag:s31] =	ssyncadd.s32 @p0 $0xFFFFC000  }
0x16d: {  	[tilespmem:s10], [sflag:$0x3] =	stream.strided.gather @p0 [hbm4b:s1+s7], $0x4000, s10, s7, $0x38;
	[tilespmem:$0x1C080] =	vst v63  }
0x16e: {  	_ =	swait.ge @p0 [sflag:s31], $0x4000  }
0x16f: {  	[sflag:s31] =	ssyncset.done @p0 $0x0  }
0x170: {  	s1 =	simm.s32 @p0 $0x100;
	[sflag:s31] =	ssyncadd.s32 @p0 $0xFFFFC000  }
0x171: {  	[spmem:s3] =	stream.indirect.scatter.add.f32 @p0 [tilespmem:s10], [sflag:$0x3], $0x80, s1, s11, $0xb8;
	[tilespmem:$0x1C080] =	vst v63  }
0x172: {  	_ =	swait.ge @p0 [sflag:s31], $0x4000  }
0x173: {  	s1 =	sld [smem:$0x7FB]  }
0x174: {  	[sflag:s31] =	ssyncset.done @p0 $0x0  }
0x175: {  	[sflag:s31] =	ssyncadd.s32 @p0 $0xFFFFC000  }
0x176: {  	[tilespmem:s10], [sflag:$0x3] =	stream.strided.gather @p0 [hbm4b:s1+s7], $0x4000, s10, s7, $0x38;
	[tilespmem:$0x1C080] =	vst v63  }
0x177: {  	_ =	swait.ge @p0 [sflag:s31], $0x4000  }
0x178: {  	[sflag:s31] =	ssyncset.done @p0 $0x0  }
0x179: {  	s1 =	simm.s32 @p0 $0x180;
	[sflag:s31] =	ssyncadd.s32 @p0 $0xFFFFC000  }
0x17a: {  	[spmem:s3] =	stream.indirect.scatter.add.f32 @p0 [tilespmem:s10], [sflag:$0x3], $0x80, s1, s11, $0xb8;
	[tilespmem:$0x1C080] =	vst v63  }
0x17b: {  	_ =	swait.ge @p0 [sflag:s31], $0x4000  }
0x17c: {  	[sflag:s31] =	ssyncset.done @p0 $0x0  }
0x17d: {  	[sflag:s31] =	ssyncadd.s32 @p0 $0xFFFFC000  }
0x17e: {  	[bflag:$0x0] =	sbarrier.arrive @p0 $0xFFFF  }
0x17f: {  	s1 =	sld [smem:$0x7FC];
	_ =	sdelay $0x2  }
0x180: {  	[hbm:s1], [sflag:s2] =	dma.local @p0 [spmem:s30], $0x2080  }
0x181: {  	_ =	swait.ge @p0 [sflag:s31], $0x2080  }
0x182: {  	[sflag:s31] =	ssyncset.done @p0 $0x0  }
0x183: {  	[sflag:s31] =	ssyncadd.s32 @p0 $0xFFFFDF80  }
0x184: {  	[bflag:$0x0] =	sbarrier.arrive @!p0 $0xFFFF  }
0x185: {  	s29 =	sadd.s32 $0x1, s29;
	s1 =	sld [smem:$0x7F6]  }
0x186: {  	p1 =	sne.s32 s29, s18  }
.Ltmp2:
0x187: {  	_ = 	snop;
	(pc) =	sbr.rel @p1 .LBB2_1-.Ltmp2, $4  }
0x188: {  	[hbm:s1], [sflag:s8] =	dma.local @!p0 [spmem:s9], $0x2780  }
0x189: {  	_ =	swait.ge @!p0 [sflag:s0], $0x2780  }
0x18a: {  	[sflag:s0] =	ssyncset.done @!p0 $0x0  }
0x18b: {  	[sflag:s0] =	ssyncadd.s32 @!p0 $0xFFFFD880  }
0x18c: {  	_ =	sfence.sel $0x180000  }
0x18d: {  	[bflag:$0x0] =	sbarrier.arrive $0xFFFF  }
0x18e: {  	_ =	strace $0x90000047  }
0x18f: {  	s0 =	stileid.u32;
	[bflag:$0x2] =	sbarrier.arrive $0xFFFF  }
0x190: {  	p0 =	sne.s32 s0, $0x0;
	s0 =	rddreg [dreg:$0x4]  }
0x191: {  	s0 =	sadd.s32 @!p0 $0x100000, s0  }
0x192: {  	[sflag:s0] =	ssyncadd.tile.s32 @!p0 $0x1;
	_ =	shalt  }
.Lfunc_end2:
_tile_overlayer_lowered:
.L_overlay_start_2:
0x193: {  	(tag) =	ssettag $0x2  }
0x194: {  	s0 =	rddreg [dreg:$0x0];
	s2 =	stileid.u32  }
0x195: {  	s1 =	rddreg [dreg:$0x1];
	p0 =	sne.s32 s2, $0x0  }
0x196: {  	s3 =	rddreg [dreg:$0x2];
	[bflag:$0x3] =	sbarrier.arrive $0xFFFF;
	s2 =	simm.s32 @!p0 $0x1C03  }
0x197: {  	[timem:s3], [sflag:s2] =	dma.local @!p0 [hbm:s0], s1  }
0x198: {  	s0 =	simm.s32 @!p0 $0x3  }
0x199: {  	_ =	swait.ge @!p0 [sflag:s0], s1  }
0x19a: {  	s1 =	ssub.s32 @!p0 $0x0, s1;
	[sflag:s0] =	ssyncset.done @!p0 $0x0  }
0x19b: {  	[sflag:s0] =	ssyncadd.s32 @!p0 s1  }
0x19c: {  	[bflag:$0x3] =	sbarrier.arrive $0xFFFF  }
0x19d: {  	_ =	shalt  }

</sc_bundles>
